<compile_context>
chip_gen: v7x
topology: tpu7x:2x2x1
jax: 0.10.2.dev20260603
libtpu: 0.0.44.dev20260713+nightly
codegen_flags: <defaults>
</compile_context>

<pallas_src>
import functools

import jax
import jax.numpy as jnp
from jax import lax
from jax.experimental import pallas as pl
from jax.experimental.pallas import tpu as pltpu
from jax.experimental.pallas import tpu_sc as plsc

N = 10000
E = 320000
D_IN = 128
HID = 64
P = 50000

NR = 10240
NC, NS = 2, 16
TILES = NC * NS
CH = 128
ROWS = 80
EPAD = TILES * ROWS * CH
SLICE = NR // NS
PPT = 1600
PPAD = TILES * PPT
DW = 8


@functools.cache
def _sc_kernels():
    mesh = plsc.VectorSubcoreMesh(core_axis_name="c", subcore_axis_name="s")
    sc_params = pltpu.CompilerParams(use_tc_tiling_on_sc=False,
                                     needs_layout_passes=False)
    sc_params_tc_tiled = pltpu.CompilerParams(needs_layout_passes=False)

    @functools.partial(
        pl.kernel,
        mesh=mesh,
        out_type=[jax.ShapeDtypeStruct((NR,), jnp.float32),
                  jax.ShapeDtypeStruct((NR,), jnp.float32)],
        compiler_params=sc_params,
        scratch_types=[
            pltpu.VMEM((ROWS, CH), jnp.int32),
            pltpu.VMEM((CH,), jnp.float32),
            pltpu.VMEM_SHARED((NR,), jnp.float32),
            pltpu.SemaphoreType.DMA,
        ],
    )
    def deg_kernel(edges_hbm, ones_hbm, zeros_hbm, out0_hbm, out1_hbm,
                   idx_v, ones_v, acc, sem):
        cid = lax.axis_index("c")
        sid = lax.axis_index("s")
        g = cid * NS + sid
        pltpu.sync_copy(zeros_hbm.at[pl.ds(sid * SLICE, SLICE)],
                        acc.at[pl.ds(sid * SLICE, SLICE)])
        pltpu.sync_copy(ones_hbm, ones_v)
        pltpu.sync_copy(edges_hbm.at[1, pl.ds(g * ROWS, ROWS)], idx_v)
        plsc.subcore_barrier()

        @pl.loop(0, ROWS)
        def _(j):
            pltpu.async_copy(ones_v, acc.at[idx_v.at[j]], sem, add=True)

        @pl.loop(0, ROWS)
        def _(j):
            pltpu.make_async_copy(ones_v, acc.at[idx_v.at[j]], sem).wait()

        plsc.subcore_barrier()

        @pl.when(cid == 0)
        def _():
            pltpu.sync_copy(acc.at[pl.ds(sid * SLICE, SLICE)],
                            out0_hbm.at[pl.ds(sid * SLICE, SLICE)])

        @pl.when(cid == 1)
        def _():
            pltpu.sync_copy(acc.at[pl.ds(sid * SLICE, SLICE)],
                            out1_hbm.at[pl.ds(sid * SLICE, SLICE)])

    @functools.partial(
        pl.kernel,
        mesh=mesh,
        out_type=[jax.ShapeDtypeStruct((NR, HID), jnp.float32),
                  jax.ShapeDtypeStruct((NR, HID), jnp.float32)],
        compiler_params=sc_params,
        scratch_types=[
            pltpu.VMEM((ROWS, CH), jnp.int32),
            pltpu.VMEM((ROWS, CH), jnp.int32),
            [pltpu.VMEM((CH, HID), jnp.float32)] * 8,
            [pltpu.SemaphoreType.DMA] * 8,
            [pltpu.SemaphoreType.DMA] * 8,
            pltpu.VMEM_SHARED((NR, HID), jnp.float32),
        ],
    )
    def scatter_kernel(edges_hbm, m_hbm, zeros_hbm, out0_hbm, out1_hbm,
                       isrc, idst, bufs, gsems, ssems, acc):
        cid = lax.axis_index("c")
        sid = lax.axis_index("s")
        g = cid * NS + sid
        pltpu.sync_copy(zeros_hbm.at[pl.ds(sid * SLICE, SLICE)],
                        acc.at[pl.ds(sid * SLICE, SLICE)])
        pltpu.sync_copy(edges_hbm.at[0, pl.ds(g * ROWS, ROWS)], isrc)
        pltpu.sync_copy(edges_hbm.at[1, pl.ds(g * ROWS, ROWS)], idst)
        plsc.subcore_barrier()

        def gather(j, k):
            pltpu.async_copy(m_hbm.at[isrc.at[j]], bufs[k], gsems[k])

        def gather_wait(j, k):
            pltpu.make_async_copy(m_hbm.at[isrc.at[j]], bufs[k],
                                  gsems[k]).wait()

        def scat(j, k):
            pltpu.async_copy(bufs[k], acc.at[idst.at[j]], ssems[k], add=True)

        def scat_wait(j, k):
            pltpu.make_async_copy(bufs[k], acc.at[idst.at[j]],
                                  ssems[k]).wait()

        nb = 8
        for k in range(nb):
            gather(k, k)

        @pl.loop(0, ROWS // nb)
        def _(jj):
            j = jj * nb
            for k in range(nb):
                gather_wait(j + k, k)
                scat(j + k, k)
                kp = (k + nb // 2) % nb
                if k < nb // 2:
                    @pl.when(jj > 0)
                    def _():
                        scat_wait(j + k - nb // 2, kp)
                        gather(j + k + nb // 2, kp)
                else:
                    scat_wait(j + k - nb // 2, kp)

                    @pl.when(jj < ROWS // nb - 1)
                    def _():
                        gather(j + k + nb // 2, kp)

        for k in range(nb // 2, nb):
            scat_wait(ROWS - nb + k, k)
        plsc.subcore_barrier()

        @pl.when(cid == 0)
        def _():
            pltpu.sync_copy(acc.at[pl.ds(sid * SLICE, SLICE)],
                            out0_hbm.at[pl.ds(sid * SLICE, SLICE)])

        @pl.when(cid == 1)
        def _():
            pltpu.sync_copy(acc.at[pl.ds(sid * SLICE, SLICE)],
                            out1_hbm.at[pl.ds(sid * SLICE, SLICE)])

    @functools.partial(
        pl.kernel,
        mesh=mesh,
        out_type=jax.ShapeDtypeStruct((P,), jnp.float32),
        compiler_params=sc_params_tc_tiled,
        scratch_types=[
            pltpu.VMEM((PPT,), jnp.int32),
            pltpu.VMEM((PPT,), jnp.int32),
            pltpu.VMEM((2 * NR,), jnp.float32),
            pltpu.VMEM((PPT,), jnp.float32),
        ],
    )
    def pairs_kernel(pv_hbm, w_hbm, out_hbm, pa_v, pb_v, w_v, out_v):
        cid = lax.axis_index("c")
        sid = lax.axis_index("s")
        g = cid * NS + sid
        pltpu.sync_copy(w_hbm, w_v)
        pltpu.sync_copy(pv_hbm.at[pl.ds(g * PPT, PPT)], pa_v)
        pltpu.sync_copy(pv_hbm.at[pl.ds(PPAD + g * PPT, PPT)], pb_v)

        @pl.loop(0, PPT // 16)
        def _(i):
            ia = pa_v[pl.ds(i * 16, 16)]
            ib = pb_v[pl.ds(i * 16, 16)] + NR
            va = plsc.load_gather(w_v, [ia])
            vb = plsc.load_gather(w_v, [ib])
            out_v[pl.ds(i * 16, 16)] = va + vb

        @pl.when(g < TILES - 1)
        def _():
            pltpu.sync_copy(out_v, out_hbm.at[pl.ds(g * PPT, PPT)])

        @pl.when(g == TILES - 1)
        def _():
            pltpu.sync_copy(out_v.at[pl.ds(0, P - (TILES - 1) * PPT)],
                            out_hbm.at[pl.ds(g * PPT, P - (TILES - 1) * PPT)])

    return deg_kernel, scatter_kernel, pairs_kernel


BLK = 5120


def _dinv(d0_ref, d1_ref):
    return lax.rsqrt(d0_ref[...] + d1_ref[...] + 1.0)[:, None]


def _k1_body(d0_ref, d1_ref, x_ref, w_ref, m_ref):
    h = jnp.dot(x_ref[...], w_ref[...], preferred_element_type=jnp.float32)
    m_ref[...] = _dinv(d0_ref, d1_ref) * h


def _k2_body(d0_ref, d1_ref, p0_ref, p1_ref, m_ref, b_ref, w_ref, out_ref):
    dinv = _dinv(d0_ref, d1_ref)
    s = p0_ref[...] + p1_ref[...] + m_ref[...]
    h = jnp.maximum(dinv * s + b_ref[...], 0.0)
    out_ref[...] = dinv * jnp.dot(h, w_ref[...],
                                  preferred_element_type=jnp.float32)


def _k3_body(d0_ref, d1_ref, p0_ref, p1_ref, m_ref, b_ref, w_ref, bias_ref,
             z_ref):
    dinv = _dinv(d0_ref, d1_ref)
    s = p0_ref[...] + p1_ref[...] + m_ref[...]
    h = jnp.maximum(dinv * s + b_ref[...], 0.0)
    z = jnp.dot(h, w_ref[...], preferred_element_type=jnp.float32)
    z_ref[...] = z.T + bias_ref[...]


def _row_spec(w):
    return pl.BlockSpec((BLK, w), lambda i: (i, 0))


def _vec_spec():
    return pl.BlockSpec((BLK,), lambda i: (i,))


def _full_spec(r, c):
    return pl.BlockSpec((r, c), lambda i: (0, 0))


_GRID = NR // BLK

_k1 = pl.pallas_call(
    _k1_body,
    grid=(_GRID,),
    in_specs=[_vec_spec(), _vec_spec(), _row_spec(D_IN),
              _full_spec(D_IN, HID)],
    out_specs=_row_spec(HID),
    out_shape=jax.ShapeDtypeStruct((NR, HID), jnp.float32),
)

_k2 = pl.pallas_call(
    _k2_body,
    grid=(_GRID,),
    in_specs=[_vec_spec(), _vec_spec(), _row_spec(HID), _row_spec(HID),
              _row_spec(HID), _full_spec(1, HID), _full_spec(HID, HID)],
    out_specs=_row_spec(HID),
    out_shape=jax.ShapeDtypeStruct((NR, HID), jnp.float32),
)

_k3 = pl.pallas_call(
    _k3_body,
    grid=(_GRID,),
    in_specs=[_vec_spec(), _vec_spec(), _row_spec(HID), _row_spec(HID),
              _row_spec(HID), _full_spec(1, HID), _full_spec(HID, 2),
              _full_spec(2, 1)],
    out_specs=pl.BlockSpec((2, BLK), lambda i: (0, i)),
    out_shape=jax.ShapeDtypeStruct((2, NR), jnp.float32),
)


def kernel(x, edge_index, batch, pairs, W1, b1, W2, b2, Wh, bh):
    del batch
    i32 = jnp.int32
    f32 = jnp.float32
    deg_kernel, scatter_kernel, pairs_kernel = _sc_kernels()

    pad_idx = (jnp.arange(EPAD - E, dtype=i32) % (NR - N)) + N
    pad2 = jnp.broadcast_to(pad_idx, (2, EPAD - E))
    edges = jnp.concatenate([edge_index.astype(i32), pad2],
                            axis=1).reshape(2, TILES * ROWS, CH)
    edges = lax.optimization_barrier(edges)

    xp = jnp.pad(x.astype(f32), ((0, NR - N), (0, 0)))
    ones_deg = jnp.ones((CH,), f32)
    zeros_deg = jnp.zeros((NR,), f32)
    zeros_h = jnp.zeros((NR, HID), f32)

    pvt = jnp.concatenate([
        jnp.pad(pairs[:, 0].astype(i32), (0, PPAD - P)),
        jnp.pad(pairs[:, 1].astype(i32), (0, PPAD - P)),
    ])

    wh2 = jnp.stack([Wh[:HID, 0], Wh[HID:, 0]], axis=1).astype(f32)
    bias2 = jnp.concatenate([jnp.zeros((1,), f32), bh.astype(f32)])[:, None]

    d0, d1 = deg_kernel(edges, ones_deg, zeros_deg)
    m1 = _k1(d0, d1, xp, W1.astype(f32))
    p0, p1 = scatter_kernel(edges, m1, zeros_h)
    m2 = _k2(d0, d1, p0, p1, m1, b1.astype(f32)[None, :], W2.astype(f32))
    q0, q1 = scatter_kernel(edges, m2, zeros_h)
    z = _k3(d0, d1, q0, q1, m2, b2.astype(f32)[None, :], wh2, bias2)
    return pairs_kernel(pvt, z.reshape(2 * NR))

# --- scband reference (transcript-rebuilt; emitter-appended) ---
"""Pipeline reference for scband-bond-gnn-78013785964684 (READ-ONLY COPY).

The authoritative reference and input builder live on the scoring server;
editing this copy changes nothing except your own understanding.
"""

import jax, jax.numpy as jnp
import numpy as np

N = 10000
E = 320000
D_IN = 128
HID = 64
P = 50000


def gcn_conv(x, src, dst, W, b, num_nodes):
    # PyG GCNConv with add_self_loops=True, symmetric normalization
    loop = jnp.arange(num_nodes, dtype=src.dtype)
    src2 = jnp.concatenate([src, loop])
    dst2 = jnp.concatenate([dst, loop])
    h = x @ W
    deg = jnp.zeros((num_nodes,), dtype=x.dtype).at[dst2].add(1.0)
    dinv = jnp.where(deg > 0, jax.lax.rsqrt(deg), 0.0)
    norm = dinv[src2] * dinv[dst2]
    msg = h[src2] * norm[:, None]
    out = jnp.zeros((num_nodes, W.shape[1]), dtype=x.dtype).at[dst2].add(msg)
    return out + b


def setup_inputs(seed: int = 0) -> dict:
    key = jax.random.key(seed)
    ks = jax.random.split(key, 10)
    x = jax.random.normal(ks[0], (N, D_IN), dtype=jnp.float32)
    edge_index = jax.random.randint(ks[1], (2, E), 0, N, dtype=jnp.int64)
    batch = jnp.sort(jax.random.randint(ks[2], (N,), 0, 64, dtype=jnp.int64))
    pairs = jax.random.randint(ks[3], (P, 2), 0, N, dtype=jnp.int64)
    W1 = jax.random.normal(ks[4], (D_IN, HID), dtype=jnp.float32) * 0.05
    b1 = jnp.zeros((HID,), dtype=jnp.float32)
    W2 = jax.random.normal(ks[5], (HID, HID), dtype=jnp.float32) * 0.05
    b2 = jnp.zeros((HID,), dtype=jnp.float32)
    Wh = jax.random.normal(ks[6], (2 * HID, 1), dtype=jnp.float32) * 0.05
    bh = jnp.zeros((1,), dtype=jnp.float32)
    return {"x": x, "edge_index": edge_index, "batch": batch, "pairs": pairs,
            "W1": W1, "b1": b1, "W2": W2, "b2": b2, "Wh": Wh, "bh": bh}


def reference(x, edge_index, batch, pairs, W1, b1, W2, b2, Wh, bh):
    src, dst = edge_index[0], edge_index[1]
    h = jax.nn.relu(gcn_conv(x, src, dst, W1, b1, N))
    h = jax.nn.relu(gcn_conv(h, src, dst, W2, b2, N))
    emb_a = h[pairs[:, 0]]
    emb_b = h[pairs[:, 1]]
    cat = jnp.concatenate([emb_a, emb_b], axis=-1)
    out = (cat @ Wh + bh).squeeze(-1)
    return out

if __name__ == "__main__":
    import jax
    _d = setup_inputs()
    print(jax.jit(kernel)(*tuple(_d.values())))

</pallas_src>

<mosaic_0001>
#map = affine_map<(d0, d1) -> (0)>
module attributes {stable_mosaic.version = 14 : i64} {
  func.func @pairs_kernel(%arg0: i32, %arg1: i32, %arg2: memref<102400xi32, #tpu.memory_space<hbm>>, %arg3: memref<20480xf32, #tpu.memory_space<hbm>>, %arg4: memref<50000xf32, #tpu.memory_space<hbm>>, %arg5: memref<1600xi32, #tpu.memory_space<vmem>>, %arg6: memref<1600xi32, #tpu.memory_space<vmem>>, %arg7: memref<20480xf32, #tpu.memory_space<vmem>>, %arg8: memref<1600xf32, #tpu.memory_space<vmem>>) attributes {dimension_semantics = [#tpu.dimension_semantics<core_parallel>, #tpu.dimension_semantics<subcore_parallel>], iteration_bounds = array<i64: 2, 16>, scalar_prefetch = 0 : i64, scratch_operands = 4 : i64, tpu.core_type = #tpu.core_type<sc_vector_subcore>, window_params = [{transform_indices = #map}, {transform_indices = #map}, {transform_indices = #map}]} {
    %mul3A = arith.constant 16 : i32
    %mul3A_0 = arith.muli %arg0, %mul3A : i32
    %add3A = arith.addi %mul3A_0, %arg1 : i32
    "tpu.region"() ({
      %run_scoped3A = tpu.sem_alloc : memref<!tpu.dma_semaphore, #tpu.memory_space<semaphore_mem>>
      tpu.enqueue_dma source(%arg3 : memref<20480xf32, #tpu.memory_space<hbm>>) target(%arg7 : memref<20480xf32, #tpu.memory_space<vmem>>) target_semaphore(%run_scoped3A : memref<!tpu.dma_semaphore, #tpu.memory_space<semaphore_mem>>)
      tpu.wait_dma2 semaphore(%run_scoped3A : memref<!tpu.dma_semaphore, #tpu.memory_space<semaphore_mem>>) src(%arg3 : memref<20480xf32, #tpu.memory_space<hbm>>) dst(%arg7 : memref<20480xf32, #tpu.memory_space<vmem>>)
      tpu.yield
    }) : () -> ()
    %mul3A_1 = arith.constant 1600 : i32
    %mul3A_2 = arith.muli %add3A, %mul3A_1 : i32
    "tpu.region"() ({
      %run_scoped3A = tpu.sem_alloc : memref<!tpu.dma_semaphore, #tpu.memory_space<semaphore_mem>>
      %dma_start3A = tpu.memref_slice %arg2[%mul3A_2] : memref<102400xi32, #tpu.memory_space<hbm>> -> memref<1600xi32, #tpu.memory_space<hbm>>
      %dma_start3A_17 = tpu.memref_slice %arg2[%mul3A_2] : memref<102400xi32, #tpu.memory_space<hbm>> -> memref<1600xi32, #tpu.memory_space<hbm>>
      tpu.enqueue_dma source(%dma_start3A_17 : memref<1600xi32, #tpu.memory_space<hbm>>) target(%arg5 : memref<1600xi32, #tpu.memory_space<vmem>>) target_semaphore(%run_scoped3A : memref<!tpu.dma_semaphore, #tpu.memory_space<semaphore_mem>>)
      %dma_wait3A = tpu.memref_slice %arg2[%mul3A_2] : memref<102400xi32, #tpu.memory_space<hbm>> -> memref<1600xi32, #tpu.memory_space<hbm>>
      %dma_wait3A_18 = tpu.memref_slice %arg2[%mul3A_2] : memref<102400xi32, #tpu.memory_space<hbm>> -> memref<1600xi32, #tpu.memory_space<hbm>>
      tpu.wait_dma2 semaphore(%run_scoped3A : memref<!tpu.dma_semaphore, #tpu.memory_space<semaphore_mem>>) src(%dma_wait3A_18 : memref<1600xi32, #tpu.memory_space<hbm>>) dst(%arg5 : memref<1600xi32, #tpu.memory_space<vmem>>)
      tpu.yield
    }) : () -> ()
    %mul3A_3 = arith.constant 1600 : i32
    %mul3A_4 = arith.muli %add3A, %mul3A_3 : i32
    %add3A_5 = arith.constant 51200 : i32
    %add3A_6 = arith.addi %add3A_5, %mul3A_4 : i32
    "tpu.region"() ({
      %run_scoped3A = tpu.sem_alloc : memref<!tpu.dma_semaphore, #tpu.memory_space<semaphore_mem>>
      %dma_start3A = tpu.memref_slice %arg2[%add3A_6] : memref<102400xi32, #tpu.memory_space<hbm>> -> memref<1600xi32, #tpu.memory_space<hbm>>
      %dma_start3A_17 = tpu.memref_slice %arg2[%add3A_6] : memref<102400xi32, #tpu.memory_space<hbm>> -> memref<1600xi32, #tpu.memory_space<hbm>>
      tpu.enqueue_dma source(%dma_start3A_17 : memref<1600xi32, #tpu.memory_space<hbm>>) target(%arg6 : memref<1600xi32, #tpu.memory_space<vmem>>) target_semaphore(%run_scoped3A : memref<!tpu.dma_semaphore, #tpu.memory_space<semaphore_mem>>)
      %dma_wait3A = tpu.memref_slice %arg2[%add3A_6] : memref<102400xi32, #tpu.memory_space<hbm>> -> memref<1600xi32, #tpu.memory_space<hbm>>
      %dma_wait3A_18 = tpu.memref_slice %arg2[%add3A_6] : memref<102400xi32, #tpu.memory_space<hbm>> -> memref<1600xi32, #tpu.memory_space<hbm>>
      tpu.wait_dma2 semaphore(%run_scoped3A : memref<!tpu.dma_semaphore, #tpu.memory_space<semaphore_mem>>) src(%dma_wait3A_18 : memref<1600xi32, #tpu.memory_space<hbm>>) dst(%arg6 : memref<1600xi32, #tpu.memory_space<vmem>>)
      tpu.yield
    }) : () -> ()
    %scan3A = arith.constant 0 : i32
    %scan3A_7 = arith.constant 100 : i32
    %scan3A_8 = arith.addi %scan3A, %scan3A_7 : i32
    %scan3A_9 = arith.constant 1 : i32
    scf.for %scan3A_17 = %scan3A to %scan3A_8 step %scan3A_9  : i32 {
      %mul3A_18 = arith.constant 1 : i32
      %mul3A_19 = arith.muli %scan3A_17, %mul3A_18 : i32
      %add3A_20 = arith.constant 0 : i32
      %add3A_21 = arith.addi %add3A_20, %mul3A_19 : i32
      %mul3A_22 = arith.constant 16 : i32
      %mul3A_23 = arith.muli %add3A_21, %mul3A_22 : i32
      %get3A = arith.index_cast %mul3A_23 : i32 to index
      %get3A_24 = tpu.vector_load %arg5[%get3A] {strides = array<i32>} : memref<1600xi32, #tpu.memory_space<vmem>>, vector<16xi32>,
      %mul3A_25 = arith.constant 16 : i32
      %mul3A_26 = arith.muli %add3A_21, %mul3A_25 : i32
      %get3A_27 = arith.index_cast %mul3A_26 : i32 to index
      %get3A_28 = tpu.vector_load %arg6[%get3A_27] {strides = array<i32>} : memref<1600xi32, #tpu.memory_space<vmem>>, vector<16xi32>,
      %add3A_29 = arith.constant 10240 : i32
      %add3A_30 = vector.broadcast %add3A_29 : i32 to vector<16xi32>
      %add3A_31 = arith.addi %get3A_28, %add3A_30 : vector<16xi32>
      %gather3A = tpu.vector_load_idx %arg7[%get3A_24] : memref<20480xf32, #tpu.memory_space<vmem>>[vector<16xi32>], vector<16xf32>,
      %gather3A_32 = tpu.vector_load_idx %arg7[%add3A_31] : memref<20480xf32, #tpu.memory_space<vmem>>[vector<16xi32>], vector<16xf32>,
      %add3A_33 = arith.addf %gather3A, %gather3A_32 : vector<16xf32>
      %mul3A_34 = arith.constant 16 : i32
      %mul3A_35 = arith.muli %add3A_21, %mul3A_34 : i32
      %swap3A = arith.index_cast %mul3A_35 : i32 to index
      %swap3A_36 = tpu.vector_load %arg8[%swap3A] {strides = array<i32>} : memref<1600xf32, #tpu.memory_space<vmem>>, vector<16xf32>,
      tpu.vector_store %arg8[%swap3A], %add3A_33 {strides = array<i32>} : memref<1600xf32, #tpu.memory_space<vmem>>, vector<16xf32>,
    }
    %scan3A_10 = arith.constant 100 : i32
    %lt3A = arith.constant 31 : i32
    %lt3A_11 = arith.cmpi slt, %add3A, %lt3A : i32
    %convert_element_type3A = arith.extui %lt3A_11 : i1 to i32
    %cond3A = arith.constant 0 : i32
    %cond3A_12 = arith.cmpi ne, %convert_element_type3A, %cond3A : i32
    scf.if %cond3A_12 {
      %mul3A_17 = arith.constant 1600 : i32
      %mul3A_18 = arith.muli %add3A, %mul3A_17 : i32
      "tpu.region"() ({
        %run_scoped3A = tpu.sem_alloc : memref<!tpu.dma_semaphore, #tpu.memory_space<semaphore_mem>>
        %dma_start3A = tpu.memref_slice %arg4[%mul3A_18] : memref<50000xf32, #tpu.memory_space<hbm>> -> memref<1600xf32, #tpu.memory_space<hbm>>
        %dma_start3A_19 = tpu.memref_slice %arg4[%mul3A_18] : memref<50000xf32, #tpu.memory_space<hbm>> -> memref<1600xf32, #tpu.memory_space<hbm>>
        tpu.enqueue_dma source(%arg8 : memref<1600xf32, #tpu.memory_space<vmem>>) target(%dma_start3A_19 : memref<1600xf32, #tpu.memory_space<hbm>>) target_semaphore(%run_scoped3A : memref<!tpu.dma_semaphore, #tpu.memory_space<semaphore_mem>>)
        %dma_wait3A = tpu.memref_slice %arg4[%mul3A_18] : memref<50000xf32, #tpu.memory_space<hbm>> -> memref<1600xf32, #tpu.memory_space<hbm>>
        %dma_wait3A_20 = tpu.memref_slice %arg4[%mul3A_18] : memref<50000xf32, #tpu.memory_space<hbm>> -> memref<1600xf32, #tpu.memory_space<hbm>>
        tpu.wait_dma2 semaphore(%run_scoped3A : memref<!tpu.dma_semaphore, #tpu.memory_space<semaphore_mem>>) src(%arg8 : memref<1600xf32, #tpu.memory_space<vmem>>) dst(%dma_wait3A_20 : memref<1600xf32, #tpu.memory_space<hbm>>)
        tpu.yield
      }) : () -> ()
    } else {
    }
    %eq3A = arith.constant 31 : i32
    %eq3A_13 = arith.cmpi eq, %add3A, %eq3A : i32
    %convert_element_type3A_14 = arith.extui %eq3A_13 : i1 to i32
    %cond3A_15 = arith.constant 0 : i32
    %cond3A_16 = arith.cmpi ne, %convert_element_type3A_14, %cond3A_15 : i32
    scf.if %cond3A_16 {
      %mul3A_17 = arith.constant 1600 : i32
      %mul3A_18 = arith.muli %add3A, %mul3A_17 : i32
      "tpu.region"() ({
        %run_scoped3A = tpu.sem_alloc : memref<!tpu.dma_semaphore, #tpu.memory_space<semaphore_mem>>
        %dma_start3A = arith.constant 0 : i32
        %dma_start3A_19 = tpu.memref_slice %arg8[%dma_start3A] : memref<1600xf32, #tpu.memory_space<vmem>> -> memref<400xf32, #tpu.memory_space<vmem>>
        %dma_start3A_20 = tpu.memref_slice %arg4[%mul3A_18] : memref<50000xf32, #tpu.memory_space<hbm>> -> memref<400xf32, #tpu.memory_space<hbm>>
        %dma_start3A_21 = tpu.memref_slice %arg4[%mul3A_18] : memref<50000xf32, #tpu.memory_space<hbm>> -> memref<400xf32, #tpu.memory_space<hbm>>
        %dma_start3A_22 = arith.constant 0 : i32
        %dma_start3A_23 = tpu.memref_slice %arg8[%dma_start3A_22] : memref<1600xf32, #tpu.memory_space<vmem>> -> memref<400xf32, #tpu.memory_space<vmem>>
        tpu.enqueue_dma source(%dma_start3A_23 : memref<400xf32, #tpu.memory_space<vmem>>) target(%dma_start3A_21 : memref<400xf32, #tpu.memory_space<hbm>>) target_semaphore(%run_scoped3A : memref<!tpu.dma_semaphore, #tpu.memory_space<semaphore_mem>>)
        %dma_wait3A = arith.constant 0 : i32
        %dma_wait3A_24 = tpu.memref_slice %arg8[%dma_wait3A] : memref<1600xf32, #tpu.memory_space<vmem>> -> memref<400xf32, #tpu.memory_space<vmem>>
        %dma_wait3A_25 = tpu.memref_slice %arg4[%mul3A_18] : memref<50000xf32, #tpu.memory_space<hbm>> -> memref<400xf32, #tpu.memory_space<hbm>>
        %dma_wait3A_26 = tpu.memref_slice %arg4[%mul3A_18] : memref<50000xf32, #tpu.memory_space<hbm>> -> memref<400xf32, #tpu.memory_space<hbm>>
        %dma_wait3A_27 = arith.constant 0 : i32
        %dma_wait3A_28 = tpu.memref_slice %arg8[%dma_wait3A_27] : memref<1600xf32, #tpu.memory_space<vmem>> -> memref<400xf32, #tpu.memory_space<vmem>>
        tpu.wait_dma2 semaphore(%run_scoped3A : memref<!tpu.dma_semaphore, #tpu.memory_space<semaphore_mem>>) src(%dma_wait3A_28 : memref<400xf32, #tpu.memory_space<vmem>>) dst(%dma_wait3A_26 : memref<400xf32, #tpu.memory_space<hbm>>)
        tpu.yield
      }) : () -> ()
    } else {
    }
    return
  }
}

#map = affine_map<(d0, d1) -> (0, 0, 0)>
#map1 = affine_map<(d0, d1) -> (0)>
module attributes {stable_mosaic.version = 14 : i64} {
  func.func @deg_kernel(%arg0: i32, %arg1: i32, %arg2: memref<2x2560x128xi32, #tpu.memory_space<hbm>>, %arg3: memref<128xf32, #tpu.memory_space<hbm>>, %arg4: memref<10240xf32, #tpu.memory_space<hbm>>, %arg5: memref<10240xf32, #tpu.memory_space<hbm>>, %arg6: memref<10240xf32, #tpu.memory_space<hbm>>, %arg7: memref<80x128xi32, #tpu.memory_space<vmem>>, %arg8: memref<128xf32, #tpu.memory_space<vmem>>, %arg9: memref<10240xf32, #tpu.memory_space<vmem_shared>>, %arg10: memref<!tpu.dma_semaphore, #tpu.memory_space<semaphore_mem>>) attributes {dimension_semantics = [#tpu.dimension_semantics<core_parallel>, #tpu.dimension_semantics<subcore_parallel>], iteration_bounds = array<i64: 2, 16>, scalar_prefetch = 0 : i64, scratch_operands = 4 : i64, tpu.core_type = #tpu.core_type<sc_vector_subcore>, window_params = [{transform_indices = #map}, {transform_indices = #map1}, {transform_indices = #map1}, {transform_indices = #map1}, {transform_indices = #map1}]} {
    %mul3A = arith.constant 16 : i32
    %mul3A_0 = arith.muli %arg0, %mul3A : i32
    %add3A = arith.addi %mul3A_0, %arg1 : i32
    %mul3A_1 = arith.constant 640 : i32
    %mul3A_2 = arith.muli %arg1, %mul3A_1 : i32
    %mul3A_3 = arith.constant 640 : i32
    %mul3A_4 = arith.muli %arg1, %mul3A_3 : i32
    "tpu.region"() ({
      %run_scoped3A_24 = tpu.sem_alloc : memref<!tpu.dma_semaphore, #tpu.memory_space<semaphore_mem>>
      %dma_start3A = tpu.memref_slice %arg9[%mul3A_4] : memref<10240xf32, #tpu.memory_space<vmem_shared>> -> memref<640xf32, #tpu.memory_space<vmem_shared>>
      %dma_start3A_25 = tpu.memref_slice %arg4[%mul3A_2] : memref<10240xf32, #tpu.memory_space<hbm>> -> memref<640xf32, #tpu.memory_space<hbm>>
      tpu.enqueue_dma source(%dma_start3A_25 : memref<640xf32, #tpu.memory_space<hbm>>) target(%dma_start3A : memref<640xf32, #tpu.memory_space<vmem_shared>>) target_semaphore(%run_scoped3A_24 : memref<!tpu.dma_semaphore, #tpu.memory_space<semaphore_mem>>)
      %dma_wait3A = tpu.memref_slice %arg9[%mul3A_4] : memref<10240xf32, #tpu.memory_space<vmem_shared>> -> memref<640xf32, #tpu.memory_space<vmem_shared>>
      %dma_wait3A_26 = tpu.memref_slice %arg4[%mul3A_2] : memref<10240xf32, #tpu.memory_space<hbm>> -> memref<640xf32, #tpu.memory_space<hbm>>
      tpu.wait_dma2 semaphore(%run_scoped3A_24 : memref<!tpu.dma_semaphore, #tpu.memory_space<semaphore_mem>>) src(%dma_wait3A_26 : memref<640xf32, #tpu.memory_space<hbm>>) dst(%dma_wait3A : memref<640xf32, #tpu.memory_space<vmem_shared>>)
      tpu.yield
    }) : () -> ()
    "tpu.region"() ({
      %run_scoped3A_24 = tpu.sem_alloc : memref<!tpu.dma_semaphore, #tpu.memory_space<semaphore_mem>>
      tpu.enqueue_dma source(%arg3 : memref<128xf32, #tpu.memory_space<hbm>>) target(%arg8 : memref<128xf32, #tpu.memory_space<vmem>>) target_semaphore(%run_scoped3A_24 : memref<!tpu.dma_semaphore, #tpu.memory_space<semaphore_mem>>)
      tpu.wait_dma2 semaphore(%run_scoped3A_24 : memref<!tpu.dma_semaphore, #tpu.memory_space<semaphore_mem>>) src(%arg3 : memref<128xf32, #tpu.memory_space<hbm>>) dst(%arg8 : memref<128xf32, #tpu.memory_space<vmem>>)
      tpu.yield
    }) : () -> ()
    %mul3A_5 = arith.constant 80 : i32
    %mul3A_6 = arith.muli %add3A, %mul3A_5 : i32
    %run_scoped3A = arith.constant 1 : i32
    "tpu.region"() ({
      %run_scoped3A_24 = tpu.sem_alloc : memref<!tpu.dma_semaphore, #tpu.memory_space<semaphore_mem>>
      %dma_start3A = arith.constant 0 : i32
      %dma_start3A_25 = tpu.memref_slice %arg2[%run_scoped3A, %mul3A_6, %dma_start3A] : memref<2x2560x128xi32, #tpu.memory_space<hbm>> -> memref<1x80x128xi32, #tpu.memory_space<hbm>>
      %dma_start3A_26 = tpu.memref_squeeze %dma_start3A_25 : memref<1x80x128xi32, #tpu.memory_space<hbm>> -> memref<80x128xi32, #tpu.memory_space<hbm>>
      %dma_start3A_27 = arith.constant 0 : i32
      %dma_start3A_28 = tpu.memref_slice %arg2[%run_scoped3A, %mul3A_6, %dma_start3A_27] : memref<2x2560x128xi32, #tpu.memory_space<hbm>> -> memref<1x80x128xi32, #tpu.memory_space<hbm>>
      %dma_start3A_29 = tpu.memref_squeeze %dma_start3A_28 : memref<1x80x128xi32, #tpu.memory_space<hbm>> -> memref<80x128xi32, #tpu.memory_space<hbm>>
      tpu.enqueue_dma source(%dma_start3A_29 : memref<80x128xi32, #tpu.memory_space<hbm>>) target(%arg7 : memref<80x128xi32, #tpu.memory_space<vmem>>) target_semaphore(%run_scoped3A_24 : memref<!tpu.dma_semaphore, #tpu.memory_space<semaphore_mem>>)
      %dma_wait3A = arith.constant 0 : i32
      %dma_wait3A_30 = tpu.memref_slice %arg2[%run_scoped3A, %mul3A_6, %dma_wait3A] : memref<2x2560x128xi32, #tpu.memory_space<hbm>> -> memref<1x80x128xi32, #tpu.memory_space<hbm>>
      %dma_wait3A_31 = tpu.memref_squeeze %dma_wait3A_30 : memref<1x80x128xi32, #tpu.memory_space<hbm>> -> memref<80x128xi32, #tpu.memory_space<hbm>>
      %dma_wait3A_32 = arith.constant 0 : i32
      %dma_wait3A_33 = tpu.memref_slice %arg2[%run_scoped3A, %mul3A_6, %dma_wait3A_32] : memref<2x2560x128xi32, #tpu.memory_space<hbm>> -> memref<1x80x128xi32, #tpu.memory_space<hbm>>
      %dma_wait3A_34 = tpu.memref_squeeze %dma_wait3A_33 : memref<1x80x128xi32, #tpu.memory_space<hbm>> -> memref<80x128xi32, #tpu.memory_space<hbm>>
      tpu.wait_dma2 semaphore(%run_scoped3A_24 : memref<!tpu.dma_semaphore, #tpu.memory_space<semaphore_mem>>) src(%dma_wait3A_34 : memref<80x128xi32, #tpu.memory_space<hbm>>) dst(%arg7 : memref<80x128xi32, #tpu.memory_space<vmem>>)
      tpu.yield
    }) : () -> ()
    %barrier3A = arith.constant 0 : index
    tpu.barrier barrier_id(%barrier3A)
    %scan3A = arith.constant 0 : i32
    %scan3A_7 = arith.constant 80 : i32
    %scan3A_8 = arith.addi %scan3A, %scan3A_7 : i32
    %scan3A_9 = arith.constant 1 : i32
    scf.for %scan3A_24 = %scan3A to %scan3A_8 step %scan3A_9  : i32 {
      %mul3A_25 = arith.constant 1 : i32
      %mul3A_26 = arith.muli %scan3A_24, %mul3A_25 : i32
      %add3A_27 = arith.constant 0 : i32
      %add3A_28 = arith.addi %add3A_27, %mul3A_26 : i32
      %dma_start3A = arith.constant 0 : i32
      %dma_start3A_29 = tpu.memref_slice %arg7[%add3A_28, %dma_start3A] : memref<80x128xi32, #tpu.memory_space<vmem>> -> memref<1x128xi32, #tpu.memory_space<vmem>>
      %dma_start3A_30 = tpu.memref_squeeze %dma_start3A_29 : memref<1x128xi32, #tpu.memory_space<vmem>> -> memref<128xi32, #tpu.memory_space<vmem>>
      %dma_start3A_31 = arith.constant 0 : i32
      %dma_start3A_32 = tpu.memref_slice %arg9[%dma_start3A_31] : memref<10240xf32, #tpu.memory_space<vmem_shared>> -> memref<10240xf32, #tpu.memory_space<vmem_shared>>
      tpu.enqueue_indirect_dma source(%arg8 : memref<128xf32, #tpu.memory_space<vmem>>) target(%dma_start3A_32 : memref<10240xf32, #tpu.memory_space<vmem_shared>>) offsets(%dma_start3A_30 : memref<128xi32, #tpu.memory_space<vmem>>) semaphore(%arg10 : memref<!tpu.dma_semaphore, #tpu.memory_space<semaphore_mem>>) {add = true}
    }
    %scan3A_10 = arith.constant 80 : i32
    %scan3A_11 = arith.constant 0 : i32
    %scan3A_12 = arith.constant 80 : i32
    %scan3A_13 = arith.addi %scan3A_11, %scan3A_12 : i32
    %scan3A_14 = arith.constant 1 : i32
    scf.for %scan3A_24 = %scan3A_11 to %scan3A_13 step %scan3A_14  : i32 {
      %mul3A_25 = arith.constant 1 : i32
      %mul3A_26 = arith.muli %scan3A_24, %mul3A_25 : i32
      %add3A_27 = arith.constant 0 : i32
      %add3A_28 = arith.addi %add3A_27, %mul3A_26 : i32
      %dma_wait3A = arith.constant 0 : i32
      %dma_wait3A_29 = tpu.memref_slice %arg7[%add3A_28, %dma_wait3A] : memref<80x128xi32, #tpu.memory_space<vmem>> -> memref<1x128xi32, #tpu.memory_space<vmem>>
      %dma_wait3A_30 = tpu.memref_squeeze %dma_wait3A_29 : memref<1x128xi32, #tpu.memory_space<vmem>> -> memref<128xi32, #tpu.memory_space<vmem>>
      %dma_wait3A_31 = arith.constant 0 : i32
      %dma_wait3A_32 = tpu.memref_slice %arg9[%dma_wait3A_31] : memref<10240xf32, #tpu.memory_space<vmem_shared>> -> memref<10240xf32, #tpu.memory_space<vmem_shared>>
      tpu.wait_indirect_dma semaphore(%arg10 : memref<!tpu.dma_semaphore, #tpu.memory_space<semaphore_mem>>) src(%arg8 : memref<128xf32, #tpu.memory_space<vmem>>) dst(%dma_wait3A_32 : memref<10240xf32, #tpu.memory_space<vmem_shared>>)
    }
    %scan3A_15 = arith.constant 80 : i32
    %barrier3A_16 = arith.constant 0 : index
    tpu.barrier barrier_id(%barrier3A_16)
    %eq3A = arith.constant 0 : i32
    %eq3A_17 = arith.cmpi eq, %arg0, %eq3A : i32
    %convert_element_type3A = arith.extui %eq3A_17 : i1 to i32
    %cond3A = arith.constant 0 : i32
    %cond3A_18 = arith.cmpi ne, %convert_element_type3A, %cond3A : i32
    scf.if %cond3A_18 {
      %mul3A_24 = arith.constant 640 : i32
      %mul3A_25 = arith.muli %arg1, %mul3A_24 : i32
      %mul3A_26 = arith.constant 640 : i32
      %mul3A_27 = arith.muli %arg1, %mul3A_26 : i32
      "tpu.region"() ({
        %run_scoped3A_28 = tpu.sem_alloc : memref<!tpu.dma_semaphore, #tpu.memory_space<semaphore_mem>>
        %dma_start3A = tpu.memref_slice %arg5[%mul3A_27] : memref<10240xf32, #tpu.memory_space<hbm>> -> memref<640xf32, #tpu.memory_space<hbm>>
        %dma_start3A_29 = tpu.memref_slice %arg9[%mul3A_25] : memref<10240xf32, #tpu.memory_space<vmem_shared>> -> memref<640xf32, #tpu.memory_space<vmem_shared>>
        tpu.enqueue_dma source(%dma_start3A_29 : memref<640xf32, #tpu.memory_space<vmem_shared>>) target(%dma_start3A : memref<640xf32, #tpu.memory_space<hbm>>) target_semaphore(%run_scoped3A_28 : memref<!tpu.dma_semaphore, #tpu.memory_space<semaphore_mem>>)
        %dma_wait3A = tpu.memref_slice %arg5[%mul3A_27] : memref<10240xf32, #tpu.memory_space<hbm>> -> memref<640xf32, #tpu.memory_space<hbm>>
        %dma_wait3A_30 = tpu.memref_slice %arg9[%mul3A_25] : memref<10240xf32, #tpu.memory_space<vmem_shared>> -> memref<640xf32, #tpu.memory_space<vmem_shared>>
        tpu.wait_dma2 semaphore(%run_scoped3A_28 : memref<!tpu.dma_semaphore, #tpu.memory_space<semaphore_mem>>) src(%dma_wait3A_30 : memref<640xf32, #tpu.memory_space<vmem_shared>>) dst(%dma_wait3A : memref<640xf32, #tpu.memory_space<hbm>>)
        tpu.yield
      }) : () -> ()
    } else {
    }
    %eq3A_19 = arith.constant 1 : i32
    %eq3A_20 = arith.cmpi eq, %arg0, %eq3A_19 : i32
    %convert_element_type3A_21 = arith.extui %eq3A_20 : i1 to i32
    %cond3A_22 = arith.constant 0 : i32
    %cond3A_23 = arith.cmpi ne, %convert_element_type3A_21, %cond3A_22 : i32
    scf.if %cond3A_23 {
      %mul3A_24 = arith.constant 640 : i32
      %mul3A_25 = arith.muli %arg1, %mul3A_24 : i32
      %mul3A_26 = arith.constant 640 : i32
      %mul3A_27 = arith.muli %arg1, %mul3A_26 : i32
      "tpu.region"() ({
        %run_scoped3A_28 = tpu.sem_alloc : memref<!tpu.dma_semaphore, #tpu.memory_space<semaphore_mem>>
        %dma_start3A = tpu.memref_slice %arg6[%mul3A_27] : memref<10240xf32, #tpu.memory_space<hbm>> -> memref<640xf32, #tpu.memory_space<hbm>>
        %dma_start3A_29 = tpu.memref_slice %arg9[%mul3A_25] : memref<10240xf32, #tpu.memory_space<vmem_shared>> -> memref<640xf32, #tpu.memory_space<vmem_shared>>
        tpu.enqueue_dma source(%dma_start3A_29 : memref<640xf32, #tpu.memory_space<vmem_shared>>) target(%dma_start3A : memref<640xf32, #tpu.memory_space<hbm>>) target_semaphore(%run_scoped3A_28 : memref<!tpu.dma_semaphore, #tpu.memory_space<semaphore_mem>>)
        %dma_wait3A = tpu.memref_slice %arg6[%mul3A_27] : memref<10240xf32, #tpu.memory_space<hbm>> -> memref<640xf32, #tpu.memory_space<hbm>>
        %dma_wait3A_30 = tpu.memref_slice %arg9[%mul3A_25] : memref<10240xf32, #tpu.memory_space<vmem_shared>> -> memref<640xf32, #tpu.memory_space<vmem_shared>>
        tpu.wait_dma2 semaphore(%run_scoped3A_28 : memref<!tpu.dma_semaphore, #tpu.memory_space<semaphore_mem>>) src(%dma_wait3A_30 : memref<640xf32, #tpu.memory_space<vmem_shared>>) dst(%dma_wait3A : memref<640xf32, #tpu.memory_space<hbm>>)
        tpu.yield
      }) : () -> ()
    } else {
    }
    return
  }
}

#map = affine_map<(d0, d1) -> (0, 0, 0)>
#map1 = affine_map<(d0, d1) -> (0, 0)>
module attributes {stable_mosaic.version = 14 : i64} {
  func.func @scatter_kernel(%arg0: i32, %arg1: i32, %arg2: memref<2x2560x128xi32, #tpu.memory_space<hbm>>, %arg3: memref<10240x64xf32, #tpu.memory_space<hbm>>, %arg4: memref<10240x64xf32, #tpu.memory_space<hbm>>, %arg5: memref<10240x64xf32, #tpu.memory_space<hbm>>, %arg6: memref<10240x64xf32, #tpu.memory_space<hbm>>, %arg7: memref<80x128xi32, #tpu.memory_space<vmem>>, %arg8: memref<80x128xi32, #tpu.memory_space<vmem>>, %arg9: memref<128x64xf32, #tpu.memory_space<vmem>>, %arg10: memref<128x64xf32, #tpu.memory_space<vmem>>, %arg11: memref<128x64xf32, #tpu.memory_space<vmem>>, %arg12: memref<128x64xf32, #tpu.memory_space<vmem>>, %arg13: memref<128x64xf32, #tpu.memory_space<vmem>>, %arg14: memref<128x64xf32, #tpu.memory_space<vmem>>, %arg15: memref<128x64xf32, #tpu.memory_space<vmem>>, %arg16: memref<128x64xf32, #tpu.memory_space<vmem>>, %arg17: memref<!tpu.dma_semaphore, #tpu.memory_space<semaphore_mem>>, %arg18: memref<!tpu.dma_semaphore, #tpu.memory_space<semaphore_mem>>, %arg19: memref<!tpu.dma_semaphore, #tpu.memory_space<semaphore_mem>>, %arg20: memref<!tpu.dma_semaphore, #tpu.memory_space<semaphore_mem>>, %arg21: memref<!tpu.dma_semaphore, #tpu.memory_space<semaphore_mem>>, %arg22: memref<!tpu.dma_semaphore, #tpu.memory_space<semaphore_mem>>, %arg23: memref<!tpu.dma_semaphore, #tpu.memory_space<semaphore_mem>>, %arg24: memref<!tpu.dma_semaphore, #tpu.memory_space<semaphore_mem>>, %arg25: memref<!tpu.dma_semaphore, #tpu.memory_space<semaphore_mem>>, %arg26: memref<!tpu.dma_semaphore, #tpu.memory_space<semaphore_mem>>, %arg27: memref<!tpu.dma_semaphore, #tpu.memory_space<semaphore_mem>>, %arg28: memref<!tpu.dma_semaphore, #tpu.memory_space<semaphore_mem>>, %arg29: memref<!tpu.dma_semaphore, #tpu.memory_space<semaphore_mem>>, %arg30: memref<!tpu.dma_semaphore, #tpu.memory_space<semaphore_mem>>, %arg31: memref<!tpu.dma_semaphore, #tpu.memory_space<semaphore_mem>>, %arg32: memref<!tpu.dma_semaphore, #tpu.memory_space<semaphore_mem>>, %arg33: memref<10240x64xf32, #tpu.memory_space<vmem_shared>>) attributes {dimension_semantics = [#tpu.dimension_semantics<core_parallel>, #tpu.dimension_semantics<subcore_parallel>], iteration_bounds = array<i64: 2, 16>, scalar_prefetch = 0 : i64, scratch_operands = 27 : i64, tpu.core_type = #tpu.core_type<sc_vector_subcore>, window_params = [{transform_indices = #map}, {transform_indices = #map1}, {transform_indices = #map1}, {transform_indices = #map1}, {transform_indices = #map1}]} {
    %mul3A = arith.constant 16 : i32
    %mul3A_0 = arith.muli %arg0, %mul3A : i32
    %add3A = arith.addi %mul3A_0, %arg1 : i32
    %mul3A_1 = arith.constant 640 : i32
    %mul3A_2 = arith.muli %arg1, %mul3A_1 : i32
    %mul3A_3 = arith.constant 640 : i32
    %mul3A_4 = arith.muli %arg1, %mul3A_3 : i32
    "tpu.region"() ({
      %run_scoped3A_104 = tpu.sem_alloc : memref<!tpu.dma_semaphore, #tpu.memory_space<semaphore_mem>>
      %dma_start3A_105 = arith.constant 0 : i32
      %dma_start3A_106 = tpu.memref_slice %arg33[%mul3A_4, %dma_start3A_105] : memref<10240x64xf32, #tpu.memory_space<vmem_shared>> -> memref<640x64xf32, #tpu.memory_space<vmem_shared>>
      %dma_start3A_107 = arith.constant 0 : i32
      %dma_start3A_108 = tpu.memref_slice %arg4[%mul3A_2, %dma_start3A_107] : memref<10240x64xf32, #tpu.memory_space<hbm>> -> memref<640x64xf32, #tpu.memory_space<hbm>>
      tpu.enqueue_dma source(%dma_start3A_108 : memref<640x64xf32, #tpu.memory_space<hbm>>) target(%dma_start3A_106 : memref<640x64xf32, #tpu.memory_space<vmem_shared>>) target_semaphore(%run_scoped3A_104 : memref<!tpu.dma_semaphore, #tpu.memory_space<semaphore_mem>>)
      %dma_wait3A_109 = arith.constant 0 : i32
      %dma_wait3A_110 = tpu.memref_slice %arg33[%mul3A_4, %dma_wait3A_109] : memref<10240x64xf32, #tpu.memory_space<vmem_shared>> -> memref<640x64xf32, #tpu.memory_space<vmem_shared>>
      %dma_wait3A_111 = arith.constant 0 : i32
      %dma_wait3A_112 = tpu.memref_slice %arg4[%mul3A_2, %dma_wait3A_111] : memref<10240x64xf32, #tpu.memory_space<hbm>> -> memref<640x64xf32, #tpu.memory_space<hbm>>
      tpu.wait_dma2 semaphore(%run_scoped3A_104 : memref<!tpu.dma_semaphore, #tpu.memory_space<semaphore_mem>>) src(%dma_wait3A_112 : memref<640x64xf32, #tpu.memory_space<hbm>>) dst(%dma_wait3A_110 : memref<640x64xf32, #tpu.memory_space<vmem_shared>>)
      tpu.yield
    }) : () -> ()
    %mul3A_5 = arith.constant 80 : i32
    %mul3A_6 = arith.muli %add3A, %mul3A_5 : i32
    %run_scoped3A = arith.constant 0 : i32
    "tpu.region"() ({
      %run_scoped3A_104 = tpu.sem_alloc : memref<!tpu.dma_semaphore, #tpu.memory_space<semaphore_mem>>
      %dma_start3A_105 = arith.constant 0 : i32
      %dma_start3A_106 = tpu.memref_slice %arg2[%run_scoped3A, %mul3A_6, %dma_start3A_105] : memref<2x2560x128xi32, #tpu.memory_space<hbm>> -> memref<1x80x128xi32, #tpu.memory_space<hbm>>
      %dma_start3A_107 = tpu.memref_squeeze %dma_start3A_106 : memref<1x80x128xi32, #tpu.memory_space<hbm>> -> memref<80x128xi32, #tpu.memory_space<hbm>>
      %dma_start3A_108 = arith.constant 0 : i32
      %dma_start3A_109 = tpu.memref_slice %arg2[%run_scoped3A, %mul3A_6, %dma_start3A_108] : memref<2x2560x128xi32, #tpu.memory_space<hbm>> -> memref<1x80x128xi32, #tpu.memory_space<hbm>>
      %dma_start3A_110 = tpu.memref_squeeze %dma_start3A_109 : memref<1x80x128xi32, #tpu.memory_space<hbm>> -> memref<80x128xi32, #tpu.memory_space<hbm>>
      tpu.enqueue_dma source(%dma_start3A_110 : memref<80x128xi32, #tpu.memory_space<hbm>>) target(%arg7 : memref<80x128xi32, #tpu.memory_space<vmem>>) target_semaphore(%run_scoped3A_104 : memref<!tpu.dma_semaphore, #tpu.memory_space<semaphore_mem>>)
      %dma_wait3A_111 = arith.constant 0 : i32
      %dma_wait3A_112 = tpu.memref_slice %arg2[%run_scoped3A, %mul3A_6, %dma_wait3A_111] : memref<2x2560x128xi32, #tpu.memory_space<hbm>> -> memref<1x80x128xi32, #tpu.memory_space<hbm>>
      %dma_wait3A_113 = tpu.memref_squeeze %dma_wait3A_112 : memref<1x80x128xi32, #tpu.memory_space<hbm>> -> memref<80x128xi32, #tpu.memory_space<hbm>>
      %dma_wait3A_114 = arith.constant 0 : i32
      %dma_wait3A_115 = tpu.memref_slice %arg2[%run_scoped3A, %mul3A_6, %dma_wait3A_114] : memref<2x2560x128xi32, #tpu.memory_space<hbm>> -> memref<1x80x128xi32, #tpu.memory_space<hbm>>
      %dma_wait3A_116 = tpu.memref_squeeze %dma_wait3A_115 : memref<1x80x128xi32, #tpu.memory_space<hbm>> -> memref<80x128xi32, #tpu.memory_space<hbm>>
      tpu.wait_dma2 semaphore(%run_scoped3A_104 : memref<!tpu.dma_semaphore, #tpu.memory_space<semaphore_mem>>) src(%dma_wait3A_116 : memref<80x128xi32, #tpu.memory_space<hbm>>) dst(%arg7 : memref<80x128xi32, #tpu.memory_space<vmem>>)
      tpu.yield
    }) : () -> ()
    %mul3A_7 = arith.constant 80 : i32
    %mul3A_8 = arith.muli %add3A, %mul3A_7 : i32
    %run_scoped3A_9 = arith.constant 1 : i32
    "tpu.region"() ({
      %run_scoped3A_104 = tpu.sem_alloc : memref<!tpu.dma_semaphore, #tpu.memory_space<semaphore_mem>>
      %dma_start3A_105 = arith.constant 0 : i32
      %dma_start3A_106 = tpu.memref_slice %arg2[%run_scoped3A_9, %mul3A_8, %dma_start3A_105] : memref<2x2560x128xi32, #tpu.memory_space<hbm>> -> memref<1x80x128xi32, #tpu.memory_space<hbm>>
      %dma_start3A_107 = tpu.memref_squeeze %dma_start3A_106 : memref<1x80x128xi32, #tpu.memory_space<hbm>> -> memref<80x128xi32, #tpu.memory_space<hbm>>
      %dma_start3A_108 = arith.constant 0 : i32
      %dma_start3A_109 = tpu.memref_slice %arg2[%run_scoped3A_9, %mul3A_8, %dma_start3A_108] : memref<2x2560x128xi32, #tpu.memory_space<hbm>> -> memref<1x80x128xi32, #tpu.memory_space<hbm>>
      %dma_start3A_110 = tpu.memref_squeeze %dma_start3A_109 : memref<1x80x128xi32, #tpu.memory_space<hbm>> -> memref<80x128xi32, #tpu.memory_space<hbm>>
      tpu.enqueue_dma source(%dma_start3A_110 : memref<80x128xi32, #tpu.memory_space<hbm>>) target(%arg8 : memref<80x128xi32, #tpu.memory_space<vmem>>) target_semaphore(%run_scoped3A_104 : memref<!tpu.dma_semaphore, #tpu.memory_space<semaphore_mem>>)
      %dma_wait3A_111 = arith.constant 0 : i32
      %dma_wait3A_112 = tpu.memref_slice %arg2[%run_scoped3A_9, %mul3A_8, %dma_wait3A_111] : memref<2x2560x128xi32, #tpu.memory_space<hbm>> -> memref<1x80x128xi32, #tpu.memory_space<hbm>>
      %dma_wait3A_113 = tpu.memref_squeeze %dma_wait3A_112 : memref<1x80x128xi32, #tpu.memory_space<hbm>> -> memref<80x128xi32, #tpu.memory_space<hbm>>
      %dma_wait3A_114 = arith.constant 0 : i32
      %dma_wait3A_115 = tpu.memref_slice %arg2[%run_scoped3A_9, %mul3A_8, %dma_wait3A_114] : memref<2x2560x128xi32, #tpu.memory_space<hbm>> -> memref<1x80x128xi32, #tpu.memory_space<hbm>>
      %dma_wait3A_116 = tpu.memref_squeeze %dma_wait3A_115 : memref<1x80x128xi32, #tpu.memory_space<hbm>> -> memref<80x128xi32, #tpu.memory_space<hbm>>
      tpu.wait_dma2 semaphore(%run_scoped3A_104 : memref<!tpu.dma_semaphore, #tpu.memory_space<semaphore_mem>>) src(%dma_wait3A_116 : memref<80x128xi32, #tpu.memory_space<hbm>>) dst(%arg8 : memref<80x128xi32, #tpu.memory_space<vmem>>)
      tpu.yield
    }) : () -> ()
    %barrier3A = arith.constant 0 : index
    tpu.barrier barrier_id(%barrier3A)
    %dma_start3A = arith.constant 0 : i32
    %dma_start3A_10 = arith.constant 0 : i32
    %dma_start3A_11 = tpu.memref_slice %arg7[%dma_start3A, %dma_start3A_10] : memref<80x128xi32, #tpu.memory_space<vmem>> -> memref<1x128xi32, #tpu.memory_space<vmem>>
    %dma_start3A_12 = tpu.memref_squeeze %dma_start3A_11 : memref<1x128xi32, #tpu.memory_space<vmem>> -> memref<128xi32, #tpu.memory_space<vmem>>
    %dma_start3A_13 = arith.constant 0 : i32
    %dma_start3A_14 = arith.constant 0 : i32
    %dma_start3A_15 = tpu.memref_slice %arg3[%dma_start3A_13, %dma_start3A_14] : memref<10240x64xf32, #tpu.memory_space<hbm>> -> memref<10240x64xf32, #tpu.memory_space<hbm>>
    tpu.enqueue_indirect_dma source(%dma_start3A_15 : memref<10240x64xf32, #tpu.memory_space<hbm>>) target(%arg9 : memref<128x64xf32, #tpu.memory_space<vmem>>) offsets(%dma_start3A_12 : memref<128xi32, #tpu.memory_space<vmem>>) semaphore(%arg17 : memref<!tpu.dma_semaphore, #tpu.memory_space<semaphore_mem>>)
    %dma_start3A_16 = arith.constant 1 : i32
    %dma_start3A_17 = arith.constant 0 : i32
    %dma_start3A_18 = tpu.memref_slice %arg7[%dma_start3A_16, %dma_start3A_17] : memref<80x128xi32, #tpu.memory_space<vmem>> -> memref<1x128xi32, #tpu.memory_space<vmem>>
    %dma_start3A_19 = tpu.memref_squeeze %dma_start3A_18 : memref<1x128xi32, #tpu.memory_space<vmem>> -> memref<128xi32, #tpu.memory_space<vmem>>
    %dma_start3A_20 = arith.constant 0 : i32
    %dma_start3A_21 = arith.constant 0 : i32
    %dma_start3A_22 = tpu.memref_slice %arg3[%dma_start3A_20, %dma_start3A_21] : memref<10240x64xf32, #tpu.memory_space<hbm>> -> memref<10240x64xf32, #tpu.memory_space<hbm>>
    tpu.enqueue_indirect_dma source(%dma_start3A_22 : memref<10240x64xf32, #tpu.memory_space<hbm>>) target(%arg10 : memref<128x64xf32, #tpu.memory_space<vmem>>) offsets(%dma_start3A_19 : memref<128xi32, #tpu.memory_space<vmem>>) semaphore(%arg18 : memref<!tpu.dma_semaphore, #tpu.memory_space<semaphore_mem>>)
    %dma_start3A_23 = arith.constant 2 : i32
    %dma_start3A_24 = arith.constant 0 : i32
    %dma_start3A_25 = tpu.memref_slice %arg7[%dma_start3A_23, %dma_start3A_24] : memref<80x128xi32, #tpu.memory_space<vmem>> -> memref<1x128xi32, #tpu.memory_space<vmem>>
    %dma_start3A_26 = tpu.memref_squeeze %dma_start3A_25 : memref<1x128xi32, #tpu.memory_space<vmem>> -> memref<128xi32, #tpu.memory_space<vmem>>
    %dma_start3A_27 = arith.constant 0 : i32
    %dma_start3A_28 = arith.constant 0 : i32
    %dma_start3A_29 = tpu.memref_slice %arg3[%dma_start3A_27, %dma_start3A_28] : memref<10240x64xf32, #tpu.memory_space<hbm>> -> memref<10240x64xf32, #tpu.memory_space<hbm>>
    tpu.enqueue_indirect_dma source(%dma_start3A_29 : memref<10240x64xf32, #tpu.memory_space<hbm>>) target(%arg11 : memref<128x64xf32, #tpu.memory_space<vmem>>) offsets(%dma_start3A_26 : memref<128xi32, #tpu.memory_space<vmem>>) semaphore(%arg19 : memref<!tpu.dma_semaphore, #tpu.memory_space<semaphore_mem>>)
    %dma_start3A_30 = arith.constant 3 : i32
    %dma_start3A_31 = arith.constant 0 : i32
    %dma_start3A_32 = tpu.memref_slice %arg7[%dma_start3A_30, %dma_start3A_31] : memref<80x128xi32, #tpu.memory_space<vmem>> -> memref<1x128xi32, #tpu.memory_space<vmem>>
    %dma_start3A_33 = tpu.memref_squeeze %dma_start3A_32 : memref<1x128xi32, #tpu.memory_space<vmem>> -> memref<128xi32, #tpu.memory_space<vmem>>
    %dma_start3A_34 = arith.constant 0 : i32
    %dma_start3A_35 = arith.constant 0 : i32
    %dma_start3A_36 = tpu.memref_slice %arg3[%dma_start3A_34, %dma_start3A_35] : memref<10240x64xf32, #tpu.memory_space<hbm>> -> memref<10240x64xf32, #tpu.memory_space<hbm>>
    tpu.enqueue_indirect_dma source(%dma_start3A_36 : memref<10240x64xf32, #tpu.memory_space<hbm>>) target(%arg12 : memref<128x64xf32, #tpu.memory_space<vmem>>) offsets(%dma_start3A_33 : memref<128xi32, #tpu.memory_space<vmem>>) semaphore(%arg20 : memref<!tpu.dma_semaphore, #tpu.memory_space<semaphore_mem>>)
    %dma_start3A_37 = arith.constant 4 : i32
    %dma_start3A_38 = arith.constant 0 : i32
    %dma_start3A_39 = tpu.memref_slice %arg7[%dma_start3A_37, %dma_start3A_38] : memref<80x128xi32, #tpu.memory_space<vmem>> -> memref<1x128xi32, #tpu.memory_space<vmem>>
    %dma_start3A_40 = tpu.memref_squeeze %dma_start3A_39 : memref<1x128xi32, #tpu.memory_space<vmem>> -> memref<128xi32, #tpu.memory_space<vmem>>
    %dma_start3A_41 = arith.constant 0 : i32
    %dma_start3A_42 = arith.constant 0 : i32
    %dma_start3A_43 = tpu.memref_slice %arg3[%dma_start3A_41, %dma_start3A_42] : memref<10240x64xf32, #tpu.memory_space<hbm>> -> memref<10240x64xf32, #tpu.memory_space<hbm>>
    tpu.enqueue_indirect_dma source(%dma_start3A_43 : memref<10240x64xf32, #tpu.memory_space<hbm>>) target(%arg13 : memref<128x64xf32, #tpu.memory_space<vmem>>) offsets(%dma_start3A_40 : memref<128xi32, #tpu.memory_space<vmem>>) semaphore(%arg21 : memref<!tpu.dma_semaphore, #tpu.memory_space<semaphore_mem>>)
    %dma_start3A_44 = arith.constant 5 : i32
    %dma_start3A_45 = arith.constant 0 : i32
    %dma_start3A_46 = tpu.memref_slice %arg7[%dma_start3A_44, %dma_start3A_45] : memref<80x128xi32, #tpu.memory_space<vmem>> -> memref<1x128xi32, #tpu.memory_space<vmem>>
    %dma_start3A_47 = tpu.memref_squeeze %dma_start3A_46 : memref<1x128xi32, #tpu.memory_space<vmem>> -> memref<128xi32, #tpu.memory_space<vmem>>
    %dma_start3A_48 = arith.constant 0 : i32
    %dma_start3A_49 = arith.constant 0 : i32
    %dma_start3A_50 = tpu.memref_slice %arg3[%dma_start3A_48, %dma_start3A_49] : memref<10240x64xf32, #tpu.memory_space<hbm>> -> memref<10240x64xf32, #tpu.memory_space<hbm>>
    tpu.enqueue_indirect_dma source(%dma_start3A_50 : memref<10240x64xf32, #tpu.memory_space<hbm>>) target(%arg14 : memref<128x64xf32, #tpu.memory_space<vmem>>) offsets(%dma_start3A_47 : memref<128xi32, #tpu.memory_space<vmem>>) semaphore(%arg22 : memref<!tpu.dma_semaphore, #tpu.memory_space<semaphore_mem>>)
    %dma_start3A_51 = arith.constant 6 : i32
    %dma_start3A_52 = arith.constant 0 : i32
    %dma_start3A_53 = tpu.memref_slice %arg7[%dma_start3A_51, %dma_start3A_52] : memref<80x128xi32, #tpu.memory_space<vmem>> -> memref<1x128xi32, #tpu.memory_space<vmem>>
    %dma_start3A_54 = tpu.memref_squeeze %dma_start3A_53 : memref<1x128xi32, #tpu.memory_space<vmem>> -> memref<128xi32, #tpu.memory_space<vmem>>
    %dma_start3A_55 = arith.constant 0 : i32
    %dma_start3A_56 = arith.constant 0 : i32
    %dma_start3A_57 = tpu.memref_slice %arg3[%dma_start3A_55, %dma_start3A_56] : memref<10240x64xf32, #tpu.memory_space<hbm>> -> memref<10240x64xf32, #tpu.memory_space<hbm>>
    tpu.enqueue_indirect_dma source(%dma_start3A_57 : memref<10240x64xf32, #tpu.memory_space<hbm>>) target(%arg15 : memref<128x64xf32, #tpu.memory_space<vmem>>) offsets(%dma_start3A_54 : memref<128xi32, #tpu.memory_space<vmem>>) semaphore(%arg23 : memref<!tpu.dma_semaphore, #tpu.memory_space<semaphore_mem>>)
    %dma_start3A_58 = arith.constant 7 : i32
    %dma_start3A_59 = arith.constant 0 : i32
    %dma_start3A_60 = tpu.memref_slice %arg7[%dma_start3A_58, %dma_start3A_59] : memref<80x128xi32, #tpu.memory_space<vmem>> -> memref<1x128xi32, #tpu.memory_space<vmem>>
    %dma_start3A_61 = tpu.memref_squeeze %dma_start3A_60 : memref<1x128xi32, #tpu.memory_space<vmem>> -> memref<128xi32, #tpu.memory_space<vmem>>
    %dma_start3A_62 = arith.constant 0 : i32
    %dma_start3A_63 = arith.constant 0 : i32
    %dma_start3A_64 = tpu.memref_slice %arg3[%dma_start3A_62, %dma_start3A_63] : memref<10240x64xf32, #tpu.memory_space<hbm>> -> memref<10240x64xf32, #tpu.memory_space<hbm>>
    tpu.enqueue_indirect_dma source(%dma_start3A_64 : memref<10240x64xf32, #tpu.memory_space<hbm>>) target(%arg16 : memref<128x64xf32, #tpu.memory_space<vmem>>) offsets(%dma_start3A_61 : memref<128xi32, #tpu.memory_space<vmem>>) semaphore(%arg24 : memref<!tpu.dma_semaphore, #tpu.memory_space<semaphore_mem>>)
    %scan3A = arith.constant 0 : i32
    %scan3A_65 = arith.constant 10 : i32
    %scan3A_66 = arith.addi %scan3A, %scan3A_65 : i32
    %scan3A_67 = arith.constant 1 : i32
    scf.for %scan3A_104 = %scan3A to %scan3A_66 step %scan3A_67  : i32 {
      %mul3A_105 = arith.constant 1 : i32
      %mul3A_106 = arith.muli %scan3A_104, %mul3A_105 : i32
      %add3A_107 = arith.constant 0 : i32
      %add3A_108 = arith.addi %add3A_107, %mul3A_106 : i32
      %mul3A_109 = arith.constant 8 : i32
      %mul3A_110 = arith.muli %add3A_108, %mul3A_109 : i32
      %add3A_111 = arith.constant 0 : i32
      %add3A_112 = arith.addi %mul3A_110, %add3A_111 : i32
      %dma_wait3A_113 = arith.constant 0 : i32
      %dma_wait3A_114 = tpu.memref_slice %arg7[%add3A_112, %dma_wait3A_113] : memref<80x128xi32, #tpu.memory_space<vmem>> -> memref<1x128xi32, #tpu.memory_space<vmem>>
      %dma_wait3A_115 = tpu.memref_squeeze %dma_wait3A_114 : memref<1x128xi32, #tpu.memory_space<vmem>> -> memref<128xi32, #tpu.memory_space<vmem>>
      %dma_wait3A_116 = arith.constant 0 : i32
      %dma_wait3A_117 = arith.constant 0 : i32
      %dma_wait3A_118 = tpu.memref_slice %arg3[%dma_wait3A_116, %dma_wait3A_117] : memref<10240x64xf32, #tpu.memory_space<hbm>> -> memref<10240x64xf32, #tpu.memory_space<hbm>>
      tpu.wait_indirect_dma semaphore(%arg17 : memref<!tpu.dma_semaphore, #tpu.memory_space<semaphore_mem>>) src(%dma_wait3A_118 : memref<10240x64xf32, #tpu.memory_space<hbm>>) dst(%arg9 : memref<128x64xf32, #tpu.memory_space<vmem>>)
      %add3A_119 = arith.constant 0 : i32
      %add3A_120 = arith.addi %mul3A_110, %add3A_119 : i32
      %dma_start3A_121 = arith.constant 0 : i32
      %dma_start3A_122 = tpu.memref_slice %arg8[%add3A_120, %dma_start3A_121] : memref<80x128xi32, #tpu.memory_space<vmem>> -> memref<1x128xi32, #tpu.memory_space<vmem>>
      %dma_start3A_123 = tpu.memref_squeeze %dma_start3A_122 : memref<1x128xi32, #tpu.memory_space<vmem>> -> memref<128xi32, #tpu.memory_space<vmem>>
      %dma_start3A_124 = arith.constant 0 : i32
      %dma_start3A_125 = arith.constant 0 : i32
      %dma_start3A_126 = tpu.memref_slice %arg33[%dma_start3A_124, %dma_start3A_125] : memref<10240x64xf32, #tpu.memory_space<vmem_shared>> -> memref<10240x64xf32, #tpu.memory_space<vmem_shared>>
      tpu.enqueue_indirect_dma source(%arg9 : memref<128x64xf32, #tpu.memory_space<vmem>>) target(%dma_start3A_126 : memref<10240x64xf32, #tpu.memory_space<vmem_shared>>) offsets(%dma_start3A_123 : memref<128xi32, #tpu.memory_space<vmem>>) semaphore(%arg25 : memref<!tpu.dma_semaphore, #tpu.memory_space<semaphore_mem>>) {add = true}
      %gt3A = arith.constant 0 : i32
      %gt3A_127 = arith.cmpi sgt, %add3A_108, %gt3A : i32
      %convert_element_type3A_128 = arith.extui %gt3A_127 : i1 to i32
      %cond3A_129 = arith.constant 0 : i32
      %cond3A_130 = arith.cmpi ne, %convert_element_type3A_128, %cond3A_129 : i32
      scf.if %cond3A_130 {
        %add3A_316 = arith.constant 0 : i32
        %add3A_317 = arith.addi %mul3A_110, %add3A_316 : i32
        %sub3A_318 = arith.constant 4 : i32
        %sub3A_319 = arith.subi %add3A_317, %sub3A_318 : i32
        %dma_wait3A_320 = arith.constant 0 : i32
        %dma_wait3A_321 = tpu.memref_slice %arg8[%sub3A_319, %dma_wait3A_320] : memref<80x128xi32, #tpu.memory_space<vmem>> -> memref<1x128xi32, #tpu.memory_space<vmem>>
        %dma_wait3A_322 = tpu.memref_squeeze %dma_wait3A_321 : memref<1x128xi32, #tpu.memory_space<vmem>> -> memref<128xi32, #tpu.memory_space<vmem>>
        %dma_wait3A_323 = arith.constant 0 : i32
        %dma_wait3A_324 = arith.constant 0 : i32
        %dma_wait3A_325 = tpu.memref_slice %arg33[%dma_wait3A_323, %dma_wait3A_324] : memref<10240x64xf32, #tpu.memory_space<vmem_shared>> -> memref<10240x64xf32, #tpu.memory_space<vmem_shared>>
        tpu.wait_indirect_dma semaphore(%arg29 : memref<!tpu.dma_semaphore, #tpu.memory_space<semaphore_mem>>) src(%arg13 : memref<128x64xf32, #tpu.memory_space<vmem>>) dst(%dma_wait3A_325 : memref<10240x64xf32, #tpu.memory_space<vmem_shared>>)
        %add3A_326 = arith.constant 0 : i32
        %add3A_327 = arith.addi %mul3A_110, %add3A_326 : i32
        %add3A_328 = arith.constant 4 : i32
        %add3A_329 = arith.addi %add3A_327, %add3A_328 : i32
        %dma_start3A_330 = arith.constant 0 : i32
        %dma_start3A_331 = tpu.memref_slice %arg7[%add3A_329, %dma_start3A_330] : memref<80x128xi32, #tpu.memory_space<vmem>> -> memref<1x128xi32, #tpu.memory_space<vmem>>
        %dma_start3A_332 = tpu.memref_squeeze %dma_start3A_331 : memref<1x128xi32, #tpu.memory_space<vmem>> -> memref<128xi32, #tpu.memory_space<vmem>>
        %dma_start3A_333 = arith.constant 0 : i32
        %dma_start3A_334 = arith.constant 0 : i32
        %dma_start3A_335 = tpu.memref_slice %arg3[%dma_start3A_333, %dma_start3A_334] : memref<10240x64xf32, #tpu.memory_space<hbm>> -> memref<10240x64xf32, #tpu.memory_space<hbm>>
        tpu.enqueue_indirect_dma source(%dma_start3A_335 : memref<10240x64xf32, #tpu.memory_space<hbm>>) target(%arg13 : memref<128x64xf32, #tpu.memory_space<vmem>>) offsets(%dma_start3A_332 : memref<128xi32, #tpu.memory_space<vmem>>) semaphore(%arg21 : memref<!tpu.dma_semaphore, #tpu.memory_space<semaphore_mem>>)
      } else {
      }
      %add3A_131 = arith.constant 1 : i32
      %add3A_132 = arith.addi %mul3A_110, %add3A_131 : i32
      %dma_wait3A_133 = arith.constant 0 : i32
      %dma_wait3A_134 = tpu.memref_slice %arg7[%add3A_132, %dma_wait3A_133] : memref<80x128xi32, #tpu.memory_space<vmem>> -> memref<1x128xi32, #tpu.memory_space<vmem>>
      %dma_wait3A_135 = tpu.memref_squeeze %dma_wait3A_134 : memref<1x128xi32, #tpu.memory_space<vmem>> -> memref<128xi32, #tpu.memory_space<vmem>>
      %dma_wait3A_136 = arith.constant 0 : i32
      %dma_wait3A_137 = arith.constant 0 : i32
      %dma_wait3A_138 = tpu.memref_slice %arg3[%dma_wait3A_136, %dma_wait3A_137] : memref<10240x64xf32, #tpu.memory_space<hbm>> -> memref<10240x64xf32, #tpu.memory_space<hbm>>
      tpu.wait_indirect_dma semaphore(%arg18 : memref<!tpu.dma_semaphore, #tpu.memory_space<semaphore_mem>>) src(%dma_wait3A_138 : memref<10240x64xf32, #tpu.memory_space<hbm>>) dst(%arg10 : memref<128x64xf32, #tpu.memory_space<vmem>>)
      %add3A_139 = arith.constant 1 : i32
      %add3A_140 = arith.addi %mul3A_110, %add3A_139 : i32
      %dma_start3A_141 = arith.constant 0 : i32
      %dma_start3A_142 = tpu.memref_slice %arg8[%add3A_140, %dma_start3A_141] : memref<80x128xi32, #tpu.memory_space<vmem>> -> memref<1x128xi32, #tpu.memory_space<vmem>>
      %dma_start3A_143 = tpu.memref_squeeze %dma_start3A_142 : memref<1x128xi32, #tpu.memory_space<vmem>> -> memref<128xi32, #tpu.memory_space<vmem>>
      %dma_start3A_144 = arith.constant 0 : i32
      %dma_start3A_145 = arith.constant 0 : i32
      %dma_start3A_146 = tpu.memref_slice %arg33[%dma_start3A_144, %dma_start3A_145] : memref<10240x64xf32, #tpu.memory_space<vmem_shared>> -> memref<10240x64xf32, #tpu.memory_space<vmem_shared>>
      tpu.enqueue_indirect_dma source(%arg10 : memref<128x64xf32, #tpu.memory_space<vmem>>) target(%dma_start3A_146 : memref<10240x64xf32, #tpu.memory_space<vmem_shared>>) offsets(%dma_start3A_143 : memref<128xi32, #tpu.memory_space<vmem>>) semaphore(%arg26 : memref<!tpu.dma_semaphore, #tpu.memory_space<semaphore_mem>>) {add = true}
      %gt3A_147 = arith.constant 0 : i32
      %gt3A_148 = arith.cmpi sgt, %add3A_108, %gt3A_147 : i32
      %convert_element_type3A_149 = arith.extui %gt3A_148 : i1 to i32
      %cond3A_150 = arith.constant 0 : i32
      %cond3A_151 = arith.cmpi ne, %convert_element_type3A_149, %cond3A_150 : i32
      scf.if %cond3A_151 {
        %add3A_316 = arith.constant 1 : i32
        %add3A_317 = arith.addi %mul3A_110, %add3A_316 : i32
        %sub3A_318 = arith.constant 4 : i32
        %sub3A_319 = arith.subi %add3A_317, %sub3A_318 : i32
        %dma_wait3A_320 = arith.constant 0 : i32
        %dma_wait3A_321 = tpu.memref_slice %arg8[%sub3A_319, %dma_wait3A_320] : memref<80x128xi32, #tpu.memory_space<vmem>> -> memref<1x128xi32, #tpu.memory_space<vmem>>
        %dma_wait3A_322 = tpu.memref_squeeze %dma_wait3A_321 : memref<1x128xi32, #tpu.memory_space<vmem>> -> memref<128xi32, #tpu.memory_space<vmem>>
        %dma_wait3A_323 = arith.constant 0 : i32
        %dma_wait3A_324 = arith.constant 0 : i32
        %dma_wait3A_325 = tpu.memref_slice %arg33[%dma_wait3A_323, %dma_wait3A_324] : memref<10240x64xf32, #tpu.memory_space<vmem_shared>> -> memref<10240x64xf32, #tpu.memory_space<vmem_shared>>
        tpu.wait_indirect_dma semaphore(%arg30 : memref<!tpu.dma_semaphore, #tpu.memory_space<semaphore_mem>>) src(%arg14 : memref<128x64xf32, #tpu.memory_space<vmem>>) dst(%dma_wait3A_325 : memref<10240x64xf32, #tpu.memory_space<vmem_shared>>)
        %add3A_326 = arith.constant 1 : i32
        %add3A_327 = arith.addi %mul3A_110, %add3A_326 : i32
        %add3A_328 = arith.constant 4 : i32
        %add3A_329 = arith.addi %add3A_327, %add3A_328 : i32
        %dma_start3A_330 = arith.constant 0 : i32
        %dma_start3A_331 = tpu.memref_slice %arg7[%add3A_329, %dma_start3A_330] : memref<80x128xi32, #tpu.memory_space<vmem>> -> memref<1x128xi32, #tpu.memory_space<vmem>>
        %dma_start3A_332 = tpu.memref_squeeze %dma_start3A_331 : memref<1x128xi32, #tpu.memory_space<vmem>> -> memref<128xi32, #tpu.memory_space<vmem>>
        %dma_start3A_333 = arith.constant 0 : i32
        %dma_start3A_334 = arith.constant 0 : i32
        %dma_start3A_335 = tpu.memref_slice %arg3[%dma_start3A_333, %dma_start3A_334] : memref<10240x64xf32, #tpu.memory_space<hbm>> -> memref<10240x64xf32, #tpu.memory_space<hbm>>
        tpu.enqueue_indirect_dma source(%dma_start3A_335 : memref<10240x64xf32, #tpu.memory_space<hbm>>) target(%arg14 : memref<128x64xf32, #tpu.memory_space<vmem>>) offsets(%dma_start3A_332 : memref<128xi32, #tpu.memory_space<vmem>>) semaphore(%arg22 : memref<!tpu.dma_semaphore, #tpu.memory_space<semaphore_mem>>)
      } else {
      }
      %add3A_152 = arith.constant 2 : i32
      %add3A_153 = arith.addi %mul3A_110, %add3A_152 : i32
      %dma_wait3A_154 = arith.constant 0 : i32
      %dma_wait3A_155 = tpu.memref_slice %arg7[%add3A_153, %dma_wait3A_154] : memref<80x128xi32, #tpu.memory_space<vmem>> -> memref<1x128xi32, #tpu.memory_space<vmem>>
      %dma_wait3A_156 = tpu.memref_squeeze %dma_wait3A_155 : memref<1x128xi32, #tpu.memory_space<vmem>> -> memref<128xi32, #tpu.memory_space<vmem>>
      %dma_wait3A_157 = arith.constant 0 : i32
      %dma_wait3A_158 = arith.constant 0 : i32
      %dma_wait3A_159 = tpu.memref_slice %arg3[%dma_wait3A_157, %dma_wait3A_158] : memref<10240x64xf32, #tpu.memory_space<hbm>> -> memref<10240x64xf32, #tpu.memory_space<hbm>>
      tpu.wait_indirect_dma semaphore(%arg19 : memref<!tpu.dma_semaphore, #tpu.memory_space<semaphore_mem>>) src(%dma_wait3A_159 : memref<10240x64xf32, #tpu.memory_space<hbm>>) dst(%arg11 : memref<128x64xf32, #tpu.memory_space<vmem>>)
      %add3A_160 = arith.constant 2 : i32
      %add3A_161 = arith.addi %mul3A_110, %add3A_160 : i32
      %dma_start3A_162 = arith.constant 0 : i32
      %dma_start3A_163 = tpu.memref_slice %arg8[%add3A_161, %dma_start3A_162] : memref<80x128xi32, #tpu.memory_space<vmem>> -> memref<1x128xi32, #tpu.memory_space<vmem>>
      %dma_start3A_164 = tpu.memref_squeeze %dma_start3A_163 : memref<1x128xi32, #tpu.memory_space<vmem>> -> memref<128xi32, #tpu.memory_space<vmem>>
      %dma_start3A_165 = arith.constant 0 : i32
      %dma_start3A_166 = arith.constant 0 : i32
      %dma_start3A_167 = tpu.memref_slice %arg33[%dma_start3A_165, %dma_start3A_166] : memref<10240x64xf32, #tpu.memory_space<vmem_shared>> -> memref<10240x64xf32, #tpu.memory_space<vmem_shared>>
      tpu.enqueue_indirect_dma source(%arg11 : memref<128x64xf32, #tpu.memory_space<vmem>>) target(%dma_start3A_167 : memref<10240x64xf32, #tpu.memory_space<vmem_shared>>) offsets(%dma_start3A_164 : memref<128xi32, #tpu.memory_space<vmem>>) semaphore(%arg27 : memref<!tpu.dma_semaphore, #tpu.memory_space<semaphore_mem>>) {add = true}
      %gt3A_168 = arith.constant 0 : i32
      %gt3A_169 = arith.cmpi sgt, %add3A_108, %gt3A_168 : i32
      %convert_element_type3A_170 = arith.extui %gt3A_169 : i1 to i32
      %cond3A_171 = arith.constant 0 : i32
      %cond3A_172 = arith.cmpi ne, %convert_element_type3A_170, %cond3A_171 : i32
      scf.if %cond3A_172 {
        %add3A_316 = arith.constant 2 : i32
        %add3A_317 = arith.addi %mul3A_110, %add3A_316 : i32
        %sub3A_318 = arith.constant 4 : i32
        %sub3A_319 = arith.subi %add3A_317, %sub3A_318 : i32
        %dma_wait3A_320 = arith.constant 0 : i32
        %dma_wait3A_321 = tpu.memref_slice %arg8[%sub3A_319, %dma_wait3A_320] : memref<80x128xi32, #tpu.memory_space<vmem>> -> memref<1x128xi32, #tpu.memory_space<vmem>>
        %dma_wait3A_322 = tpu.memref_squeeze %dma_wait3A_321 : memref<1x128xi32, #tpu.memory_space<vmem>> -> memref<128xi32, #tpu.memory_space<vmem>>
        %dma_wait3A_323 = arith.constant 0 : i32
        %dma_wait3A_324 = arith.constant 0 : i32
        %dma_wait3A_325 = tpu.memref_slice %arg33[%dma_wait3A_323, %dma_wait3A_324] : memref<10240x64xf32, #tpu.memory_space<vmem_shared>> -> memref<10240x64xf32, #tpu.memory_space<vmem_shared>>
        tpu.wait_indirect_dma semaphore(%arg31 : memref<!tpu.dma_semaphore, #tpu.memory_space<semaphore_mem>>) src(%arg15 : memref<128x64xf32, #tpu.memory_space<vmem>>) dst(%dma_wait3A_325 : memref<10240x64xf32, #tpu.memory_space<vmem_shared>>)
        %add3A_326 = arith.constant 2 : i32
        %add3A_327 = arith.addi %mul3A_110, %add3A_326 : i32
        %add3A_328 = arith.constant 4 : i32
        %add3A_329 = arith.addi %add3A_327, %add3A_328 : i32
        %dma_start3A_330 = arith.constant 0 : i32
        %dma_start3A_331 = tpu.memref_slice %arg7[%add3A_329, %dma_start3A_330] : memref<80x128xi32, #tpu.memory_space<vmem>> -> memref<1x128xi32, #tpu.memory_space<vmem>>
        %dma_start3A_332 = tpu.memref_squeeze %dma_start3A_331 : memref<1x128xi32, #tpu.memory_space<vmem>> -> memref<128xi32, #tpu.memory_space<vmem>>
        %dma_start3A_333 = arith.constant 0 : i32
        %dma_start3A_334 = arith.constant 0 : i32
        %dma_start3A_335 = tpu.memref_slice %arg3[%dma_start3A_333, %dma_start3A_334] : memref<10240x64xf32, #tpu.memory_space<hbm>> -> memref<10240x64xf32, #tpu.memory_space<hbm>>
        tpu.enqueue_indirect_dma source(%dma_start3A_335 : memref<10240x64xf32, #tpu.memory_space<hbm>>) target(%arg15 : memref<128x64xf32, #tpu.memory_space<vmem>>) offsets(%dma_start3A_332 : memref<128xi32, #tpu.memory_space<vmem>>) semaphore(%arg23 : memref<!tpu.dma_semaphore, #tpu.memory_space<semaphore_mem>>)
      } else {
      }
      %add3A_173 = arith.constant 3 : i32
      %add3A_174 = arith.addi %mul3A_110, %add3A_173 : i32
      %dma_wait3A_175 = arith.constant 0 : i32
      %dma_wait3A_176 = tpu.memref_slice %arg7[%add3A_174, %dma_wait3A_175] : memref<80x128xi32, #tpu.memory_space<vmem>> -> memref<1x128xi32, #tpu.memory_space<vmem>>
      %dma_wait3A_177 = tpu.memref_squeeze %dma_wait3A_176 : memref<1x128xi32, #tpu.memory_space<vmem>> -> memref<128xi32, #tpu.memory_space<vmem>>
      %dma_wait3A_178 = arith.constant 0 : i32
      %dma_wait3A_179 = arith.constant 0 : i32
      %dma_wait3A_180 = tpu.memref_slice %arg3[%dma_wait3A_178, %dma_wait3A_179] : memref<10240x64xf32, #tpu.memory_space<hbm>> -> memref<10240x64xf32, #tpu.memory_space<hbm>>
      tpu.wait_indirect_dma semaphore(%arg20 : memref<!tpu.dma_semaphore, #tpu.memory_space<semaphore_mem>>) src(%dma_wait3A_180 : memref<10240x64xf32, #tpu.memory_space<hbm>>) dst(%arg12 : memref<128x64xf32, #tpu.memory_space<vmem>>)
      %add3A_181 = arith.constant 3 : i32
      %add3A_182 = arith.addi %mul3A_110, %add3A_181 : i32
      %dma_start3A_183 = arith.constant 0 : i32
      %dma_start3A_184 = tpu.memref_slice %arg8[%add3A_182, %dma_start3A_183] : memref<80x128xi32, #tpu.memory_space<vmem>> -> memref<1x128xi32, #tpu.memory_space<vmem>>
      %dma_start3A_185 = tpu.memref_squeeze %dma_start3A_184 : memref<1x128xi32, #tpu.memory_space<vmem>> -> memref<128xi32, #tpu.memory_space<vmem>>
      %dma_start3A_186 = arith.constant 0 : i32
      %dma_start3A_187 = arith.constant 0 : i32
      %dma_start3A_188 = tpu.memref_slice %arg33[%dma_start3A_186, %dma_start3A_187] : memref<10240x64xf32, #tpu.memory_space<vmem_shared>> -> memref<10240x64xf32, #tpu.memory_space<vmem_shared>>
      tpu.enqueue_indirect_dma source(%arg12 : memref<128x64xf32, #tpu.memory_space<vmem>>) target(%dma_start3A_188 : memref<10240x64xf32, #tpu.memory_space<vmem_shared>>) offsets(%dma_start3A_185 : memref<128xi32, #tpu.memory_space<vmem>>) semaphore(%arg28 : memref<!tpu.dma_semaphore, #tpu.memory_space<semaphore_mem>>) {add = true}
      %gt3A_189 = arith.constant 0 : i32
      %gt3A_190 = arith.cmpi sgt, %add3A_108, %gt3A_189 : i32
      %convert_element_type3A_191 = arith.extui %gt3A_190 : i1 to i32
      %cond3A_192 = arith.constant 0 : i32
      %cond3A_193 = arith.cmpi ne, %convert_element_type3A_191, %cond3A_192 : i32
      scf.if %cond3A_193 {
        %add3A_316 = arith.constant 3 : i32
        %add3A_317 = arith.addi %mul3A_110, %add3A_316 : i32
        %sub3A_318 = arith.constant 4 : i32
        %sub3A_319 = arith.subi %add3A_317, %sub3A_318 : i32
        %dma_wait3A_320 = arith.constant 0 : i32
        %dma_wait3A_321 = tpu.memref_slice %arg8[%sub3A_319, %dma_wait3A_320] : memref<80x128xi32, #tpu.memory_space<vmem>> -> memref<1x128xi32, #tpu.memory_space<vmem>>
        %dma_wait3A_322 = tpu.memref_squeeze %dma_wait3A_321 : memref<1x128xi32, #tpu.memory_space<vmem>> -> memref<128xi32, #tpu.memory_space<vmem>>
        %dma_wait3A_323 = arith.constant 0 : i32
        %dma_wait3A_324 = arith.constant 0 : i32
        %dma_wait3A_325 = tpu.memref_slice %arg33[%dma_wait3A_323, %dma_wait3A_324] : memref<10240x64xf32, #tpu.memory_space<vmem_shared>> -> memref<10240x64xf32, #tpu.memory_space<vmem_shared>>
        tpu.wait_indirect_dma semaphore(%arg32 : memref<!tpu.dma_semaphore, #tpu.memory_space<semaphore_mem>>) src(%arg16 : memref<128x64xf32, #tpu.memory_space<vmem>>) dst(%dma_wait3A_325 : memref<10240x64xf32, #tpu.memory_space<vmem_shared>>)
        %add3A_326 = arith.constant 3 : i32
        %add3A_327 = arith.addi %mul3A_110, %add3A_326 : i32
        %add3A_328 = arith.constant 4 : i32
        %add3A_329 = arith.addi %add3A_327, %add3A_328 : i32
        %dma_start3A_330 = arith.constant 0 : i32
        %dma_start3A_331 = tpu.memref_slice %arg7[%add3A_329, %dma_start3A_330] : memref<80x128xi32, #tpu.memory_space<vmem>> -> memref<1x128xi32, #tpu.memory_space<vmem>>
        %dma_start3A_332 = tpu.memref_squeeze %dma_start3A_331 : memref<1x128xi32, #tpu.memory_space<vmem>> -> memref<128xi32, #tpu.memory_space<vmem>>
        %dma_start3A_333 = arith.constant 0 : i32
        %dma_start3A_334 = arith.constant 0 : i32
        %dma_start3A_335 = tpu.memref_slice %arg3[%dma_start3A_333, %dma_start3A_334] : memref<10240x64xf32, #tpu.memory_space<hbm>> -> memref<10240x64xf32, #tpu.memory_space<hbm>>
        tpu.enqueue_indirect_dma source(%dma_start3A_335 : memref<10240x64xf32, #tpu.memory_space<hbm>>) target(%arg16 : memref<128x64xf32, #tpu.memory_space<vmem>>) offsets(%dma_start3A_332 : memref<128xi32, #tpu.memory_space<vmem>>) semaphore(%arg24 : memref<!tpu.dma_semaphore, #tpu.memory_space<semaphore_mem>>)
      } else {
      }
      %add3A_194 = arith.constant 4 : i32
      %add3A_195 = arith.addi %mul3A_110, %add3A_194 : i32
      %dma_wait3A_196 = arith.constant 0 : i32
      %dma_wait3A_197 = tpu.memref_slice %arg7[%add3A_195, %dma_wait3A_196] : memref<80x128xi32, #tpu.memory_space<vmem>> -> memref<1x128xi32, #tpu.memory_space<vmem>>
      %dma_wait3A_198 = tpu.memref_squeeze %dma_wait3A_197 : memref<1x128xi32, #tpu.memory_space<vmem>> -> memref<128xi32, #tpu.memory_space<vmem>>
      %dma_wait3A_199 = arith.constant 0 : i32
      %dma_wait3A_200 = arith.constant 0 : i32
      %dma_wait3A_201 = tpu.memref_slice %arg3[%dma_wait3A_199, %dma_wait3A_200] : memref<10240x64xf32, #tpu.memory_space<hbm>> -> memref<10240x64xf32, #tpu.memory_space<hbm>>
      tpu.wait_indirect_dma semaphore(%arg21 : memref<!tpu.dma_semaphore, #tpu.memory_space<semaphore_mem>>) src(%dma_wait3A_201 : memref<10240x64xf32, #tpu.memory_space<hbm>>) dst(%arg13 : memref<128x64xf32, #tpu.memory_space<vmem>>)
      %add3A_202 = arith.constant 4 : i32
      %add3A_203 = arith.addi %mul3A_110, %add3A_202 : i32
      %dma_start3A_204 = arith.constant 0 : i32
      %dma_start3A_205 = tpu.memref_slice %arg8[%add3A_203, %dma_start3A_204] : memref<80x128xi32, #tpu.memory_space<vmem>> -> memref<1x128xi32, #tpu.memory_space<vmem>>
      %dma_start3A_206 = tpu.memref_squeeze %dma_start3A_205 : memref<1x128xi32, #tpu.memory_space<vmem>> -> memref<128xi32, #tpu.memory_space<vmem>>
      %dma_start3A_207 = arith.constant 0 : i32
      %dma_start3A_208 = arith.constant 0 : i32
      %dma_start3A_209 = tpu.memref_slice %arg33[%dma_start3A_207, %dma_start3A_208] : memref<10240x64xf32, #tpu.memory_space<vmem_shared>> -> memref<10240x64xf32, #tpu.memory_space<vmem_shared>>
      tpu.enqueue_indirect_dma source(%arg13 : memref<128x64xf32, #tpu.memory_space<vmem>>) target(%dma_start3A_209 : memref<10240x64xf32, #tpu.memory_space<vmem_shared>>) offsets(%dma_start3A_206 : memref<128xi32, #tpu.memory_space<vmem>>) semaphore(%arg29 : memref<!tpu.dma_semaphore, #tpu.memory_space<semaphore_mem>>) {add = true}
      %add3A_210 = arith.constant 4 : i32
      %add3A_211 = arith.addi %mul3A_110, %add3A_210 : i32
      %sub3A = arith.constant 4 : i32
      %sub3A_212 = arith.subi %add3A_211, %sub3A : i32
      %dma_wait3A_213 = arith.constant 0 : i32
      %dma_wait3A_214 = tpu.memref_slice %arg8[%sub3A_212, %dma_wait3A_213] : memref<80x128xi32, #tpu.memory_space<vmem>> -> memref<1x128xi32, #tpu.memory_space<vmem>>
      %dma_wait3A_215 = tpu.memref_squeeze %dma_wait3A_214 : memref<1x128xi32, #tpu.memory_space<vmem>> -> memref<128xi32, #tpu.memory_space<vmem>>
      %dma_wait3A_216 = arith.constant 0 : i32
      %dma_wait3A_217 = arith.constant 0 : i32
      %dma_wait3A_218 = tpu.memref_slice %arg33[%dma_wait3A_216, %dma_wait3A_217] : memref<10240x64xf32, #tpu.memory_space<vmem_shared>> -> memref<10240x64xf32, #tpu.memory_space<vmem_shared>>
      tpu.wait_indirect_dma semaphore(%arg25 : memref<!tpu.dma_semaphore, #tpu.memory_space<semaphore_mem>>) src(%arg9 : memref<128x64xf32, #tpu.memory_space<vmem>>) dst(%dma_wait3A_218 : memref<10240x64xf32, #tpu.memory_space<vmem_shared>>)
      %lt3A = arith.constant 9 : i32
      %lt3A_219 = arith.cmpi slt, %add3A_108, %lt3A : i32
      %convert_element_type3A_220 = arith.extui %lt3A_219 : i1 to i32
      %cond3A_221 = arith.constant 0 : i32
      %cond3A_222 = arith.cmpi ne, %convert_element_type3A_220, %cond3A_221 : i32
      scf.if %cond3A_222 {
        %add3A_316 = arith.constant 4 : i32
        %add3A_317 = arith.addi %mul3A_110, %add3A_316 : i32
        %add3A_318 = arith.constant 4 : i32
        %add3A_319 = arith.addi %add3A_317, %add3A_318 : i32
        %dma_start3A_320 = arith.constant 0 : i32
        %dma_start3A_321 = tpu.memref_slice %arg7[%add3A_319, %dma_start3A_320] : memref<80x128xi32, #tpu.memory_space<vmem>> -> memref<1x128xi32, #tpu.memory_space<vmem>>
        %dma_start3A_322 = tpu.memref_squeeze %dma_start3A_321 : memref<1x128xi32, #tpu.memory_space<vmem>> -> memref<128xi32, #tpu.memory_space<vmem>>
        %dma_start3A_323 = arith.constant 0 : i32
        %dma_start3A_324 = arith.constant 0 : i32
        %dma_start3A_325 = tpu.memref_slice %arg3[%dma_start3A_323, %dma_start3A_324] : memref<10240x64xf32, #tpu.memory_space<hbm>> -> memref<10240x64xf32, #tpu.memory_space<hbm>>
        tpu.enqueue_indirect_dma source(%dma_start3A_325 : memref<10240x64xf32, #tpu.memory_space<hbm>>) target(%arg9 : memref<128x64xf32, #tpu.memory_space<vmem>>) offsets(%dma_start3A_322 : memref<128xi32, #tpu.memory_space<vmem>>) semaphore(%arg17 : memref<!tpu.dma_semaphore, #tpu.memory_space<semaphore_mem>>)
      } else {
      }
      %add3A_223 = arith.constant 5 : i32
      %add3A_224 = arith.addi %mul3A_110, %add3A_223 : i32
      %dma_wait3A_225 = arith.constant 0 : i32
      %dma_wait3A_226 = tpu.memref_slice %arg7[%add3A_224, %dma_wait3A_225] : memref<80x128xi32, #tpu.memory_space<vmem>> -> memref<1x128xi32, #tpu.memory_space<vmem>>
      %dma_wait3A_227 = tpu.memref_squeeze %dma_wait3A_226 : memref<1x128xi32, #tpu.memory_space<vmem>> -> memref<128xi32, #tpu.memory_space<vmem>>
      %dma_wait3A_228 = arith.constant 0 : i32
      %dma_wait3A_229 = arith.constant 0 : i32
      %dma_wait3A_230 = tpu.memref_slice %arg3[%dma_wait3A_228, %dma_wait3A_229] : memref<10240x64xf32, #tpu.memory_space<hbm>> -> memref<10240x64xf32, #tpu.memory_space<hbm>>
      tpu.wait_indirect_dma semaphore(%arg22 : memref<!tpu.dma_semaphore, #tpu.memory_space<semaphore_mem>>) src(%dma_wait3A_230 : memref<10240x64xf32, #tpu.memory_space<hbm>>) dst(%arg14 : memref<128x64xf32, #tpu.memory_space<vmem>>)
      %add3A_231 = arith.constant 5 : i32
      %add3A_232 = arith.addi %mul3A_110, %add3A_231 : i32
      %dma_start3A_233 = arith.constant 0 : i32
      %dma_start3A_234 = tpu.memref_slice %arg8[%add3A_232, %dma_start3A_233] : memref<80x128xi32, #tpu.memory_space<vmem>> -> memref<1x128xi32, #tpu.memory_space<vmem>>
      %dma_start3A_235 = tpu.memref_squeeze %dma_start3A_234 : memref<1x128xi32, #tpu.memory_space<vmem>> -> memref<128xi32, #tpu.memory_space<vmem>>
      %dma_start3A_236 = arith.constant 0 : i32
      %dma_start3A_237 = arith.constant 0 : i32
      %dma_start3A_238 = tpu.memref_slice %arg33[%dma_start3A_236, %dma_start3A_237] : memref<10240x64xf32, #tpu.memory_space<vmem_shared>> -> memref<10240x64xf32, #tpu.memory_space<vmem_shared>>
      tpu.enqueue_indirect_dma source(%arg14 : memref<128x64xf32, #tpu.memory_space<vmem>>) target(%dma_start3A_238 : memref<10240x64xf32, #tpu.memory_space<vmem_shared>>) offsets(%dma_start3A_235 : memref<128xi32, #tpu.memory_space<vmem>>) semaphore(%arg30 : memref<!tpu.dma_semaphore, #tpu.memory_space<semaphore_mem>>) {add = true}
      %add3A_239 = arith.constant 5 : i32
      %add3A_240 = arith.addi %mul3A_110, %add3A_239 : i32
      %sub3A_241 = arith.constant 4 : i32
      %sub3A_242 = arith.subi %add3A_240, %sub3A_241 : i32
      %dma_wait3A_243 = arith.constant 0 : i32
      %dma_wait3A_244 = tpu.memref_slice %arg8[%sub3A_242, %dma_wait3A_243] : memref<80x128xi32, #tpu.memory_space<vmem>> -> memref<1x128xi32, #tpu.memory_space<vmem>>
      %dma_wait3A_245 = tpu.memref_squeeze %dma_wait3A_244 : memref<1x128xi32, #tpu.memory_space<vmem>> -> memref<128xi32, #tpu.memory_space<vmem>>
      %dma_wait3A_246 = arith.constant 0 : i32
      %dma_wait3A_247 = arith.constant 0 : i32
      %dma_wait3A_248 = tpu.memref_slice %arg33[%dma_wait3A_246, %dma_wait3A_247] : memref<10240x64xf32, #tpu.memory_space<vmem_shared>> -> memref<10240x64xf32, #tpu.memory_space<vmem_shared>>
      tpu.wait_indirect_dma semaphore(%arg26 : memref<!tpu.dma_semaphore, #tpu.memory_space<semaphore_mem>>) src(%arg10 : memref<128x64xf32, #tpu.memory_space<vmem>>) dst(%dma_wait3A_248 : memref<10240x64xf32, #tpu.memory_space<vmem_shared>>)
      %lt3A_249 = arith.constant 9 : i32
      %lt3A_250 = arith.cmpi slt, %add3A_108, %lt3A_249 : i32
      %convert_element_type3A_251 = arith.extui %lt3A_250 : i1 to i32
      %cond3A_252 = arith.constant 0 : i32
      %cond3A_253 = arith.cmpi ne, %convert_element_type3A_251, %cond3A_252 : i32
      scf.if %cond3A_253 {
        %add3A_316 = arith.constant 5 : i32
        %add3A_317 = arith.addi %mul3A_110, %add3A_316 : i32
        %add3A_318 = arith.constant 4 : i32
        %add3A_319 = arith.addi %add3A_317, %add3A_318 : i32
        %dma_start3A_320 = arith.constant 0 : i32
        %dma_start3A_321 = tpu.memref_slice %arg7[%add3A_319, %dma_start3A_320] : memref<80x128xi32, #tpu.memory_space<vmem>> -> memref<1x128xi32, #tpu.memory_space<vmem>>
        %dma_start3A_322 = tpu.memref_squeeze %dma_start3A_321 : memref<1x128xi32, #tpu.memory_space<vmem>> -> memref<128xi32, #tpu.memory_space<vmem>>
        %dma_start3A_323 = arith.constant 0 : i32
        %dma_start3A_324 = arith.constant 0 : i32
        %dma_start3A_325 = tpu.memref_slice %arg3[%dma_start3A_323, %dma_start3A_324] : memref<10240x64xf32, #tpu.memory_space<hbm>> -> memref<10240x64xf32, #tpu.memory_space<hbm>>
        tpu.enqueue_indirect_dma source(%dma_start3A_325 : memref<10240x64xf32, #tpu.memory_space<hbm>>) target(%arg10 : memref<128x64xf32, #tpu.memory_space<vmem>>) offsets(%dma_start3A_322 : memref<128xi32, #tpu.memory_space<vmem>>) semaphore(%arg18 : memref<!tpu.dma_semaphore, #tpu.memory_space<semaphore_mem>>)
      } else {
      }
      %add3A_254 = arith.constant 6 : i32
      %add3A_255 = arith.addi %mul3A_110, %add3A_254 : i32
      %dma_wait3A_256 = arith.constant 0 : i32
      %dma_wait3A_257 = tpu.memref_slice %arg7[%add3A_255, %dma_wait3A_256] : memref<80x128xi32, #tpu.memory_space<vmem>> -> memref<1x128xi32, #tpu.memory_space<vmem>>
      %dma_wait3A_258 = tpu.memref_squeeze %dma_wait3A_257 : memref<1x128xi32, #tpu.memory_space<vmem>> -> memref<128xi32, #tpu.memory_space<vmem>>
      %dma_wait3A_259 = arith.constant 0 : i32
      %dma_wait3A_260 = arith.constant 0 : i32
      %dma_wait3A_261 = tpu.memref_slice %arg3[%dma_wait3A_259, %dma_wait3A_260] : memref<10240x64xf32, #tpu.memory_space<hbm>> -> memref<10240x64xf32, #tpu.memory_space<hbm>>
      tpu.wait_indirect_dma semaphore(%arg23 : memref<!tpu.dma_semaphore, #tpu.memory_space<semaphore_mem>>) src(%dma_wait3A_261 : memref<10240x64xf32, #tpu.memory_space<hbm>>) dst(%arg15 : memref<128x64xf32, #tpu.memory_space<vmem>>)
      %add3A_262 = arith.constant 6 : i32
      %add3A_263 = arith.addi %mul3A_110, %add3A_262 : i32
      %dma_start3A_264 = arith.constant 0 : i32
      %dma_start3A_265 = tpu.memref_slice %arg8[%add3A_263, %dma_start3A_264] : memref<80x128xi32, #tpu.memory_space<vmem>> -> memref<1x128xi32, #tpu.memory_space<vmem>>
      %dma_start3A_266 = tpu.memref_squeeze %dma_start3A_265 : memref<1x128xi32, #tpu.memory_space<vmem>> -> memref<128xi32, #tpu.memory_space<vmem>>
      %dma_start3A_267 = arith.constant 0 : i32
      %dma_start3A_268 = arith.constant 0 : i32
      %dma_start3A_269 = tpu.memref_slice %arg33[%dma_start3A_267, %dma_start3A_268] : memref<10240x64xf32, #tpu.memory_space<vmem_shared>> -> memref<10240x64xf32, #tpu.memory_space<vmem_shared>>
      tpu.enqueue_indirect_dma source(%arg15 : memref<128x64xf32, #tpu.memory_space<vmem>>) target(%dma_start3A_269 : memref<10240x64xf32, #tpu.memory_space<vmem_shared>>) offsets(%dma_start3A_266 : memref<128xi32, #tpu.memory_space<vmem>>) semaphore(%arg31 : memref<!tpu.dma_semaphore, #tpu.memory_space<semaphore_mem>>) {add = true}
      %add3A_270 = arith.constant 6 : i32
      %add3A_271 = arith.addi %mul3A_110, %add3A_270 : i32
      %sub3A_272 = arith.constant 4 : i32
      %sub3A_273 = arith.subi %add3A_271, %sub3A_272 : i32
      %dma_wait3A_274 = arith.constant 0 : i32
      %dma_wait3A_275 = tpu.memref_slice %arg8[%sub3A_273, %dma_wait3A_274] : memref<80x128xi32, #tpu.memory_space<vmem>> -> memref<1x128xi32, #tpu.memory_space<vmem>>
      %dma_wait3A_276 = tpu.memref_squeeze %dma_wait3A_275 : memref<1x128xi32, #tpu.memory_space<vmem>> -> memref<128xi32, #tpu.memory_space<vmem>>
      %dma_wait3A_277 = arith.constant 0 : i32
      %dma_wait3A_278 = arith.constant 0 : i32
      %dma_wait3A_279 = tpu.memref_slice %arg33[%dma_wait3A_277, %dma_wait3A_278] : memref<10240x64xf32, #tpu.memory_space<vmem_shared>> -> memref<10240x64xf32, #tpu.memory_space<vmem_shared>>
      tpu.wait_indirect_dma semaphore(%arg27 : memref<!tpu.dma_semaphore, #tpu.memory_space<semaphore_mem>>) src(%arg11 : memref<128x64xf32, #tpu.memory_space<vmem>>) dst(%dma_wait3A_279 : memref<10240x64xf32, #tpu.memory_space<vmem_shared>>)
      %lt3A_280 = arith.constant 9 : i32
      %lt3A_281 = arith.cmpi slt, %add3A_108, %lt3A_280 : i32
      %convert_element_type3A_282 = arith.extui %lt3A_281 : i1 to i32
      %cond3A_283 = arith.constant 0 : i32
      %cond3A_284 = arith.cmpi ne, %convert_element_type3A_282, %cond3A_283 : i32
      scf.if %cond3A_284 {
        %add3A_316 = arith.constant 6 : i32
        %add3A_317 = arith.addi %mul3A_110, %add3A_316 : i32
        %add3A_318 = arith.constant 4 : i32
        %add3A_319 = arith.addi %add3A_317, %add3A_318 : i32
        %dma_start3A_320 = arith.constant 0 : i32
        %dma_start3A_321 = tpu.memref_slice %arg7[%add3A_319, %dma_start3A_320] : memref<80x128xi32, #tpu.memory_space<vmem>> -> memref<1x128xi32, #tpu.memory_space<vmem>>
        %dma_start3A_322 = tpu.memref_squeeze %dma_start3A_321 : memref<1x128xi32, #tpu.memory_space<vmem>> -> memref<128xi32, #tpu.memory_space<vmem>>
        %dma_start3A_323 = arith.constant 0 : i32
        %dma_start3A_324 = arith.constant 0 : i32
        %dma_start3A_325 = tpu.memref_slice %arg3[%dma_start3A_323, %dma_start3A_324] : memref<10240x64xf32, #tpu.memory_space<hbm>> -> memref<10240x64xf32, #tpu.memory_space<hbm>>
        tpu.enqueue_indirect_dma source(%dma_start3A_325 : memref<10240x64xf32, #tpu.memory_space<hbm>>) target(%arg11 : memref<128x64xf32, #tpu.memory_space<vmem>>) offsets(%dma_start3A_322 : memref<128xi32, #tpu.memory_space<vmem>>) semaphore(%arg19 : memref<!tpu.dma_semaphore, #tpu.memory_space<semaphore_mem>>)
      } else {
      }
      %add3A_285 = arith.constant 7 : i32
      %add3A_286 = arith.addi %mul3A_110, %add3A_285 : i32
      %dma_wait3A_287 = arith.constant 0 : i32
      %dma_wait3A_288 = tpu.memref_slice %arg7[%add3A_286, %dma_wait3A_287] : memref<80x128xi32, #tpu.memory_space<vmem>> -> memref<1x128xi32, #tpu.memory_space<vmem>>
      %dma_wait3A_289 = tpu.memref_squeeze %dma_wait3A_288 : memref<1x128xi32, #tpu.memory_space<vmem>> -> memref<128xi32, #tpu.memory_space<vmem>>
      %dma_wait3A_290 = arith.constant 0 : i32
      %dma_wait3A_291 = arith.constant 0 : i32
      %dma_wait3A_292 = tpu.memref_slice %arg3[%dma_wait3A_290, %dma_wait3A_291] : memref<10240x64xf32, #tpu.memory_space<hbm>> -> memref<10240x64xf32, #tpu.memory_space<hbm>>
      tpu.wait_indirect_dma semaphore(%arg24 : memref<!tpu.dma_semaphore, #tpu.memory_space<semaphore_mem>>) src(%dma_wait3A_292 : memref<10240x64xf32, #tpu.memory_space<hbm>>) dst(%arg16 : memref<128x64xf32, #tpu.memory_space<vmem>>)
      %add3A_293 = arith.constant 7 : i32
      %add3A_294 = arith.addi %mul3A_110, %add3A_293 : i32
      %dma_start3A_295 = arith.constant 0 : i32
      %dma_start3A_296 = tpu.memref_slice %arg8[%add3A_294, %dma_start3A_295] : memref<80x128xi32, #tpu.memory_space<vmem>> -> memref<1x128xi32, #tpu.memory_space<vmem>>
      %dma_start3A_297 = tpu.memref_squeeze %dma_start3A_296 : memref<1x128xi32, #tpu.memory_space<vmem>> -> memref<128xi32, #tpu.memory_space<vmem>>
      %dma_start3A_298 = arith.constant 0 : i32
      %dma_start3A_299 = arith.constant 0 : i32
      %dma_start3A_300 = tpu.memref_slice %arg33[%dma_start3A_298, %dma_start3A_299] : memref<10240x64xf32, #tpu.memory_space<vmem_shared>> -> memref<10240x64xf32, #tpu.memory_space<vmem_shared>>
      tpu.enqueue_indirect_dma source(%arg16 : memref<128x64xf32, #tpu.memory_space<vmem>>) target(%dma_start3A_300 : memref<10240x64xf32, #tpu.memory_space<vmem_shared>>) offsets(%dma_start3A_297 : memref<128xi32, #tpu.memory_space<vmem>>) semaphore(%arg32 : memref<!tpu.dma_semaphore, #tpu.memory_space<semaphore_mem>>) {add = true}
      %add3A_301 = arith.constant 7 : i32
      %add3A_302 = arith.addi %mul3A_110, %add3A_301 : i32
      %sub3A_303 = arith.constant 4 : i32
      %sub3A_304 = arith.subi %add3A_302, %sub3A_303 : i32
      %dma_wait3A_305 = arith.constant 0 : i32
      %dma_wait3A_306 = tpu.memref_slice %arg8[%sub3A_304, %dma_wait3A_305] : memref<80x128xi32, #tpu.memory_space<vmem>> -> memref<1x128xi32, #tpu.memory_space<vmem>>
      %dma_wait3A_307 = tpu.memref_squeeze %dma_wait3A_306 : memref<1x128xi32, #tpu.memory_space<vmem>> -> memref<128xi32, #tpu.memory_space<vmem>>
      %dma_wait3A_308 = arith.constant 0 : i32
      %dma_wait3A_309 = arith.constant 0 : i32
      %dma_wait3A_310 = tpu.memref_slice %arg33[%dma_wait3A_308, %dma_wait3A_309] : memref<10240x64xf32, #tpu.memory_space<vmem_shared>> -> memref<10240x64xf32, #tpu.memory_space<vmem_shared>>
      tpu.wait_indirect_dma semaphore(%arg28 : memref<!tpu.dma_semaphore, #tpu.memory_space<semaphore_mem>>) src(%arg12 : memref<128x64xf32, #tpu.memory_space<vmem>>) dst(%dma_wait3A_310 : memref<10240x64xf32, #tpu.memory_space<vmem_shared>>)
      %lt3A_311 = arith.constant 9 : i32
      %lt3A_312 = arith.cmpi slt, %add3A_108, %lt3A_311 : i32
      %convert_element_type3A_313 = arith.extui %lt3A_312 : i1 to i32
      %cond3A_314 = arith.constant 0 : i32
      %cond3A_315 = arith.cmpi ne, %convert_element_type3A_313, %cond3A_314 : i32
      scf.if %cond3A_315 {
        %add3A_316 = arith.constant 7 : i32
        %add3A_317 = arith.addi %mul3A_110, %add3A_316 : i32
        %add3A_318 = arith.constant 4 : i32
        %add3A_319 = arith.addi %add3A_317, %add3A_318 : i32
        %dma_start3A_320 = arith.constant 0 : i32
        %dma_start3A_321 = tpu.memref_slice %arg7[%add3A_319, %dma_start3A_320] : memref<80x128xi32, #tpu.memory_space<vmem>> -> memref<1x128xi32, #tpu.memory_space<vmem>>
        %dma_start3A_322 = tpu.memref_squeeze %dma_start3A_321 : memref<1x128xi32, #tpu.memory_space<vmem>> -> memref<128xi32, #tpu.memory_space<vmem>>
        %dma_start3A_323 = arith.constant 0 : i32
        %dma_start3A_324 = arith.constant 0 : i32
        %dma_start3A_325 = tpu.memref_slice %arg3[%dma_start3A_323, %dma_start3A_324] : memref<10240x64xf32, #tpu.memory_space<hbm>> -> memref<10240x64xf32, #tpu.memory_space<hbm>>
        tpu.enqueue_indirect_dma source(%dma_start3A_325 : memref<10240x64xf32, #tpu.memory_space<hbm>>) target(%arg12 : memref<128x64xf32, #tpu.memory_space<vmem>>) offsets(%dma_start3A_322 : memref<128xi32, #tpu.memory_space<vmem>>) semaphore(%arg20 : memref<!tpu.dma_semaphore, #tpu.memory_space<semaphore_mem>>)
      } else {
      }
    }
    %scan3A_68 = arith.constant 10 : i32
    %dma_wait3A = arith.constant 76 : i32
    %dma_wait3A_69 = arith.constant 0 : i32
    %dma_wait3A_70 = tpu.memref_slice %arg8[%dma_wait3A, %dma_wait3A_69] : memref<80x128xi32, #tpu.memory_space<vmem>> -> memref<1x128xi32, #tpu.memory_space<vmem>>
    %dma_wait3A_71 = tpu.memref_squeeze %dma_wait3A_70 : memref<1x128xi32, #tpu.memory_space<vmem>> -> memref<128xi32, #tpu.memory_space<vmem>>
    %dma_wait3A_72 = arith.constant 0 : i32
    %dma_wait3A_73 = arith.constant 0 : i32
    %dma_wait3A_74 = tpu.memref_slice %arg33[%dma_wait3A_72, %dma_wait3A_73] : memref<10240x64xf32, #tpu.memory_space<vmem_shared>> -> memref<10240x64xf32, #tpu.memory_space<vmem_shared>>
    tpu.wait_indirect_dma semaphore(%arg29 : memref<!tpu.dma_semaphore, #tpu.memory_space<semaphore_mem>>) src(%arg13 : memref<128x64xf32, #tpu.memory_space<vmem>>) dst(%dma_wait3A_74 : memref<10240x64xf32, #tpu.memory_space<vmem_shared>>)
    %dma_wait3A_75 = arith.constant 77 : i32
    %dma_wait3A_76 = arith.constant 0 : i32
    %dma_wait3A_77 = tpu.memref_slice %arg8[%dma_wait3A_75, %dma_wait3A_76] : memref<80x128xi32, #tpu.memory_space<vmem>> -> memref<1x128xi32, #tpu.memory_space<vmem>>
    %dma_wait3A_78 = tpu.memref_squeeze %dma_wait3A_77 : memref<1x128xi32, #tpu.memory_space<vmem>> -> memref<128xi32, #tpu.memory_space<vmem>>
    %dma_wait3A_79 = arith.constant 0 : i32
    %dma_wait3A_80 = arith.constant 0 : i32
    %dma_wait3A_81 = tpu.memref_slice %arg33[%dma_wait3A_79, %dma_wait3A_80] : memref<10240x64xf32, #tpu.memory_space<vmem_shared>> -> memref<10240x64xf32, #tpu.memory_space<vmem_shared>>
    tpu.wait_indirect_dma semaphore(%arg30 : memref<!tpu.dma_semaphore, #tpu.memory_space<semaphore_mem>>) src(%arg14 : memref<128x64xf32, #tpu.memory_space<vmem>>) dst(%dma_wait3A_81 : memref<10240x64xf32, #tpu.memory_space<vmem_shared>>)
    %dma_wait3A_82 = arith.constant 78 : i32
    %dma_wait3A_83 = arith.constant 0 : i32
    %dma_wait3A_84 = tpu.memref_slice %arg8[%dma_wait3A_82, %dma_wait3A_83] : memref<80x128xi32, #tpu.memory_space<vmem>> -> memref<1x128xi32, #tpu.memory_space<vmem>>
    %dma_wait3A_85 = tpu.memref_squeeze %dma_wait3A_84 : memref<1x128xi32, #tpu.memory_space<vmem>> -> memref<128xi32, #tpu.memory_space<vmem>>
    %dma_wait3A_86 = arith.constant 0 : i32
    %dma_wait3A_87 = arith.constant 0 : i32
    %dma_wait3A_88 = tpu.memref_slice %arg33[%dma_wait3A_86, %dma_wait3A_87] : memref<10240x64xf32, #tpu.memory_space<vmem_shared>> -> memref<10240x64xf32, #tpu.memory_space<vmem_shared>>
    tpu.wait_indirect_dma semaphore(%arg31 : memref<!tpu.dma_semaphore, #tpu.memory_space<semaphore_mem>>) src(%arg15 : memref<128x64xf32, #tpu.memory_space<vmem>>) dst(%dma_wait3A_88 : memref<10240x64xf32, #tpu.memory_space<vmem_shared>>)
    %dma_wait3A_89 = arith.constant 79 : i32
    %dma_wait3A_90 = arith.constant 0 : i32
    %dma_wait3A_91 = tpu.memref_slice %arg8[%dma_wait3A_89, %dma_wait3A_90] : memref<80x128xi32, #tpu.memory_space<vmem>> -> memref<1x128xi32, #tpu.memory_space<vmem>>
    %dma_wait3A_92 = tpu.memref_squeeze %dma_wait3A_91 : memref<1x128xi32, #tpu.memory_space<vmem>> -> memref<128xi32, #tpu.memory_space<vmem>>
    %dma_wait3A_93 = arith.constant 0 : i32
    %dma_wait3A_94 = arith.constant 0 : i32
    %dma_wait3A_95 = tpu.memref_slice %arg33[%dma_wait3A_93, %dma_wait3A_94] : memref<10240x64xf32, #tpu.memory_space<vmem_shared>> -> memref<10240x64xf32, #tpu.memory_space<vmem_shared>>
    tpu.wait_indirect_dma semaphore(%arg32 : memref<!tpu.dma_semaphore, #tpu.memory_space<semaphore_mem>>) src(%arg16 : memref<128x64xf32, #tpu.memory_space<vmem>>) dst(%dma_wait3A_95 : memref<10240x64xf32, #tpu.memory_space<vmem_shared>>)
    %barrier3A_96 = arith.constant 0 : index
    tpu.barrier barrier_id(%barrier3A_96)
    %eq3A = arith.constant 0 : i32
    %eq3A_97 = arith.cmpi eq, %arg0, %eq3A : i32
    %convert_element_type3A = arith.extui %eq3A_97 : i1 to i32
    %cond3A = arith.constant 0 : i32
    %cond3A_98 = arith.cmpi ne, %convert_element_type3A, %cond3A : i32
    scf.if %cond3A_98 {
      %mul3A_104 = arith.constant 640 : i32
      %mul3A_105 = arith.muli %arg1, %mul3A_104 : i32
      %mul3A_106 = arith.constant 640 : i32
      %mul3A_107 = arith.muli %arg1, %mul3A_106 : i32
      "tpu.region"() ({
        %run_scoped3A_108 = tpu.sem_alloc : memref<!tpu.dma_semaphore, #tpu.memory_space<semaphore_mem>>
        %dma_start3A_109 = arith.constant 0 : i32
        %dma_start3A_110 = tpu.memref_slice %arg5[%mul3A_107, %dma_start3A_109] : memref<10240x64xf32, #tpu.memory_space<hbm>> -> memref<640x64xf32, #tpu.memory_space<hbm>>
        %dma_start3A_111 = arith.constant 0 : i32
        %dma_start3A_112 = tpu.memref_slice %arg33[%mul3A_105, %dma_start3A_111] : memref<10240x64xf32, #tpu.memory_space<vmem_shared>> -> memref<640x64xf32, #tpu.memory_space<vmem_shared>>
        tpu.enqueue_dma source(%dma_start3A_112 : memref<640x64xf32, #tpu.memory_space<vmem_shared>>) target(%dma_start3A_110 : memref<640x64xf32, #tpu.memory_space<hbm>>) target_semaphore(%run_scoped3A_108 : memref<!tpu.dma_semaphore, #tpu.memory_space<semaphore_mem>>)
        %dma_wait3A_113 = arith.constant 0 : i32
        %dma_wait3A_114 = tpu.memref_slice %arg5[%mul3A_107, %dma_wait3A_113] : memref<10240x64xf32, #tpu.memory_space<hbm>> -> memref<640x64xf32, #tpu.memory_space<hbm>>
        %dma_wait3A_115 = arith.constant 0 : i32
        %dma_wait3A_116 = tpu.memref_slice %arg33[%mul3A_105, %dma_wait3A_115] : memref<10240x64xf32, #tpu.memory_space<vmem_shared>> -> memref<640x64xf32, #tpu.memory_space<vmem_shared>>
        tpu.wait_dma2 semaphore(%run_scoped3A_108 : memref<!tpu.dma_semaphore, #tpu.memory_space<semaphore_mem>>) src(%dma_wait3A_116 : memref<640x64xf32, #tpu.memory_space<vmem_shared>>) dst(%dma_wait3A_114 : memref<640x64xf32, #tpu.memory_space<hbm>>)
        tpu.yield
      }) : () -> ()
    } else {
    }
    %eq3A_99 = arith.constant 1 : i32
    %eq3A_100 = arith.cmpi eq, %arg0, %eq3A_99 : i32
    %convert_element_type3A_101 = arith.extui %eq3A_100 : i1 to i32
    %cond3A_102 = arith.constant 0 : i32
    %cond3A_103 = arith.cmpi ne, %convert_element_type3A_101, %cond3A_102 : i32
    scf.if %cond3A_103 {
      %mul3A_104 = arith.constant 640 : i32
      %mul3A_105 = arith.muli %arg1, %mul3A_104 : i32
      %mul3A_106 = arith.constant 640 : i32
      %mul3A_107 = arith.muli %arg1, %mul3A_106 : i32
      "tpu.region"() ({
        %run_scoped3A_108 = tpu.sem_alloc : memref<!tpu.dma_semaphore, #tpu.memory_space<semaphore_mem>>
        %dma_start3A_109 = arith.constant 0 : i32
        %dma_start3A_110 = tpu.memref_slice %arg6[%mul3A_107, %dma_start3A_109] : memref<10240x64xf32, #tpu.memory_space<hbm>> -> memref<640x64xf32, #tpu.memory_space<hbm>>
        %dma_start3A_111 = arith.constant 0 : i32
        %dma_start3A_112 = tpu.memref_slice %arg33[%mul3A_105, %dma_start3A_111] : memref<10240x64xf32, #tpu.memory_space<vmem_shared>> -> memref<640x64xf32, #tpu.memory_space<vmem_shared>>
        tpu.enqueue_dma source(%dma_start3A_112 : memref<640x64xf32, #tpu.memory_space<vmem_shared>>) target(%dma_start3A_110 : memref<640x64xf32, #tpu.memory_space<hbm>>) target_semaphore(%run_scoped3A_108 : memref<!tpu.dma_semaphore, #tpu.memory_space<semaphore_mem>>)
        %dma_wait3A_113 = arith.constant 0 : i32
        %dma_wait3A_114 = tpu.memref_slice %arg6[%mul3A_107, %dma_wait3A_113] : memref<10240x64xf32, #tpu.memory_space<hbm>> -> memref<640x64xf32, #tpu.memory_space<hbm>>
        %dma_wait3A_115 = arith.constant 0 : i32
        %dma_wait3A_116 = tpu.memref_slice %arg33[%mul3A_105, %dma_wait3A_115] : memref<10240x64xf32, #tpu.memory_space<vmem_shared>> -> memref<640x64xf32, #tpu.memory_space<vmem_shared>>
        tpu.wait_dma2 semaphore(%run_scoped3A_108 : memref<!tpu.dma_semaphore, #tpu.memory_space<semaphore_mem>>) src(%dma_wait3A_116 : memref<640x64xf32, #tpu.memory_space<vmem_shared>>) dst(%dma_wait3A_114 : memref<640x64xf32, #tpu.memory_space<hbm>>)
        tpu.yield
      }) : () -> ()
    } else {
    }
    return
  }
}

#map = affine_map<(d0, d1) -> (0, 0, 0)>
#map1 = affine_map<(d0, d1) -> (0, 0)>
module attributes {stable_mosaic.version = 14 : i64} {
  func.func @scatter_kernel(%arg0: i32, %arg1: i32, %arg2: memref<2x2560x128xi32, #tpu.memory_space<hbm>>, %arg3: memref<10240x64xf32, #tpu.memory_space<hbm>>, %arg4: memref<10240x64xf32, #tpu.memory_space<hbm>>, %arg5: memref<10240x64xf32, #tpu.memory_space<hbm>>, %arg6: memref<10240x64xf32, #tpu.memory_space<hbm>>, %arg7: memref<80x128xi32, #tpu.memory_space<vmem>>, %arg8: memref<80x128xi32, #tpu.memory_space<vmem>>, %arg9: memref<128x64xf32, #tpu.memory_space<vmem>>, %arg10: memref<128x64xf32, #tpu.memory_space<vmem>>, %arg11: memref<128x64xf32, #tpu.memory_space<vmem>>, %arg12: memref<128x64xf32, #tpu.memory_space<vmem>>, %arg13: memref<128x64xf32, #tpu.memory_space<vmem>>, %arg14: memref<128x64xf32, #tpu.memory_space<vmem>>, %arg15: memref<128x64xf32, #tpu.memory_space<vmem>>, %arg16: memref<128x64xf32, #tpu.memory_space<vmem>>, %arg17: memref<!tpu.dma_semaphore, #tpu.memory_space<semaphore_mem>>, %arg18: memref<!tpu.dma_semaphore, #tpu.memory_space<semaphore_mem>>, %arg19: memref<!tpu.dma_semaphore, #tpu.memory_space<semaphore_mem>>, %arg20: memref<!tpu.dma_semaphore, #tpu.memory_space<semaphore_mem>>, %arg21: memref<!tpu.dma_semaphore, #tpu.memory_space<semaphore_mem>>, %arg22: memref<!tpu.dma_semaphore, #tpu.memory_space<semaphore_mem>>, %arg23: memref<!tpu.dma_semaphore, #tpu.memory_space<semaphore_mem>>, %arg24: memref<!tpu.dma_semaphore, #tpu.memory_space<semaphore_mem>>, %arg25: memref<!tpu.dma_semaphore, #tpu.memory_space<semaphore_mem>>, %arg26: memref<!tpu.dma_semaphore, #tpu.memory_space<semaphore_mem>>, %arg27: memref<!tpu.dma_semaphore, #tpu.memory_space<semaphore_mem>>, %arg28: memref<!tpu.dma_semaphore, #tpu.memory_space<semaphore_mem>>, %arg29: memref<!tpu.dma_semaphore, #tpu.memory_space<semaphore_mem>>, %arg30: memref<!tpu.dma_semaphore, #tpu.memory_space<semaphore_mem>>, %arg31: memref<!tpu.dma_semaphore, #tpu.memory_space<semaphore_mem>>, %arg32: memref<!tpu.dma_semaphore, #tpu.memory_space<semaphore_mem>>, %arg33: memref<10240x64xf32, #tpu.memory_space<vmem_shared>>) attributes {dimension_semantics = [#tpu.dimension_semantics<core_parallel>, #tpu.dimension_semantics<subcore_parallel>], iteration_bounds = array<i64: 2, 16>, scalar_prefetch = 0 : i64, scratch_operands = 27 : i64, tpu.core_type = #tpu.core_type<sc_vector_subcore>, window_params = [{transform_indices = #map}, {transform_indices = #map1}, {transform_indices = #map1}, {transform_indices = #map1}, {transform_indices = #map1}]} {
    %mul3A = arith.constant 16 : i32
    %mul3A_0 = arith.muli %arg0, %mul3A : i32
    %add3A = arith.addi %mul3A_0, %arg1 : i32
    %mul3A_1 = arith.constant 640 : i32
    %mul3A_2 = arith.muli %arg1, %mul3A_1 : i32
    %mul3A_3 = arith.constant 640 : i32
    %mul3A_4 = arith.muli %arg1, %mul3A_3 : i32
    "tpu.region"() ({
      %run_scoped3A_104 = tpu.sem_alloc : memref<!tpu.dma_semaphore, #tpu.memory_space<semaphore_mem>>
      %dma_start3A_105 = arith.constant 0 : i32
      %dma_start3A_106 = tpu.memref_slice %arg33[%mul3A_4, %dma_start3A_105] : memref<10240x64xf32, #tpu.memory_space<vmem_shared>> -> memref<640x64xf32, #tpu.memory_space<vmem_shared>>
      %dma_start3A_107 = arith.constant 0 : i32
      %dma_start3A_108 = tpu.memref_slice %arg4[%mul3A_2, %dma_start3A_107] : memref<10240x64xf32, #tpu.memory_space<hbm>> -> memref<640x64xf32, #tpu.memory_space<hbm>>
      tpu.enqueue_dma source(%dma_start3A_108 : memref<640x64xf32, #tpu.memory_space<hbm>>) target(%dma_start3A_106 : memref<640x64xf32, #tpu.memory_space<vmem_shared>>) target_semaphore(%run_scoped3A_104 : memref<!tpu.dma_semaphore, #tpu.memory_space<semaphore_mem>>)
      %dma_wait3A_109 = arith.constant 0 : i32
      %dma_wait3A_110 = tpu.memref_slice %arg33[%mul3A_4, %dma_wait3A_109] : memref<10240x64xf32, #tpu.memory_space<vmem_shared>> -> memref<640x64xf32, #tpu.memory_space<vmem_shared>>
      %dma_wait3A_111 = arith.constant 0 : i32
      %dma_wait3A_112 = tpu.memref_slice %arg4[%mul3A_2, %dma_wait3A_111] : memref<10240x64xf32, #tpu.memory_space<hbm>> -> memref<640x64xf32, #tpu.memory_space<hbm>>
      tpu.wait_dma2 semaphore(%run_scoped3A_104 : memref<!tpu.dma_semaphore, #tpu.memory_space<semaphore_mem>>) src(%dma_wait3A_112 : memref<640x64xf32, #tpu.memory_space<hbm>>) dst(%dma_wait3A_110 : memref<640x64xf32, #tpu.memory_space<vmem_shared>>)
      tpu.yield
    }) : () -> ()
    %mul3A_5 = arith.constant 80 : i32
    %mul3A_6 = arith.muli %add3A, %mul3A_5 : i32
    %run_scoped3A = arith.constant 0 : i32
    "tpu.region"() ({
      %run_scoped3A_104 = tpu.sem_alloc : memref<!tpu.dma_semaphore, #tpu.memory_space<semaphore_mem>>
      %dma_start3A_105 = arith.constant 0 : i32
      %dma_start3A_106 = tpu.memref_slice %arg2[%run_scoped3A, %mul3A_6, %dma_start3A_105] : memref<2x2560x128xi32, #tpu.memory_space<hbm>> -> memref<1x80x128xi32, #tpu.memory_space<hbm>>
      %dma_start3A_107 = tpu.memref_squeeze %dma_start3A_106 : memref<1x80x128xi32, #tpu.memory_space<hbm>> -> memref<80x128xi32, #tpu.memory_space<hbm>>
      %dma_start3A_108 = arith.constant 0 : i32
      %dma_start3A_109 = tpu.memref_slice %arg2[%run_scoped3A, %mul3A_6, %dma_start3A_108] : memref<2x2560x128xi32, #tpu.memory_space<hbm>> -> memref<1x80x128xi32, #tpu.memory_space<hbm>>
      %dma_start3A_110 = tpu.memref_squeeze %dma_start3A_109 : memref<1x80x128xi32, #tpu.memory_space<hbm>> -> memref<80x128xi32, #tpu.memory_space<hbm>>
      tpu.enqueue_dma source(%dma_start3A_110 : memref<80x128xi32, #tpu.memory_space<hbm>>) target(%arg7 : memref<80x128xi32, #tpu.memory_space<vmem>>) target_semaphore(%run_scoped3A_104 : memref<!tpu.dma_semaphore, #tpu.memory_space<semaphore_mem>>)
      %dma_wait3A_111 = arith.constant 0 : i32
      %dma_wait3A_112 = tpu.memref_slice %arg2[%run_scoped3A, %mul3A_6, %dma_wait3A_111] : memref<2x2560x128xi32, #tpu.memory_space<hbm>> -> memref<1x80x128xi32, #tpu.memory_space<hbm>>
      %dma_wait3A_113 = tpu.memref_squeeze %dma_wait3A_112 : memref<1x80x128xi32, #tpu.memory_space<hbm>> -> memref<80x128xi32, #tpu.memory_space<hbm>>
      %dma_wait3A_114 = arith.constant 0 : i32
      %dma_wait3A_115 = tpu.memref_slice %arg2[%run_scoped3A, %mul3A_6, %dma_wait3A_114] : memref<2x2560x128xi32, #tpu.memory_space<hbm>> -> memref<1x80x128xi32, #tpu.memory_space<hbm>>
      %dma_wait3A_116 = tpu.memref_squeeze %dma_wait3A_115 : memref<1x80x128xi32, #tpu.memory_space<hbm>> -> memref<80x128xi32, #tpu.memory_space<hbm>>
      tpu.wait_dma2 semaphore(%run_scoped3A_104 : memref<!tpu.dma_semaphore, #tpu.memory_space<semaphore_mem>>) src(%dma_wait3A_116 : memref<80x128xi32, #tpu.memory_space<hbm>>) dst(%arg7 : memref<80x128xi32, #tpu.memory_space<vmem>>)
      tpu.yield
    }) : () -> ()
    %mul3A_7 = arith.constant 80 : i32
    %mul3A_8 = arith.muli %add3A, %mul3A_7 : i32
    %run_scoped3A_9 = arith.constant 1 : i32
    "tpu.region"() ({
      %run_scoped3A_104 = tpu.sem_alloc : memref<!tpu.dma_semaphore, #tpu.memory_space<semaphore_mem>>
      %dma_start3A_105 = arith.constant 0 : i32
      %dma_start3A_106 = tpu.memref_slice %arg2[%run_scoped3A_9, %mul3A_8, %dma_start3A_105] : memref<2x2560x128xi32, #tpu.memory_space<hbm>> -> memref<1x80x128xi32, #tpu.memory_space<hbm>>
      %dma_start3A_107 = tpu.memref_squeeze %dma_start3A_106 : memref<1x80x128xi32, #tpu.memory_space<hbm>> -> memref<80x128xi32, #tpu.memory_space<hbm>>
      %dma_start3A_108 = arith.constant 0 : i32
      %dma_start3A_109 = tpu.memref_slice %arg2[%run_scoped3A_9, %mul3A_8, %dma_start3A_108] : memref<2x2560x128xi32, #tpu.memory_space<hbm>> -> memref<1x80x128xi32, #tpu.memory_space<hbm>>
      %dma_start3A_110 = tpu.memref_squeeze %dma_start3A_109 : memref<1x80x128xi32, #tpu.memory_space<hbm>> -> memref<80x128xi32, #tpu.memory_space<hbm>>
      tpu.enqueue_dma source(%dma_start3A_110 : memref<80x128xi32, #tpu.memory_space<hbm>>) target(%arg8 : memref<80x128xi32, #tpu.memory_space<vmem>>) target_semaphore(%run_scoped3A_104 : memref<!tpu.dma_semaphore, #tpu.memory_space<semaphore_mem>>)
      %dma_wait3A_111 = arith.constant 0 : i32
      %dma_wait3A_112 = tpu.memref_slice %arg2[%run_scoped3A_9, %mul3A_8, %dma_wait3A_111] : memref<2x2560x128xi32, #tpu.memory_space<hbm>> -> memref<1x80x128xi32, #tpu.memory_space<hbm>>
      %dma_wait3A_113 = tpu.memref_squeeze %dma_wait3A_112 : memref<1x80x128xi32, #tpu.memory_space<hbm>> -> memref<80x128xi32, #tpu.memory_space<hbm>>
      %dma_wait3A_114 = arith.constant 0 : i32
      %dma_wait3A_115 = tpu.memref_slice %arg2[%run_scoped3A_9, %mul3A_8, %dma_wait3A_114] : memref<2x2560x128xi32, #tpu.memory_space<hbm>> -> memref<1x80x128xi32, #tpu.memory_space<hbm>>
      %dma_wait3A_116 = tpu.memref_squeeze %dma_wait3A_115 : memref<1x80x128xi32, #tpu.memory_space<hbm>> -> memref<80x128xi32, #tpu.memory_space<hbm>>
      tpu.wait_dma2 semaphore(%run_scoped3A_104 : memref<!tpu.dma_semaphore, #tpu.memory_space<semaphore_mem>>) src(%dma_wait3A_116 : memref<80x128xi32, #tpu.memory_space<hbm>>) dst(%arg8 : memref<80x128xi32, #tpu.memory_space<vmem>>)
      tpu.yield
    }) : () -> ()
    %barrier3A = arith.constant 0 : index
    tpu.barrier barrier_id(%barrier3A)
    %dma_start3A = arith.constant 0 : i32
    %dma_start3A_10 = arith.constant 0 : i32
    %dma_start3A_11 = tpu.memref_slice %arg7[%dma_start3A, %dma_start3A_10] : memref<80x128xi32, #tpu.memory_space<vmem>> -> memref<1x128xi32, #tpu.memory_space<vmem>>
    %dma_start3A_12 = tpu.memref_squeeze %dma_start3A_11 : memref<1x128xi32, #tpu.memory_space<vmem>> -> memref<128xi32, #tpu.memory_space<vmem>>
    %dma_start3A_13 = arith.constant 0 : i32
    %dma_start3A_14 = arith.constant 0 : i32
    %dma_start3A_15 = tpu.memref_slice %arg3[%dma_start3A_13, %dma_start3A_14] : memref<10240x64xf32, #tpu.memory_space<hbm>> -> memref<10240x64xf32, #tpu.memory_space<hbm>>
    tpu.enqueue_indirect_dma source(%dma_start3A_15 : memref<10240x64xf32, #tpu.memory_space<hbm>>) target(%arg9 : memref<128x64xf32, #tpu.memory_space<vmem>>) offsets(%dma_start3A_12 : memref<128xi32, #tpu.memory_space<vmem>>) semaphore(%arg17 : memref<!tpu.dma_semaphore, #tpu.memory_space<semaphore_mem>>)
    %dma_start3A_16 = arith.constant 1 : i32
    %dma_start3A_17 = arith.constant 0 : i32
    %dma_start3A_18 = tpu.memref_slice %arg7[%dma_start3A_16, %dma_start3A_17] : memref<80x128xi32, #tpu.memory_space<vmem>> -> memref<1x128xi32, #tpu.memory_space<vmem>>
    %dma_start3A_19 = tpu.memref_squeeze %dma_start3A_18 : memref<1x128xi32, #tpu.memory_space<vmem>> -> memref<128xi32, #tpu.memory_space<vmem>>
    %dma_start3A_20 = arith.constant 0 : i32
    %dma_start3A_21 = arith.constant 0 : i32
    %dma_start3A_22 = tpu.memref_slice %arg3[%dma_start3A_20, %dma_start3A_21] : memref<10240x64xf32, #tpu.memory_space<hbm>> -> memref<10240x64xf32, #tpu.memory_space<hbm>>
    tpu.enqueue_indirect_dma source(%dma_start3A_22 : memref<10240x64xf32, #tpu.memory_space<hbm>>) target(%arg10 : memref<128x64xf32, #tpu.memory_space<vmem>>) offsets(%dma_start3A_19 : memref<128xi32, #tpu.memory_space<vmem>>) semaphore(%arg18 : memref<!tpu.dma_semaphore, #tpu.memory_space<semaphore_mem>>)
    %dma_start3A_23 = arith.constant 2 : i32
    %dma_start3A_24 = arith.constant 0 : i32
    %dma_start3A_25 = tpu.memref_slice %arg7[%dma_start3A_23, %dma_start3A_24] : memref<80x128xi32, #tpu.memory_space<vmem>> -> memref<1x128xi32, #tpu.memory_space<vmem>>
    %dma_start3A_26 = tpu.memref_squeeze %dma_start3A_25 : memref<1x128xi32, #tpu.memory_space<vmem>> -> memref<128xi32, #tpu.memory_space<vmem>>
    %dma_start3A_27 = arith.constant 0 : i32
    %dma_start3A_28 = arith.constant 0 : i32
    %dma_start3A_29 = tpu.memref_slice %arg3[%dma_start3A_27, %dma_start3A_28] : memref<10240x64xf32, #tpu.memory_space<hbm>> -> memref<10240x64xf32, #tpu.memory_space<hbm>>
    tpu.enqueue_indirect_dma source(%dma_start3A_29 : memref<10240x64xf32, #tpu.memory_space<hbm>>) target(%arg11 : memref<128x64xf32, #tpu.memory_space<vmem>>) offsets(%dma_start3A_26 : memref<128xi32, #tpu.memory_space<vmem>>) semaphore(%arg19 : memref<!tpu.dma_semaphore, #tpu.memory_space<semaphore_mem>>)
    %dma_start3A_30 = arith.constant 3 : i32
    %dma_start3A_31 = arith.constant 0 : i32
    %dma_start3A_32 = tpu.memref_slice %arg7[%dma_start3A_30, %dma_start3A_31] : memref<80x128xi32, #tpu.memory_space<vmem>> -> memref<1x128xi32, #tpu.memory_space<vmem>>
    %dma_start3A_33 = tpu.memref_squeeze %dma_start3A_32 : memref<1x128xi32, #tpu.memory_space<vmem>> -> memref<128xi32, #tpu.memory_space<vmem>>
    %dma_start3A_34 = arith.constant 0 : i32
    %dma_start3A_35 = arith.constant 0 : i32
    %dma_start3A_36 = tpu.memref_slice %arg3[%dma_start3A_34, %dma_start3A_35] : memref<10240x64xf32, #tpu.memory_space<hbm>> -> memref<10240x64xf32, #tpu.memory_space<hbm>>
    tpu.enqueue_indirect_dma source(%dma_start3A_36 : memref<10240x64xf32, #tpu.memory_space<hbm>>) target(%arg12 : memref<128x64xf32, #tpu.memory_space<vmem>>) offsets(%dma_start3A_33 : memref<128xi32, #tpu.memory_space<vmem>>) semaphore(%arg20 : memref<!tpu.dma_semaphore, #tpu.memory_space<semaphore_mem>>)
    %dma_start3A_37 = arith.constant 4 : i32
    %dma_start3A_38 = arith.constant 0 : i32
    %dma_start3A_39 = tpu.memref_slice %arg7[%dma_start3A_37, %dma_start3A_38] : memref<80x128xi32, #tpu.memory_space<vmem>> -> memref<1x128xi32, #tpu.memory_space<vmem>>
    %dma_start3A_40 = tpu.memref_squeeze %dma_start3A_39 : memref<1x128xi32, #tpu.memory_space<vmem>> -> memref<128xi32, #tpu.memory_space<vmem>>
    %dma_start3A_41 = arith.constant 0 : i32
    %dma_start3A_42 = arith.constant 0 : i32
    %dma_start3A_43 = tpu.memref_slice %arg3[%dma_start3A_41, %dma_start3A_42] : memref<10240x64xf32, #tpu.memory_space<hbm>> -> memref<10240x64xf32, #tpu.memory_space<hbm>>
    tpu.enqueue_indirect_dma source(%dma_start3A_43 : memref<10240x64xf32, #tpu.memory_space<hbm>>) target(%arg13 : memref<128x64xf32, #tpu.memory_space<vmem>>) offsets(%dma_start3A_40 : memref<128xi32, #tpu.memory_space<vmem>>) semaphore(%arg21 : memref<!tpu.dma_semaphore, #tpu.memory_space<semaphore_mem>>)
    %dma_start3A_44 = arith.constant 5 : i32
    %dma_start3A_45 = arith.constant 0 : i32
    %dma_start3A_46 = tpu.memref_slice %arg7[%dma_start3A_44, %dma_start3A_45] : memref<80x128xi32, #tpu.memory_space<vmem>> -> memref<1x128xi32, #tpu.memory_space<vmem>>
    %dma_start3A_47 = tpu.memref_squeeze %dma_start3A_46 : memref<1x128xi32, #tpu.memory_space<vmem>> -> memref<128xi32, #tpu.memory_space<vmem>>
    %dma_start3A_48 = arith.constant 0 : i32
    %dma_start3A_49 = arith.constant 0 : i32
    %dma_start3A_50 = tpu.memref_slice %arg3[%dma_start3A_48, %dma_start3A_49] : memref<10240x64xf32, #tpu.memory_space<hbm>> -> memref<10240x64xf32, #tpu.memory_space<hbm>>
    tpu.enqueue_indirect_dma source(%dma_start3A_50 : memref<10240x64xf32, #tpu.memory_space<hbm>>) target(%arg14 : memref<128x64xf32, #tpu.memory_space<vmem>>) offsets(%dma_start3A_47 : memref<128xi32, #tpu.memory_space<vmem>>) semaphore(%arg22 : memref<!tpu.dma_semaphore, #tpu.memory_space<semaphore_mem>>)
    %dma_start3A_51 = arith.constant 6 : i32
    %dma_start3A_52 = arith.constant 0 : i32
    %dma_start3A_53 = tpu.memref_slice %arg7[%dma_start3A_51, %dma_start3A_52] : memref<80x128xi32, #tpu.memory_space<vmem>> -> memref<1x128xi32, #tpu.memory_space<vmem>>
    %dma_start3A_54 = tpu.memref_squeeze %dma_start3A_53 : memref<1x128xi32, #tpu.memory_space<vmem>> -> memref<128xi32, #tpu.memory_space<vmem>>
    %dma_start3A_55 = arith.constant 0 : i32
    %dma_start3A_56 = arith.constant 0 : i32
    %dma_start3A_57 = tpu.memref_slice %arg3[%dma_start3A_55, %dma_start3A_56] : memref<10240x64xf32, #tpu.memory_space<hbm>> -> memref<10240x64xf32, #tpu.memory_space<hbm>>
    tpu.enqueue_indirect_dma source(%dma_start3A_57 : memref<10240x64xf32, #tpu.memory_space<hbm>>) target(%arg15 : memref<128x64xf32, #tpu.memory_space<vmem>>) offsets(%dma_start3A_54 : memref<128xi32, #tpu.memory_space<vmem>>) semaphore(%arg23 : memref<!tpu.dma_semaphore, #tpu.memory_space<semaphore_mem>>)
    %dma_start3A_58 = arith.constant 7 : i32
    %dma_start3A_59 = arith.constant 0 : i32
    %dma_start3A_60 = tpu.memref_slice %arg7[%dma_start3A_58, %dma_start3A_59] : memref<80x128xi32, #tpu.memory_space<vmem>> -> memref<1x128xi32, #tpu.memory_space<vmem>>
    %dma_start3A_61 = tpu.memref_squeeze %dma_start3A_60 : memref<1x128xi32, #tpu.memory_space<vmem>> -> memref<128xi32, #tpu.memory_space<vmem>>
    %dma_start3A_62 = arith.constant 0 : i32
    %dma_start3A_63 = arith.constant 0 : i32
    %dma_start3A_64 = tpu.memref_slice %arg3[%dma_start3A_62, %dma_start3A_63] : memref<10240x64xf32, #tpu.memory_space<hbm>> -> memref<10240x64xf32, #tpu.memory_space<hbm>>
    tpu.enqueue_indirect_dma source(%dma_start3A_64 : memref<10240x64xf32, #tpu.memory_space<hbm>>) target(%arg16 : memref<128x64xf32, #tpu.memory_space<vmem>>) offsets(%dma_start3A_61 : memref<128xi32, #tpu.memory_space<vmem>>) semaphore(%arg24 : memref<!tpu.dma_semaphore, #tpu.memory_space<semaphore_mem>>)
    %scan3A = arith.constant 0 : i32
    %scan3A_65 = arith.constant 10 : i32
    %scan3A_66 = arith.addi %scan3A, %scan3A_65 : i32
    %scan3A_67 = arith.constant 1 : i32
    scf.for %scan3A_104 = %scan3A to %scan3A_66 step %scan3A_67  : i32 {
      %mul3A_105 = arith.constant 1 : i32
      %mul3A_106 = arith.muli %scan3A_104, %mul3A_105 : i32
      %add3A_107 = arith.constant 0 : i32
      %add3A_108 = arith.addi %add3A_107, %mul3A_106 : i32
      %mul3A_109 = arith.constant 8 : i32
      %mul3A_110 = arith.muli %add3A_108, %mul3A_109 : i32
      %add3A_111 = arith.constant 0 : i32
      %add3A_112 = arith.addi %mul3A_110, %add3A_111 : i32
      %dma_wait3A_113 = arith.constant 0 : i32
      %dma_wait3A_114 = tpu.memref_slice %arg7[%add3A_112, %dma_wait3A_113] : memref<80x128xi32, #tpu.memory_space<vmem>> -> memref<1x128xi32, #tpu.memory_space<vmem>>
      %dma_wait3A_115 = tpu.memref_squeeze %dma_wait3A_114 : memref<1x128xi32, #tpu.memory_space<vmem>> -> memref<128xi32, #tpu.memory_space<vmem>>
      %dma_wait3A_116 = arith.constant 0 : i32
      %dma_wait3A_117 = arith.constant 0 : i32
      %dma_wait3A_118 = tpu.memref_slice %arg3[%dma_wait3A_116, %dma_wait3A_117] : memref<10240x64xf32, #tpu.memory_space<hbm>> -> memref<10240x64xf32, #tpu.memory_space<hbm>>
      tpu.wait_indirect_dma semaphore(%arg17 : memref<!tpu.dma_semaphore, #tpu.memory_space<semaphore_mem>>) src(%dma_wait3A_118 : memref<10240x64xf32, #tpu.memory_space<hbm>>) dst(%arg9 : memref<128x64xf32, #tpu.memory_space<vmem>>)
      %add3A_119 = arith.constant 0 : i32
      %add3A_120 = arith.addi %mul3A_110, %add3A_119 : i32
      %dma_start3A_121 = arith.constant 0 : i32
      %dma_start3A_122 = tpu.memref_slice %arg8[%add3A_120, %dma_start3A_121] : memref<80x128xi32, #tpu.memory_space<vmem>> -> memref<1x128xi32, #tpu.memory_space<vmem>>
      %dma_start3A_123 = tpu.memref_squeeze %dma_start3A_122 : memref<1x128xi32, #tpu.memory_space<vmem>> -> memref<128xi32, #tpu.memory_space<vmem>>
      %dma_start3A_124 = arith.constant 0 : i32
      %dma_start3A_125 = arith.constant 0 : i32
      %dma_start3A_126 = tpu.memref_slice %arg33[%dma_start3A_124, %dma_start3A_125] : memref<10240x64xf32, #tpu.memory_space<vmem_shared>> -> memref<10240x64xf32, #tpu.memory_space<vmem_shared>>
      tpu.enqueue_indirect_dma source(%arg9 : memref<128x64xf32, #tpu.memory_space<vmem>>) target(%dma_start3A_126 : memref<10240x64xf32, #tpu.memory_space<vmem_shared>>) offsets(%dma_start3A_123 : memref<128xi32, #tpu.memory_space<vmem>>) semaphore(%arg25 : memref<!tpu.dma_semaphore, #tpu.memory_space<semaphore_mem>>) {add = true}
      %gt3A = arith.constant 0 : i32
      %gt3A_127 = arith.cmpi sgt, %add3A_108, %gt3A : i32
      %convert_element_type3A_128 = arith.extui %gt3A_127 : i1 to i32
      %cond3A_129 = arith.constant 0 : i32
      %cond3A_130 = arith.cmpi ne, %convert_element_type3A_128, %cond3A_129 : i32
      scf.if %cond3A_130 {
        %add3A_316 = arith.constant 0 : i32
        %add3A_317 = arith.addi %mul3A_110, %add3A_316 : i32
        %sub3A_318 = arith.constant 4 : i32
        %sub3A_319 = arith.subi %add3A_317, %sub3A_318 : i32
        %dma_wait3A_320 = arith.constant 0 : i32
        %dma_wait3A_321 = tpu.memref_slice %arg8[%sub3A_319, %dma_wait3A_320] : memref<80x128xi32, #tpu.memory_space<vmem>> -> memref<1x128xi32, #tpu.memory_space<vmem>>
        %dma_wait3A_322 = tpu.memref_squeeze %dma_wait3A_321 : memref<1x128xi32, #tpu.memory_space<vmem>> -> memref<128xi32, #tpu.memory_space<vmem>>
        %dma_wait3A_323 = arith.constant 0 : i32
        %dma_wait3A_324 = arith.constant 0 : i32
        %dma_wait3A_325 = tpu.memref_slice %arg33[%dma_wait3A_323, %dma_wait3A_324] : memref<10240x64xf32, #tpu.memory_space<vmem_shared>> -> memref<10240x64xf32, #tpu.memory_space<vmem_shared>>
        tpu.wait_indirect_dma semaphore(%arg29 : memref<!tpu.dma_semaphore, #tpu.memory_space<semaphore_mem>>) src(%arg13 : memref<128x64xf32, #tpu.memory_space<vmem>>) dst(%dma_wait3A_325 : memref<10240x64xf32, #tpu.memory_space<vmem_shared>>)
        %add3A_326 = arith.constant 0 : i32
        %add3A_327 = arith.addi %mul3A_110, %add3A_326 : i32
        %add3A_328 = arith.constant 4 : i32
        %add3A_329 = arith.addi %add3A_327, %add3A_328 : i32
        %dma_start3A_330 = arith.constant 0 : i32
        %dma_start3A_331 = tpu.memref_slice %arg7[%add3A_329, %dma_start3A_330] : memref<80x128xi32, #tpu.memory_space<vmem>> -> memref<1x128xi32, #tpu.memory_space<vmem>>
        %dma_start3A_332 = tpu.memref_squeeze %dma_start3A_331 : memref<1x128xi32, #tpu.memory_space<vmem>> -> memref<128xi32, #tpu.memory_space<vmem>>
        %dma_start3A_333 = arith.constant 0 : i32
        %dma_start3A_334 = arith.constant 0 : i32
        %dma_start3A_335 = tpu.memref_slice %arg3[%dma_start3A_333, %dma_start3A_334] : memref<10240x64xf32, #tpu.memory_space<hbm>> -> memref<10240x64xf32, #tpu.memory_space<hbm>>
        tpu.enqueue_indirect_dma source(%dma_start3A_335 : memref<10240x64xf32, #tpu.memory_space<hbm>>) target(%arg13 : memref<128x64xf32, #tpu.memory_space<vmem>>) offsets(%dma_start3A_332 : memref<128xi32, #tpu.memory_space<vmem>>) semaphore(%arg21 : memref<!tpu.dma_semaphore, #tpu.memory_space<semaphore_mem>>)
      } else {
      }
      %add3A_131 = arith.constant 1 : i32
      %add3A_132 = arith.addi %mul3A_110, %add3A_131 : i32
      %dma_wait3A_133 = arith.constant 0 : i32
      %dma_wait3A_134 = tpu.memref_slice %arg7[%add3A_132, %dma_wait3A_133] : memref<80x128xi32, #tpu.memory_space<vmem>> -> memref<1x128xi32, #tpu.memory_space<vmem>>
      %dma_wait3A_135 = tpu.memref_squeeze %dma_wait3A_134 : memref<1x128xi32, #tpu.memory_space<vmem>> -> memref<128xi32, #tpu.memory_space<vmem>>
      %dma_wait3A_136 = arith.constant 0 : i32
      %dma_wait3A_137 = arith.constant 0 : i32
      %dma_wait3A_138 = tpu.memref_slice %arg3[%dma_wait3A_136, %dma_wait3A_137] : memref<10240x64xf32, #tpu.memory_space<hbm>> -> memref<10240x64xf32, #tpu.memory_space<hbm>>
      tpu.wait_indirect_dma semaphore(%arg18 : memref<!tpu.dma_semaphore, #tpu.memory_space<semaphore_mem>>) src(%dma_wait3A_138 : memref<10240x64xf32, #tpu.memory_space<hbm>>) dst(%arg10 : memref<128x64xf32, #tpu.memory_space<vmem>>)
      %add3A_139 = arith.constant 1 : i32
      %add3A_140 = arith.addi %mul3A_110, %add3A_139 : i32
      %dma_start3A_141 = arith.constant 0 : i32
      %dma_start3A_142 = tpu.memref_slice %arg8[%add3A_140, %dma_start3A_141] : memref<80x128xi32, #tpu.memory_space<vmem>> -> memref<1x128xi32, #tpu.memory_space<vmem>>
      %dma_start3A_143 = tpu.memref_squeeze %dma_start3A_142 : memref<1x128xi32, #tpu.memory_space<vmem>> -> memref<128xi32, #tpu.memory_space<vmem>>
      %dma_start3A_144 = arith.constant 0 : i32
      %dma_start3A_145 = arith.constant 0 : i32
      %dma_start3A_146 = tpu.memref_slice %arg33[%dma_start3A_144, %dma_start3A_145] : memref<10240x64xf32, #tpu.memory_space<vmem_shared>> -> memref<10240x64xf32, #tpu.memory_space<vmem_shared>>
      tpu.enqueue_indirect_dma source(%arg10 : memref<128x64xf32, #tpu.memory_space<vmem>>) target(%dma_start3A_146 : memref<10240x64xf32, #tpu.memory_space<vmem_shared>>) offsets(%dma_start3A_143 : memref<128xi32, #tpu.memory_space<vmem>>) semaphore(%arg26 : memref<!tpu.dma_semaphore, #tpu.memory_space<semaphore_mem>>) {add = true}
      %gt3A_147 = arith.constant 0 : i32
      %gt3A_148 = arith.cmpi sgt, %add3A_108, %gt3A_147 : i32
      %convert_element_type3A_149 = arith.extui %gt3A_148 : i1 to i32
      %cond3A_150 = arith.constant 0 : i32
      %cond3A_151 = arith.cmpi ne, %convert_element_type3A_149, %cond3A_150 : i32
      scf.if %cond3A_151 {
        %add3A_316 = arith.constant 1 : i32
        %add3A_317 = arith.addi %mul3A_110, %add3A_316 : i32
        %sub3A_318 = arith.constant 4 : i32
        %sub3A_319 = arith.subi %add3A_317, %sub3A_318 : i32
        %dma_wait3A_320 = arith.constant 0 : i32
        %dma_wait3A_321 = tpu.memref_slice %arg8[%sub3A_319, %dma_wait3A_320] : memref<80x128xi32, #tpu.memory_space<vmem>> -> memref<1x128xi32, #tpu.memory_space<vmem>>
        %dma_wait3A_322 = tpu.memref_squeeze %dma_wait3A_321 : memref<1x128xi32, #tpu.memory_space<vmem>> -> memref<128xi32, #tpu.memory_space<vmem>>
        %dma_wait3A_323 = arith.constant 0 : i32
        %dma_wait3A_324 = arith.constant 0 : i32
        %dma_wait3A_325 = tpu.memref_slice %arg33[%dma_wait3A_323, %dma_wait3A_324] : memref<10240x64xf32, #tpu.memory_space<vmem_shared>> -> memref<10240x64xf32, #tpu.memory_space<vmem_shared>>
        tpu.wait_indirect_dma semaphore(%arg30 : memref<!tpu.dma_semaphore, #tpu.memory_space<semaphore_mem>>) src(%arg14 : memref<128x64xf32, #tpu.memory_space<vmem>>) dst(%dma_wait3A_325 : memref<10240x64xf32, #tpu.memory_space<vmem_shared>>)
        %add3A_326 = arith.constant 1 : i32
        %add3A_327 = arith.addi %mul3A_110, %add3A_326 : i32
        %add3A_328 = arith.constant 4 : i32
        %add3A_329 = arith.addi %add3A_327, %add3A_328 : i32
        %dma_start3A_330 = arith.constant 0 : i32
        %dma_start3A_331 = tpu.memref_slice %arg7[%add3A_329, %dma_start3A_330] : memref<80x128xi32, #tpu.memory_space<vmem>> -> memref<1x128xi32, #tpu.memory_space<vmem>>
        %dma_start3A_332 = tpu.memref_squeeze %dma_start3A_331 : memref<1x128xi32, #tpu.memory_space<vmem>> -> memref<128xi32, #tpu.memory_space<vmem>>
        %dma_start3A_333 = arith.constant 0 : i32
        %dma_start3A_334 = arith.constant 0 : i32
        %dma_start3A_335 = tpu.memref_slice %arg3[%dma_start3A_333, %dma_start3A_334] : memref<10240x64xf32, #tpu.memory_space<hbm>> -> memref<10240x64xf32, #tpu.memory_space<hbm>>
        tpu.enqueue_indirect_dma source(%dma_start3A_335 : memref<10240x64xf32, #tpu.memory_space<hbm>>) target(%arg14 : memref<128x64xf32, #tpu.memory_space<vmem>>) offsets(%dma_start3A_332 : memref<128xi32, #tpu.memory_space<vmem>>) semaphore(%arg22 : memref<!tpu.dma_semaphore, #tpu.memory_space<semaphore_mem>>)
      } else {
      }
      %add3A_152 = arith.constant 2 : i32
      %add3A_153 = arith.addi %mul3A_110, %add3A_152 : i32
      %dma_wait3A_154 = arith.constant 0 : i32
      %dma_wait3A_155 = tpu.memref_slice %arg7[%add3A_153, %dma_wait3A_154] : memref<80x128xi32, #tpu.memory_space<vmem>> -> memref<1x128xi32, #tpu.memory_space<vmem>>
      %dma_wait3A_156 = tpu.memref_squeeze %dma_wait3A_155 : memref<1x128xi32, #tpu.memory_space<vmem>> -> memref<128xi32, #tpu.memory_space<vmem>>
      %dma_wait3A_157 = arith.constant 0 : i32
      %dma_wait3A_158 = arith.constant 0 : i32
      %dma_wait3A_159 = tpu.memref_slice %arg3[%dma_wait3A_157, %dma_wait3A_158] : memref<10240x64xf32, #tpu.memory_space<hbm>> -> memref<10240x64xf32, #tpu.memory_space<hbm>>
      tpu.wait_indirect_dma semaphore(%arg19 : memref<!tpu.dma_semaphore, #tpu.memory_space<semaphore_mem>>) src(%dma_wait3A_159 : memref<10240x64xf32, #tpu.memory_space<hbm>>) dst(%arg11 : memref<128x64xf32, #tpu.memory_space<vmem>>)
      %add3A_160 = arith.constant 2 : i32
      %add3A_161 = arith.addi %mul3A_110, %add3A_160 : i32
      %dma_start3A_162 = arith.constant 0 : i32
      %dma_start3A_163 = tpu.memref_slice %arg8[%add3A_161, %dma_start3A_162] : memref<80x128xi32, #tpu.memory_space<vmem>> -> memref<1x128xi32, #tpu.memory_space<vmem>>
      %dma_start3A_164 = tpu.memref_squeeze %dma_start3A_163 : memref<1x128xi32, #tpu.memory_space<vmem>> -> memref<128xi32, #tpu.memory_space<vmem>>
      %dma_start3A_165 = arith.constant 0 : i32
      %dma_start3A_166 = arith.constant 0 : i32
      %dma_start3A_167 = tpu.memref_slice %arg33[%dma_start3A_165, %dma_start3A_166] : memref<10240x64xf32, #tpu.memory_space<vmem_shared>> -> memref<10240x64xf32, #tpu.memory_space<vmem_shared>>
      tpu.enqueue_indirect_dma source(%arg11 : memref<128x64xf32, #tpu.memory_space<vmem>>) target(%dma_start3A_167 : memref<10240x64xf32, #tpu.memory_space<vmem_shared>>) offsets(%dma_start3A_164 : memref<128xi32, #tpu.memory_space<vmem>>) semaphore(%arg27 : memref<!tpu.dma_semaphore, #tpu.memory_space<semaphore_mem>>) {add = true}
      %gt3A_168 = arith.constant 0 : i32
      %gt3A_169 = arith.cmpi sgt, %add3A_108, %gt3A_168 : i32
      %convert_element_type3A_170 = arith.extui %gt3A_169 : i1 to i32
      %cond3A_171 = arith.constant 0 : i32
      %cond3A_172 = arith.cmpi ne, %convert_element_type3A_170, %cond3A_171 : i32
      scf.if %cond3A_172 {
        %add3A_316 = arith.constant 2 : i32
        %add3A_317 = arith.addi %mul3A_110, %add3A_316 : i32
        %sub3A_318 = arith.constant 4 : i32
        %sub3A_319 = arith.subi %add3A_317, %sub3A_318 : i32
        %dma_wait3A_320 = arith.constant 0 : i32
        %dma_wait3A_321 = tpu.memref_slice %arg8[%sub3A_319, %dma_wait3A_320] : memref<80x128xi32, #tpu.memory_space<vmem>> -> memref<1x128xi32, #tpu.memory_space<vmem>>
        %dma_wait3A_322 = tpu.memref_squeeze %dma_wait3A_321 : memref<1x128xi32, #tpu.memory_space<vmem>> -> memref<128xi32, #tpu.memory_space<vmem>>
        %dma_wait3A_323 = arith.constant 0 : i32
        %dma_wait3A_324 = arith.constant 0 : i32
        %dma_wait3A_325 = tpu.memref_slice %arg33[%dma_wait3A_323, %dma_wait3A_324] : memref<10240x64xf32, #tpu.memory_space<vmem_shared>> -> memref<10240x64xf32, #tpu.memory_space<vmem_shared>>
        tpu.wait_indirect_dma semaphore(%arg31 : memref<!tpu.dma_semaphore, #tpu.memory_space<semaphore_mem>>) src(%arg15 : memref<128x64xf32, #tpu.memory_space<vmem>>) dst(%dma_wait3A_325 : memref<10240x64xf32, #tpu.memory_space<vmem_shared>>)
        %add3A_326 = arith.constant 2 : i32
        %add3A_327 = arith.addi %mul3A_110, %add3A_326 : i32
        %add3A_328 = arith.constant 4 : i32
        %add3A_329 = arith.addi %add3A_327, %add3A_328 : i32
        %dma_start3A_330 = arith.constant 0 : i32
        %dma_start3A_331 = tpu.memref_slice %arg7[%add3A_329, %dma_start3A_330] : memref<80x128xi32, #tpu.memory_space<vmem>> -> memref<1x128xi32, #tpu.memory_space<vmem>>
        %dma_start3A_332 = tpu.memref_squeeze %dma_start3A_331 : memref<1x128xi32, #tpu.memory_space<vmem>> -> memref<128xi32, #tpu.memory_space<vmem>>
        %dma_start3A_333 = arith.constant 0 : i32
        %dma_start3A_334 = arith.constant 0 : i32
        %dma_start3A_335 = tpu.memref_slice %arg3[%dma_start3A_333, %dma_start3A_334] : memref<10240x64xf32, #tpu.memory_space<hbm>> -> memref<10240x64xf32, #tpu.memory_space<hbm>>
        tpu.enqueue_indirect_dma source(%dma_start3A_335 : memref<10240x64xf32, #tpu.memory_space<hbm>>) target(%arg15 : memref<128x64xf32, #tpu.memory_space<vmem>>) offsets(%dma_start3A_332 : memref<128xi32, #tpu.memory_space<vmem>>) semaphore(%arg23 : memref<!tpu.dma_semaphore, #tpu.memory_space<semaphore_mem>>)
      } else {
      }
      %add3A_173 = arith.constant 3 : i32
      %add3A_174 = arith.addi %mul3A_110, %add3A_173 : i32
      %dma_wait3A_175 = arith.constant 0 : i32
      %dma_wait3A_176 = tpu.memref_slice %arg7[%add3A_174, %dma_wait3A_175] : memref<80x128xi32, #tpu.memory_space<vmem>> -> memref<1x128xi32, #tpu.memory_space<vmem>>
      %dma_wait3A_177 = tpu.memref_squeeze %dma_wait3A_176 : memref<1x128xi32, #tpu.memory_space<vmem>> -> memref<128xi32, #tpu.memory_space<vmem>>
      %dma_wait3A_178 = arith.constant 0 : i32
      %dma_wait3A_179 = arith.constant 0 : i32
      %dma_wait3A_180 = tpu.memref_slice %arg3[%dma_wait3A_178, %dma_wait3A_179] : memref<10240x64xf32, #tpu.memory_space<hbm>> -> memref<10240x64xf32, #tpu.memory_space<hbm>>
      tpu.wait_indirect_dma semaphore(%arg20 : memref<!tpu.dma_semaphore, #tpu.memory_space<semaphore_mem>>) src(%dma_wait3A_180 : memref<10240x64xf32, #tpu.memory_space<hbm>>) dst(%arg12 : memref<128x64xf32, #tpu.memory_space<vmem>>)
      %add3A_181 = arith.constant 3 : i32
      %add3A_182 = arith.addi %mul3A_110, %add3A_181 : i32
      %dma_start3A_183 = arith.constant 0 : i32
      %dma_start3A_184 = tpu.memref_slice %arg8[%add3A_182, %dma_start3A_183] : memref<80x128xi32, #tpu.memory_space<vmem>> -> memref<1x128xi32, #tpu.memory_space<vmem>>
      %dma_start3A_185 = tpu.memref_squeeze %dma_start3A_184 : memref<1x128xi32, #tpu.memory_space<vmem>> -> memref<128xi32, #tpu.memory_space<vmem>>
      %dma_start3A_186 = arith.constant 0 : i32
      %dma_start3A_187 = arith.constant 0 : i32
      %dma_start3A_188 = tpu.memref_slice %arg33[%dma_start3A_186, %dma_start3A_187] : memref<10240x64xf32, #tpu.memory_space<vmem_shared>> -> memref<10240x64xf32, #tpu.memory_space<vmem_shared>>
      tpu.enqueue_indirect_dma source(%arg12 : memref<128x64xf32, #tpu.memory_space<vmem>>) target(%dma_start3A_188 : memref<10240x64xf32, #tpu.memory_space<vmem_shared>>) offsets(%dma_start3A_185 : memref<128xi32, #tpu.memory_space<vmem>>) semaphore(%arg28 : memref<!tpu.dma_semaphore, #tpu.memory_space<semaphore_mem>>) {add = true}
      %gt3A_189 = arith.constant 0 : i32
      %gt3A_190 = arith.cmpi sgt, %add3A_108, %gt3A_189 : i32
      %convert_element_type3A_191 = arith.extui %gt3A_190 : i1 to i32
      %cond3A_192 = arith.constant 0 : i32
      %cond3A_193 = arith.cmpi ne, %convert_element_type3A_191, %cond3A_192 : i32
      scf.if %cond3A_193 {
        %add3A_316 = arith.constant 3 : i32
        %add3A_317 = arith.addi %mul3A_110, %add3A_316 : i32
        %sub3A_318 = arith.constant 4 : i32
        %sub3A_319 = arith.subi %add3A_317, %sub3A_318 : i32
        %dma_wait3A_320 = arith.constant 0 : i32
        %dma_wait3A_321 = tpu.memref_slice %arg8[%sub3A_319, %dma_wait3A_320] : memref<80x128xi32, #tpu.memory_space<vmem>> -> memref<1x128xi32, #tpu.memory_space<vmem>>
        %dma_wait3A_322 = tpu.memref_squeeze %dma_wait3A_321 : memref<1x128xi32, #tpu.memory_space<vmem>> -> memref<128xi32, #tpu.memory_space<vmem>>
        %dma_wait3A_323 = arith.constant 0 : i32
        %dma_wait3A_324 = arith.constant 0 : i32
        %dma_wait3A_325 = tpu.memref_slice %arg33[%dma_wait3A_323, %dma_wait3A_324] : memref<10240x64xf32, #tpu.memory_space<vmem_shared>> -> memref<10240x64xf32, #tpu.memory_space<vmem_shared>>
        tpu.wait_indirect_dma semaphore(%arg32 : memref<!tpu.dma_semaphore, #tpu.memory_space<semaphore_mem>>) src(%arg16 : memref<128x64xf32, #tpu.memory_space<vmem>>) dst(%dma_wait3A_325 : memref<10240x64xf32, #tpu.memory_space<vmem_shared>>)
        %add3A_326 = arith.constant 3 : i32
        %add3A_327 = arith.addi %mul3A_110, %add3A_326 : i32
        %add3A_328 = arith.constant 4 : i32
        %add3A_329 = arith.addi %add3A_327, %add3A_328 : i32
        %dma_start3A_330 = arith.constant 0 : i32
        %dma_start3A_331 = tpu.memref_slice %arg7[%add3A_329, %dma_start3A_330] : memref<80x128xi32, #tpu.memory_space<vmem>> -> memref<1x128xi32, #tpu.memory_space<vmem>>
        %dma_start3A_332 = tpu.memref_squeeze %dma_start3A_331 : memref<1x128xi32, #tpu.memory_space<vmem>> -> memref<128xi32, #tpu.memory_space<vmem>>
        %dma_start3A_333 = arith.constant 0 : i32
        %dma_start3A_334 = arith.constant 0 : i32
        %dma_start3A_335 = tpu.memref_slice %arg3[%dma_start3A_333, %dma_start3A_334] : memref<10240x64xf32, #tpu.memory_space<hbm>> -> memref<10240x64xf32, #tpu.memory_space<hbm>>
        tpu.enqueue_indirect_dma source(%dma_start3A_335 : memref<10240x64xf32, #tpu.memory_space<hbm>>) target(%arg16 : memref<128x64xf32, #tpu.memory_space<vmem>>) offsets(%dma_start3A_332 : memref<128xi32, #tpu.memory_space<vmem>>) semaphore(%arg24 : memref<!tpu.dma_semaphore, #tpu.memory_space<semaphore_mem>>)
      } else {
      }
      %add3A_194 = arith.constant 4 : i32
      %add3A_195 = arith.addi %mul3A_110, %add3A_194 : i32
      %dma_wait3A_196 = arith.constant 0 : i32
      %dma_wait3A_197 = tpu.memref_slice %arg7[%add3A_195, %dma_wait3A_196] : memref<80x128xi32, #tpu.memory_space<vmem>> -> memref<1x128xi32, #tpu.memory_space<vmem>>
      %dma_wait3A_198 = tpu.memref_squeeze %dma_wait3A_197 : memref<1x128xi32, #tpu.memory_space<vmem>> -> memref<128xi32, #tpu.memory_space<vmem>>
      %dma_wait3A_199 = arith.constant 0 : i32
      %dma_wait3A_200 = arith.constant 0 : i32
      %dma_wait3A_201 = tpu.memref_slice %arg3[%dma_wait3A_199, %dma_wait3A_200] : memref<10240x64xf32, #tpu.memory_space<hbm>> -> memref<10240x64xf32, #tpu.memory_space<hbm>>
      tpu.wait_indirect_dma semaphore(%arg21 : memref<!tpu.dma_semaphore, #tpu.memory_space<semaphore_mem>>) src(%dma_wait3A_201 : memref<10240x64xf32, #tpu.memory_space<hbm>>) dst(%arg13 : memref<128x64xf32, #tpu.memory_space<vmem>>)
      %add3A_202 = arith.constant 4 : i32
      %add3A_203 = arith.addi %mul3A_110, %add3A_202 : i32
      %dma_start3A_204 = arith.constant 0 : i32
      %dma_start3A_205 = tpu.memref_slice %arg8[%add3A_203, %dma_start3A_204] : memref<80x128xi32, #tpu.memory_space<vmem>> -> memref<1x128xi32, #tpu.memory_space<vmem>>
      %dma_start3A_206 = tpu.memref_squeeze %dma_start3A_205 : memref<1x128xi32, #tpu.memory_space<vmem>> -> memref<128xi32, #tpu.memory_space<vmem>>
      %dma_start3A_207 = arith.constant 0 : i32
      %dma_start3A_208 = arith.constant 0 : i32
      %dma_start3A_209 = tpu.memref_slice %arg33[%dma_start3A_207, %dma_start3A_208] : memref<10240x64xf32, #tpu.memory_space<vmem_shared>> -> memref<10240x64xf32, #tpu.memory_space<vmem_shared>>
      tpu.enqueue_indirect_dma source(%arg13 : memref<128x64xf32, #tpu.memory_space<vmem>>) target(%dma_start3A_209 : memref<10240x64xf32, #tpu.memory_space<vmem_shared>>) offsets(%dma_start3A_206 : memref<128xi32, #tpu.memory_space<vmem>>) semaphore(%arg29 : memref<!tpu.dma_semaphore, #tpu.memory_space<semaphore_mem>>) {add = true}
      %add3A_210 = arith.constant 4 : i32
      %add3A_211 = arith.addi %mul3A_110, %add3A_210 : i32
      %sub3A = arith.constant 4 : i32
      %sub3A_212 = arith.subi %add3A_211, %sub3A : i32
      %dma_wait3A_213 = arith.constant 0 : i32
      %dma_wait3A_214 = tpu.memref_slice %arg8[%sub3A_212, %dma_wait3A_213] : memref<80x128xi32, #tpu.memory_space<vmem>> -> memref<1x128xi32, #tpu.memory_space<vmem>>
      %dma_wait3A_215 = tpu.memref_squeeze %dma_wait3A_214 : memref<1x128xi32, #tpu.memory_space<vmem>> -> memref<128xi32, #tpu.memory_space<vmem>>
      %dma_wait3A_216 = arith.constant 0 : i32
      %dma_wait3A_217 = arith.constant 0 : i32
      %dma_wait3A_218 = tpu.memref_slice %arg33[%dma_wait3A_216, %dma_wait3A_217] : memref<10240x64xf32, #tpu.memory_space<vmem_shared>> -> memref<10240x64xf32, #tpu.memory_space<vmem_shared>>
      tpu.wait_indirect_dma semaphore(%arg25 : memref<!tpu.dma_semaphore, #tpu.memory_space<semaphore_mem>>) src(%arg9 : memref<128x64xf32, #tpu.memory_space<vmem>>) dst(%dma_wait3A_218 : memref<10240x64xf32, #tpu.memory_space<vmem_shared>>)
      %lt3A = arith.constant 9 : i32
      %lt3A_219 = arith.cmpi slt, %add3A_108, %lt3A : i32
      %convert_element_type3A_220 = arith.extui %lt3A_219 : i1 to i32
      %cond3A_221 = arith.constant 0 : i32
      %cond3A_222 = arith.cmpi ne, %convert_element_type3A_220, %cond3A_221 : i32
      scf.if %cond3A_222 {
        %add3A_316 = arith.constant 4 : i32
        %add3A_317 = arith.addi %mul3A_110, %add3A_316 : i32
        %add3A_318 = arith.constant 4 : i32
        %add3A_319 = arith.addi %add3A_317, %add3A_318 : i32
        %dma_start3A_320 = arith.constant 0 : i32
        %dma_start3A_321 = tpu.memref_slice %arg7[%add3A_319, %dma_start3A_320] : memref<80x128xi32, #tpu.memory_space<vmem>> -> memref<1x128xi32, #tpu.memory_space<vmem>>
        %dma_start3A_322 = tpu.memref_squeeze %dma_start3A_321 : memref<1x128xi32, #tpu.memory_space<vmem>> -> memref<128xi32, #tpu.memory_space<vmem>>
        %dma_start3A_323 = arith.constant 0 : i32
        %dma_start3A_324 = arith.constant 0 : i32
        %dma_start3A_325 = tpu.memref_slice %arg3[%dma_start3A_323, %dma_start3A_324] : memref<10240x64xf32, #tpu.memory_space<hbm>> -> memref<10240x64xf32, #tpu.memory_space<hbm>>
        tpu.enqueue_indirect_dma source(%dma_start3A_325 : memref<10240x64xf32, #tpu.memory_space<hbm>>) target(%arg9 : memref<128x64xf32, #tpu.memory_space<vmem>>) offsets(%dma_start3A_322 : memref<128xi32, #tpu.memory_space<vmem>>) semaphore(%arg17 : memref<!tpu.dma_semaphore, #tpu.memory_space<semaphore_mem>>)
      } else {
      }
      %add3A_223 = arith.constant 5 : i32
      %add3A_224 = arith.addi %mul3A_110, %add3A_223 : i32
      %dma_wait3A_225 = arith.constant 0 : i32
      %dma_wait3A_226 = tpu.memref_slice %arg7[%add3A_224, %dma_wait3A_225] : memref<80x128xi32, #tpu.memory_space<vmem>> -> memref<1x128xi32, #tpu.memory_space<vmem>>
      %dma_wait3A_227 = tpu.memref_squeeze %dma_wait3A_226 : memref<1x128xi32, #tpu.memory_space<vmem>> -> memref<128xi32, #tpu.memory_space<vmem>>
      %dma_wait3A_228 = arith.constant 0 : i32
      %dma_wait3A_229 = arith.constant 0 : i32
      %dma_wait3A_230 = tpu.memref_slice %arg3[%dma_wait3A_228, %dma_wait3A_229] : memref<10240x64xf32, #tpu.memory_space<hbm>> -> memref<10240x64xf32, #tpu.memory_space<hbm>>
      tpu.wait_indirect_dma semaphore(%arg22 : memref<!tpu.dma_semaphore, #tpu.memory_space<semaphore_mem>>) src(%dma_wait3A_230 : memref<10240x64xf32, #tpu.memory_space<hbm>>) dst(%arg14 : memref<128x64xf32, #tpu.memory_space<vmem>>)
      %add3A_231 = arith.constant 5 : i32
      %add3A_232 = arith.addi %mul3A_110, %add3A_231 : i32
      %dma_start3A_233 = arith.constant 0 : i32
      %dma_start3A_234 = tpu.memref_slice %arg8[%add3A_232, %dma_start3A_233] : memref<80x128xi32, #tpu.memory_space<vmem>> -> memref<1x128xi32, #tpu.memory_space<vmem>>
      %dma_start3A_235 = tpu.memref_squeeze %dma_start3A_234 : memref<1x128xi32, #tpu.memory_space<vmem>> -> memref<128xi32, #tpu.memory_space<vmem>>
      %dma_start3A_236 = arith.constant 0 : i32
      %dma_start3A_237 = arith.constant 0 : i32
      %dma_start3A_238 = tpu.memref_slice %arg33[%dma_start3A_236, %dma_start3A_237] : memref<10240x64xf32, #tpu.memory_space<vmem_shared>> -> memref<10240x64xf32, #tpu.memory_space<vmem_shared>>
      tpu.enqueue_indirect_dma source(%arg14 : memref<128x64xf32, #tpu.memory_space<vmem>>) target(%dma_start3A_238 : memref<10240x64xf32, #tpu.memory_space<vmem_shared>>) offsets(%dma_start3A_235 : memref<128xi32, #tpu.memory_space<vmem>>) semaphore(%arg30 : memref<!tpu.dma_semaphore, #tpu.memory_space<semaphore_mem>>) {add = true}
      %add3A_239 = arith.constant 5 : i32
      %add3A_240 = arith.addi %mul3A_110, %add3A_239 : i32
      %sub3A_241 = arith.constant 4 : i32
      %sub3A_242 = arith.subi %add3A_240, %sub3A_241 : i32
      %dma_wait3A_243 = arith.constant 0 : i32
      %dma_wait3A_244 = tpu.memref_slice %arg8[%sub3A_242, %dma_wait3A_243] : memref<80x128xi32, #tpu.memory_space<vmem>> -> memref<1x128xi32, #tpu.memory_space<vmem>>
      %dma_wait3A_245 = tpu.memref_squeeze %dma_wait3A_244 : memref<1x128xi32, #tpu.memory_space<vmem>> -> memref<128xi32, #tpu.memory_space<vmem>>
      %dma_wait3A_246 = arith.constant 0 : i32
      %dma_wait3A_247 = arith.constant 0 : i32
      %dma_wait3A_248 = tpu.memref_slice %arg33[%dma_wait3A_246, %dma_wait3A_247] : memref<10240x64xf32, #tpu.memory_space<vmem_shared>> -> memref<10240x64xf32, #tpu.memory_space<vmem_shared>>
      tpu.wait_indirect_dma semaphore(%arg26 : memref<!tpu.dma_semaphore, #tpu.memory_space<semaphore_mem>>) src(%arg10 : memref<128x64xf32, #tpu.memory_space<vmem>>) dst(%dma_wait3A_248 : memref<10240x64xf32, #tpu.memory_space<vmem_shared>>)
      %lt3A_249 = arith.constant 9 : i32
      %lt3A_250 = arith.cmpi slt, %add3A_108, %lt3A_249 : i32
      %convert_element_type3A_251 = arith.extui %lt3A_250 : i1 to i32
      %cond3A_252 = arith.constant 0 : i32
      %cond3A_253 = arith.cmpi ne, %convert_element_type3A_251, %cond3A_252 : i32
      scf.if %cond3A_253 {
        %add3A_316 = arith.constant 5 : i32
        %add3A_317 = arith.addi %mul3A_110, %add3A_316 : i32
        %add3A_318 = arith.constant 4 : i32
        %add3A_319 = arith.addi %add3A_317, %add3A_318 : i32
        %dma_start3A_320 = arith.constant 0 : i32
        %dma_start3A_321 = tpu.memref_slice %arg7[%add3A_319, %dma_start3A_320] : memref<80x128xi32, #tpu.memory_space<vmem>> -> memref<1x128xi32, #tpu.memory_space<vmem>>
        %dma_start3A_322 = tpu.memref_squeeze %dma_start3A_321 : memref<1x128xi32, #tpu.memory_space<vmem>> -> memref<128xi32, #tpu.memory_space<vmem>>
        %dma_start3A_323 = arith.constant 0 : i32
        %dma_start3A_324 = arith.constant 0 : i32
        %dma_start3A_325 = tpu.memref_slice %arg3[%dma_start3A_323, %dma_start3A_324] : memref<10240x64xf32, #tpu.memory_space<hbm>> -> memref<10240x64xf32, #tpu.memory_space<hbm>>
        tpu.enqueue_indirect_dma source(%dma_start3A_325 : memref<10240x64xf32, #tpu.memory_space<hbm>>) target(%arg10 : memref<128x64xf32, #tpu.memory_space<vmem>>) offsets(%dma_start3A_322 : memref<128xi32, #tpu.memory_space<vmem>>) semaphore(%arg18 : memref<!tpu.dma_semaphore, #tpu.memory_space<semaphore_mem>>)
      } else {
      }
      %add3A_254 = arith.constant 6 : i32
      %add3A_255 = arith.addi %mul3A_110, %add3A_254 : i32
      %dma_wait3A_256 = arith.constant 0 : i32
      %dma_wait3A_257 = tpu.memref_slice %arg7[%add3A_255, %dma_wait3A_256] : memref<80x128xi32, #tpu.memory_space<vmem>> -> memref<1x128xi32, #tpu.memory_space<vmem>>
      %dma_wait3A_258 = tpu.memref_squeeze %dma_wait3A_257 : memref<1x128xi32, #tpu.memory_space<vmem>> -> memref<128xi32, #tpu.memory_space<vmem>>
      %dma_wait3A_259 = arith.constant 0 : i32
      %dma_wait3A_260 = arith.constant 0 : i32
      %dma_wait3A_261 = tpu.memref_slice %arg3[%dma_wait3A_259, %dma_wait3A_260] : memref<10240x64xf32, #tpu.memory_space<hbm>> -> memref<10240x64xf32, #tpu.memory_space<hbm>>
      tpu.wait_indirect_dma semaphore(%arg23 : memref<!tpu.dma_semaphore, #tpu.memory_space<semaphore_mem>>) src(%dma_wait3A_261 : memref<10240x64xf32, #tpu.memory_space<hbm>>) dst(%arg15 : memref<128x64xf32, #tpu.memory_space<vmem>>)
      %add3A_262 = arith.constant 6 : i32
      %add3A_263 = arith.addi %mul3A_110, %add3A_262 : i32
      %dma_start3A_264 = arith.constant 0 : i32
      %dma_start3A_265 = tpu.memref_slice %arg8[%add3A_263, %dma_start3A_264] : memref<80x128xi32, #tpu.memory_space<vmem>> -> memref<1x128xi32, #tpu.memory_space<vmem>>
      %dma_start3A_266 = tpu.memref_squeeze %dma_start3A_265 : memref<1x128xi32, #tpu.memory_space<vmem>> -> memref<128xi32, #tpu.memory_space<vmem>>
      %dma_start3A_267 = arith.constant 0 : i32
      %dma_start3A_268 = arith.constant 0 : i32
      %dma_start3A_269 = tpu.memref_slice %arg33[%dma_start3A_267, %dma_start3A_268] : memref<10240x64xf32, #tpu.memory_space<vmem_shared>> -> memref<10240x64xf32, #tpu.memory_space<vmem_shared>>
      tpu.enqueue_indirect_dma source(%arg15 : memref<128x64xf32, #tpu.memory_space<vmem>>) target(%dma_start3A_269 : memref<10240x64xf32, #tpu.memory_space<vmem_shared>>) offsets(%dma_start3A_266 : memref<128xi32, #tpu.memory_space<vmem>>) semaphore(%arg31 : memref<!tpu.dma_semaphore, #tpu.memory_space<semaphore_mem>>) {add = true}
      %add3A_270 = arith.constant 6 : i32
      %add3A_271 = arith.addi %mul3A_110, %add3A_270 : i32
      %sub3A_272 = arith.constant 4 : i32
      %sub3A_273 = arith.subi %add3A_271, %sub3A_272 : i32
      %dma_wait3A_274 = arith.constant 0 : i32
      %dma_wait3A_275 = tpu.memref_slice %arg8[%sub3A_273, %dma_wait3A_274] : memref<80x128xi32, #tpu.memory_space<vmem>> -> memref<1x128xi32, #tpu.memory_space<vmem>>
      %dma_wait3A_276 = tpu.memref_squeeze %dma_wait3A_275 : memref<1x128xi32, #tpu.memory_space<vmem>> -> memref<128xi32, #tpu.memory_space<vmem>>
      %dma_wait3A_277 = arith.constant 0 : i32
      %dma_wait3A_278 = arith.constant 0 : i32
      %dma_wait3A_279 = tpu.memref_slice %arg33[%dma_wait3A_277, %dma_wait3A_278] : memref<10240x64xf32, #tpu.memory_space<vmem_shared>> -> memref<10240x64xf32, #tpu.memory_space<vmem_shared>>
      tpu.wait_indirect_dma semaphore(%arg27 : memref<!tpu.dma_semaphore, #tpu.memory_space<semaphore_mem>>) src(%arg11 : memref<128x64xf32, #tpu.memory_space<vmem>>) dst(%dma_wait3A_279 : memref<10240x64xf32, #tpu.memory_space<vmem_shared>>)
      %lt3A_280 = arith.constant 9 : i32
      %lt3A_281 = arith.cmpi slt, %add3A_108, %lt3A_280 : i32
      %convert_element_type3A_282 = arith.extui %lt3A_281 : i1 to i32
      %cond3A_283 = arith.constant 0 : i32
      %cond3A_284 = arith.cmpi ne, %convert_element_type3A_282, %cond3A_283 : i32
      scf.if %cond3A_284 {
        %add3A_316 = arith.constant 6 : i32
        %add3A_317 = arith.addi %mul3A_110, %add3A_316 : i32
        %add3A_318 = arith.constant 4 : i32
        %add3A_319 = arith.addi %add3A_317, %add3A_318 : i32
        %dma_start3A_320 = arith.constant 0 : i32
        %dma_start3A_321 = tpu.memref_slice %arg7[%add3A_319, %dma_start3A_320] : memref<80x128xi32, #tpu.memory_space<vmem>> -> memref<1x128xi32, #tpu.memory_space<vmem>>
        %dma_start3A_322 = tpu.memref_squeeze %dma_start3A_321 : memref<1x128xi32, #tpu.memory_space<vmem>> -> memref<128xi32, #tpu.memory_space<vmem>>
        %dma_start3A_323 = arith.constant 0 : i32
        %dma_start3A_324 = arith.constant 0 : i32
        %dma_start3A_325 = tpu.memref_slice %arg3[%dma_start3A_323, %dma_start3A_324] : memref<10240x64xf32, #tpu.memory_space<hbm>> -> memref<10240x64xf32, #tpu.memory_space<hbm>>
        tpu.enqueue_indirect_dma source(%dma_start3A_325 : memref<10240x64xf32, #tpu.memory_space<hbm>>) target(%arg11 : memref<128x64xf32, #tpu.memory_space<vmem>>) offsets(%dma_start3A_322 : memref<128xi32, #tpu.memory_space<vmem>>) semaphore(%arg19 : memref<!tpu.dma_semaphore, #tpu.memory_space<semaphore_mem>>)
      } else {
      }
      %add3A_285 = arith.constant 7 : i32
      %add3A_286 = arith.addi %mul3A_110, %add3A_285 : i32
      %dma_wait3A_287 = arith.constant 0 : i32
      %dma_wait3A_288 = tpu.memref_slice %arg7[%add3A_286, %dma_wait3A_287] : memref<80x128xi32, #tpu.memory_space<vmem>> -> memref<1x128xi32, #tpu.memory_space<vmem>>
      %dma_wait3A_289 = tpu.memref_squeeze %dma_wait3A_288 : memref<1x128xi32, #tpu.memory_space<vmem>> -> memref<128xi32, #tpu.memory_space<vmem>>
      %dma_wait3A_290 = arith.constant 0 : i32
      %dma_wait3A_291 = arith.constant 0 : i32
      %dma_wait3A_292 = tpu.memref_slice %arg3[%dma_wait3A_290, %dma_wait3A_291] : memref<10240x64xf32, #tpu.memory_space<hbm>> -> memref<10240x64xf32, #tpu.memory_space<hbm>>
      tpu.wait_indirect_dma semaphore(%arg24 : memref<!tpu.dma_semaphore, #tpu.memory_space<semaphore_mem>>) src(%dma_wait3A_292 : memref<10240x64xf32, #tpu.memory_space<hbm>>) dst(%arg16 : memref<128x64xf32, #tpu.memory_space<vmem>>)
      %add3A_293 = arith.constant 7 : i32
      %add3A_294 = arith.addi %mul3A_110, %add3A_293 : i32
      %dma_start3A_295 = arith.constant 0 : i32
      %dma_start3A_296 = tpu.memref_slice %arg8[%add3A_294, %dma_start3A_295] : memref<80x128xi32, #tpu.memory_space<vmem>> -> memref<1x128xi32, #tpu.memory_space<vmem>>
      %dma_start3A_297 = tpu.memref_squeeze %dma_start3A_296 : memref<1x128xi32, #tpu.memory_space<vmem>> -> memref<128xi32, #tpu.memory_space<vmem>>
      %dma_start3A_298 = arith.constant 0 : i32
      %dma_start3A_299 = arith.constant 0 : i32
      %dma_start3A_300 = tpu.memref_slice %arg33[%dma_start3A_298, %dma_start3A_299] : memref<10240x64xf32, #tpu.memory_space<vmem_shared>> -> memref<10240x64xf32, #tpu.memory_space<vmem_shared>>
      tpu.enqueue_indirect_dma source(%arg16 : memref<128x64xf32, #tpu.memory_space<vmem>>) target(%dma_start3A_300 : memref<10240x64xf32, #tpu.memory_space<vmem_shared>>) offsets(%dma_start3A_297 : memref<128xi32, #tpu.memory_space<vmem>>) semaphore(%arg32 : memref<!tpu.dma_semaphore, #tpu.memory_space<semaphore_mem>>) {add = true}
      %add3A_301 = arith.constant 7 : i32
      %add3A_302 = arith.addi %mul3A_110, %add3A_301 : i32
      %sub3A_303 = arith.constant 4 : i32
      %sub3A_304 = arith.subi %add3A_302, %sub3A_303 : i32
      %dma_wait3A_305 = arith.constant 0 : i32
      %dma_wait3A_306 = tpu.memref_slice %arg8[%sub3A_304, %dma_wait3A_305] : memref<80x128xi32, #tpu.memory_space<vmem>> -> memref<1x128xi32, #tpu.memory_space<vmem>>
      %dma_wait3A_307 = tpu.memref_squeeze %dma_wait3A_306 : memref<1x128xi32, #tpu.memory_space<vmem>> -> memref<128xi32, #tpu.memory_space<vmem>>
      %dma_wait3A_308 = arith.constant 0 : i32
      %dma_wait3A_309 = arith.constant 0 : i32
      %dma_wait3A_310 = tpu.memref_slice %arg33[%dma_wait3A_308, %dma_wait3A_309] : memref<10240x64xf32, #tpu.memory_space<vmem_shared>> -> memref<10240x64xf32, #tpu.memory_space<vmem_shared>>
      tpu.wait_indirect_dma semaphore(%arg28 : memref<!tpu.dma_semaphore, #tpu.memory_space<semaphore_mem>>) src(%arg12 : memref<128x64xf32, #tpu.memory_space<vmem>>) dst(%dma_wait3A_310 : memref<10240x64xf32, #tpu.memory_space<vmem_shared>>)
      %lt3A_311 = arith.constant 9 : i32
      %lt3A_312 = arith.cmpi slt, %add3A_108, %lt3A_311 : i32
      %convert_element_type3A_313 = arith.extui %lt3A_312 : i1 to i32
      %cond3A_314 = arith.constant 0 : i32
      %cond3A_315 = arith.cmpi ne, %convert_element_type3A_313, %cond3A_314 : i32
      scf.if %cond3A_315 {
        %add3A_316 = arith.constant 7 : i32
        %add3A_317 = arith.addi %mul3A_110, %add3A_316 : i32
        %add3A_318 = arith.constant 4 : i32
        %add3A_319 = arith.addi %add3A_317, %add3A_318 : i32
        %dma_start3A_320 = arith.constant 0 : i32
        %dma_start3A_321 = tpu.memref_slice %arg7[%add3A_319, %dma_start3A_320] : memref<80x128xi32, #tpu.memory_space<vmem>> -> memref<1x128xi32, #tpu.memory_space<vmem>>
        %dma_start3A_322 = tpu.memref_squeeze %dma_start3A_321 : memref<1x128xi32, #tpu.memory_space<vmem>> -> memref<128xi32, #tpu.memory_space<vmem>>
        %dma_start3A_323 = arith.constant 0 : i32
        %dma_start3A_324 = arith.constant 0 : i32
        %dma_start3A_325 = tpu.memref_slice %arg3[%dma_start3A_323, %dma_start3A_324] : memref<10240x64xf32, #tpu.memory_space<hbm>> -> memref<10240x64xf32, #tpu.memory_space<hbm>>
        tpu.enqueue_indirect_dma source(%dma_start3A_325 : memref<10240x64xf32, #tpu.memory_space<hbm>>) target(%arg12 : memref<128x64xf32, #tpu.memory_space<vmem>>) offsets(%dma_start3A_322 : memref<128xi32, #tpu.memory_space<vmem>>) semaphore(%arg20 : memref<!tpu.dma_semaphore, #tpu.memory_space<semaphore_mem>>)
      } else {
      }
    }
    %scan3A_68 = arith.constant 10 : i32
    %dma_wait3A = arith.constant 76 : i32
    %dma_wait3A_69 = arith.constant 0 : i32
    %dma_wait3A_70 = tpu.memref_slice %arg8[%dma_wait3A, %dma_wait3A_69] : memref<80x128xi32, #tpu.memory_space<vmem>> -> memref<1x128xi32, #tpu.memory_space<vmem>>
    %dma_wait3A_71 = tpu.memref_squeeze %dma_wait3A_70 : memref<1x128xi32, #tpu.memory_space<vmem>> -> memref<128xi32, #tpu.memory_space<vmem>>
    %dma_wait3A_72 = arith.constant 0 : i32
    %dma_wait3A_73 = arith.constant 0 : i32
    %dma_wait3A_74 = tpu.memref_slice %arg33[%dma_wait3A_72, %dma_wait3A_73] : memref<10240x64xf32, #tpu.memory_space<vmem_shared>> -> memref<10240x64xf32, #tpu.memory_space<vmem_shared>>
    tpu.wait_indirect_dma semaphore(%arg29 : memref<!tpu.dma_semaphore, #tpu.memory_space<semaphore_mem>>) src(%arg13 : memref<128x64xf32, #tpu.memory_space<vmem>>) dst(%dma_wait3A_74 : memref<10240x64xf32, #tpu.memory_space<vmem_shared>>)
    %dma_wait3A_75 = arith.constant 77 : i32
    %dma_wait3A_76 = arith.constant 0 : i32
    %dma_wait3A_77 = tpu.memref_slice %arg8[%dma_wait3A_75, %dma_wait3A_76] : memref<80x128xi32, #tpu.memory_space<vmem>> -> memref<1x128xi32, #tpu.memory_space<vmem>>
    %dma_wait3A_78 = tpu.memref_squeeze %dma_wait3A_77 : memref<1x128xi32, #tpu.memory_space<vmem>> -> memref<128xi32, #tpu.memory_space<vmem>>
    %dma_wait3A_79 = arith.constant 0 : i32
    %dma_wait3A_80 = arith.constant 0 : i32
    %dma_wait3A_81 = tpu.memref_slice %arg33[%dma_wait3A_79, %dma_wait3A_80] : memref<10240x64xf32, #tpu.memory_space<vmem_shared>> -> memref<10240x64xf32, #tpu.memory_space<vmem_shared>>
    tpu.wait_indirect_dma semaphore(%arg30 : memref<!tpu.dma_semaphore, #tpu.memory_space<semaphore_mem>>) src(%arg14 : memref<128x64xf32, #tpu.memory_space<vmem>>) dst(%dma_wait3A_81 : memref<10240x64xf32, #tpu.memory_space<vmem_shared>>)
    %dma_wait3A_82 = arith.constant 78 : i32
    %dma_wait3A_83 = arith.constant 0 : i32
    %dma_wait3A_84 = tpu.memref_slice %arg8[%dma_wait3A_82, %dma_wait3A_83] : memref<80x128xi32, #tpu.memory_space<vmem>> -> memref<1x128xi32, #tpu.memory_space<vmem>>
    %dma_wait3A_85 = tpu.memref_squeeze %dma_wait3A_84 : memref<1x128xi32, #tpu.memory_space<vmem>> -> memref<128xi32, #tpu.memory_space<vmem>>
    %dma_wait3A_86 = arith.constant 0 : i32
    %dma_wait3A_87 = arith.constant 0 : i32
    %dma_wait3A_88 = tpu.memref_slice %arg33[%dma_wait3A_86, %dma_wait3A_87] : memref<10240x64xf32, #tpu.memory_space<vmem_shared>> -> memref<10240x64xf32, #tpu.memory_space<vmem_shared>>
    tpu.wait_indirect_dma semaphore(%arg31 : memref<!tpu.dma_semaphore, #tpu.memory_space<semaphore_mem>>) src(%arg15 : memref<128x64xf32, #tpu.memory_space<vmem>>) dst(%dma_wait3A_88 : memref<10240x64xf32, #tpu.memory_space<vmem_shared>>)
    %dma_wait3A_89 = arith.constant 79 : i32
    %dma_wait3A_90 = arith.constant 0 : i32
    %dma_wait3A_91 = tpu.memref_slice %arg8[%dma_wait3A_89, %dma_wait3A_90] : memref<80x128xi32, #tpu.memory_space<vmem>> -> memref<1x128xi32, #tpu.memory_space<vmem>>
    %dma_wait3A_92 = tpu.memref_squeeze %dma_wait3A_91 : memref<1x128xi32, #tpu.memory_space<vmem>> -> memref<128xi32, #tpu.memory_space<vmem>>
    %dma_wait3A_93 = arith.constant 0 : i32
    %dma_wait3A_94 = arith.constant 0 : i32
    %dma_wait3A_95 = tpu.memref_slice %arg33[%dma_wait3A_93, %dma_wait3A_94] : memref<10240x64xf32, #tpu.memory_space<vmem_shared>> -> memref<10240x64xf32, #tpu.memory_space<vmem_shared>>
    tpu.wait_indirect_dma semaphore(%arg32 : memref<!tpu.dma_semaphore, #tpu.memory_space<semaphore_mem>>) src(%arg16 : memref<128x64xf32, #tpu.memory_space<vmem>>) dst(%dma_wait3A_95 : memref<10240x64xf32, #tpu.memory_space<vmem_shared>>)
    %barrier3A_96 = arith.constant 0 : index
    tpu.barrier barrier_id(%barrier3A_96)
    %eq3A = arith.constant 0 : i32
    %eq3A_97 = arith.cmpi eq, %arg0, %eq3A : i32
    %convert_element_type3A = arith.extui %eq3A_97 : i1 to i32
    %cond3A = arith.constant 0 : i32
    %cond3A_98 = arith.cmpi ne, %convert_element_type3A, %cond3A : i32
    scf.if %cond3A_98 {
      %mul3A_104 = arith.constant 640 : i32
      %mul3A_105 = arith.muli %arg1, %mul3A_104 : i32
      %mul3A_106 = arith.constant 640 : i32
      %mul3A_107 = arith.muli %arg1, %mul3A_106 : i32
      "tpu.region"() ({
        %run_scoped3A_108 = tpu.sem_alloc : memref<!tpu.dma_semaphore, #tpu.memory_space<semaphore_mem>>
        %dma_start3A_109 = arith.constant 0 : i32
        %dma_start3A_110 = tpu.memref_slice %arg5[%mul3A_107, %dma_start3A_109] : memref<10240x64xf32, #tpu.memory_space<hbm>> -> memref<640x64xf32, #tpu.memory_space<hbm>>
        %dma_start3A_111 = arith.constant 0 : i32
        %dma_start3A_112 = tpu.memref_slice %arg33[%mul3A_105, %dma_start3A_111] : memref<10240x64xf32, #tpu.memory_space<vmem_shared>> -> memref<640x64xf32, #tpu.memory_space<vmem_shared>>
        tpu.enqueue_dma source(%dma_start3A_112 : memref<640x64xf32, #tpu.memory_space<vmem_shared>>) target(%dma_start3A_110 : memref<640x64xf32, #tpu.memory_space<hbm>>) target_semaphore(%run_scoped3A_108 : memref<!tpu.dma_semaphore, #tpu.memory_space<semaphore_mem>>)
        %dma_wait3A_113 = arith.constant 0 : i32
        %dma_wait3A_114 = tpu.memref_slice %arg5[%mul3A_107, %dma_wait3A_113] : memref<10240x64xf32, #tpu.memory_space<hbm>> -> memref<640x64xf32, #tpu.memory_space<hbm>>
        %dma_wait3A_115 = arith.constant 0 : i32
        %dma_wait3A_116 = tpu.memref_slice %arg33[%mul3A_105, %dma_wait3A_115] : memref<10240x64xf32, #tpu.memory_space<vmem_shared>> -> memref<640x64xf32, #tpu.memory_space<vmem_shared>>
        tpu.wait_dma2 semaphore(%run_scoped3A_108 : memref<!tpu.dma_semaphore, #tpu.memory_space<semaphore_mem>>) src(%dma_wait3A_116 : memref<640x64xf32, #tpu.memory_space<vmem_shared>>) dst(%dma_wait3A_114 : memref<640x64xf32, #tpu.memory_space<hbm>>)
        tpu.yield
      }) : () -> ()
    } else {
    }
    %eq3A_99 = arith.constant 1 : i32
    %eq3A_100 = arith.cmpi eq, %arg0, %eq3A_99 : i32
    %convert_element_type3A_101 = arith.extui %eq3A_100 : i1 to i32
    %cond3A_102 = arith.constant 0 : i32
    %cond3A_103 = arith.cmpi ne, %convert_element_type3A_101, %cond3A_102 : i32
    scf.if %cond3A_103 {
      %mul3A_104 = arith.constant 640 : i32
      %mul3A_105 = arith.muli %arg1, %mul3A_104 : i32
      %mul3A_106 = arith.constant 640 : i32
      %mul3A_107 = arith.muli %arg1, %mul3A_106 : i32
      "tpu.region"() ({
        %run_scoped3A_108 = tpu.sem_alloc : memref<!tpu.dma_semaphore, #tpu.memory_space<semaphore_mem>>
        %dma_start3A_109 = arith.constant 0 : i32
        %dma_start3A_110 = tpu.memref_slice %arg6[%mul3A_107, %dma_start3A_109] : memref<10240x64xf32, #tpu.memory_space<hbm>> -> memref<640x64xf32, #tpu.memory_space<hbm>>
        %dma_start3A_111 = arith.constant 0 : i32
        %dma_start3A_112 = tpu.memref_slice %arg33[%mul3A_105, %dma_start3A_111] : memref<10240x64xf32, #tpu.memory_space<vmem_shared>> -> memref<640x64xf32, #tpu.memory_space<vmem_shared>>
        tpu.enqueue_dma source(%dma_start3A_112 : memref<640x64xf32, #tpu.memory_space<vmem_shared>>) target(%dma_start3A_110 : memref<640x64xf32, #tpu.memory_space<hbm>>) target_semaphore(%run_scoped3A_108 : memref<!tpu.dma_semaphore, #tpu.memory_space<semaphore_mem>>)
        %dma_wait3A_113 = arith.constant 0 : i32
        %dma_wait3A_114 = tpu.memref_slice %arg6[%mul3A_107, %dma_wait3A_113] : memref<10240x64xf32, #tpu.memory_space<hbm>> -> memref<640x64xf32, #tpu.memory_space<hbm>>
        %dma_wait3A_115 = arith.constant 0 : i32
        %dma_wait3A_116 = tpu.memref_slice %arg33[%mul3A_105, %dma_wait3A_115] : memref<10240x64xf32, #tpu.memory_space<vmem_shared>> -> memref<640x64xf32, #tpu.memory_space<vmem_shared>>
        tpu.wait_dma2 semaphore(%run_scoped3A_108 : memref<!tpu.dma_semaphore, #tpu.memory_space<semaphore_mem>>) src(%dma_wait3A_116 : memref<640x64xf32, #tpu.memory_space<vmem_shared>>) dst(%dma_wait3A_114 : memref<640x64xf32, #tpu.memory_space<hbm>>)
        tpu.yield
      }) : () -> ()
    } else {
    }
    return
  }
}

module attributes {stable_mosaic.version = 14 : i64} {
  func.func @_k1_body(%arg0: i32, %arg1: memref<5120xf32, #tpu.memory_space<vmem>>, %arg2: memref<5120xf32, #tpu.memory_space<vmem>>, %arg3: memref<5120x128xf32, #tpu.memory_space<vmem>>, %arg4: memref<128x64xf32, #tpu.memory_space<vmem>>, %arg5: memref<5120x64xf32, #tpu.memory_space<vmem>>) attributes {dimension_semantics = [#tpu.dimension_semantics<arbitrary>], iteration_bounds = array<i64: 2>, scalar_prefetch = 0 : i64, scratch_operands = 0 : i64, tpu.core_type = #tpu.core_type<tc>, window_params = [{transform_indices = @transform_0, window_bounds = array<i64: 5120>}, {transform_indices = @transform_1, window_bounds = array<i64: 5120>}, {transform_indices = @transform_2, window_bounds = array<i64: 5120, 128>}, {pipeline_mode = #tpu.pipeline_mode<synchronous>, transform_indices = @transform_3, window_bounds = array<i64: 128, 64>}, {transform_indices = @transform_4, window_bounds = array<i64: 5120, 64>}]} {
    %get3A = arith.constant 0 : index
    %get3A_0 = arith.constant 0 : index
    %get3A_1 = vector.load %arg3[%get3A, %get3A_0] : memref<5120x128xf32, #tpu.memory_space<vmem>>, vector<5120x128xf32>
    %get3A_2 = arith.constant 0 : index
    %get3A_3 = arith.constant 0 : index
    %get3A_4 = vector.load %arg4[%get3A_2, %get3A_3] : memref<128x64xf32, #tpu.memory_space<vmem>>, vector<128x64xf32>
    %dot_general3A = arith.constant dense<0.000000e+00> : vector<5120x64xf32>
    %dot_general3A_5 = tpu.matmul %get3A_1, %get3A_4, %dot_general3A {dimension_numbers = #tpu.dot_dimension_numbers<[1], [0], [0], [1], [0, 0, 1, 1], [], []>, transpose_lhs_hint = false} : vector<5120x128xf32>, vector<128x64xf32>, vector<5120x64xf32> -> vector<5120x64xf32>
    %get3A_6 = arith.constant 0 : index
    %get3A_7 = vector.load %arg1[%get3A_6] : memref<5120xf32, #tpu.memory_space<vmem>>, vector<5120xf32>
    %get3A_8 = arith.constant 0 : index
    %get3A_9 = vector.load %arg2[%get3A_8] : memref<5120xf32, #tpu.memory_space<vmem>>, vector<5120xf32>
    %add3A = arith.addf %get3A_7, %get3A_9 : vector<5120xf32>
    %add3A_10 = arith.constant 1.000000e+00 : f32
    %add3A_11 = vector.broadcast %add3A_10 : f32 to vector<5120xf32>
    %add3A_12 = arith.addf %add3A, %add3A_11 : vector<5120xf32>
    %rsqrt3A = math.rsqrt %add3A_12 : vector<5120xf32>
    %broadcast_in_dim3A = vector.shape_cast %rsqrt3A : vector<5120xf32> to vector<5120x1xf32>
    %mul3A = vector.broadcast %broadcast_in_dim3A : vector<5120x1xf32> to vector<5120x64xf32>
    %mul3A_13 = arith.mulf %mul3A, %dot_general3A_5 : vector<5120x64xf32>
    %swap3A = arith.constant 0 : index
    %swap3A_14 = arith.constant 0 : index
    %swap3A_15 = vector.load %arg5[%swap3A, %swap3A_14] : memref<5120x64xf32, #tpu.memory_space<vmem>>, vector<5120x64xf32>
    tpu.vector_store %arg5[%swap3A, %swap3A_14], %mul3A_13 {strides = array<i32>} : memref<5120x64xf32, #tpu.memory_space<vmem>>, vector<5120x64xf32>,
    return
  }
  func.func @transform_0(%arg0: i32) -> i32 {
    %c0_i32 = arith.constant 0 : i32
    return %arg0 : i32
  }
  func.func @transform_1(%arg0: i32) -> i32 {
    %c0_i32 = arith.constant 0 : i32
    return %arg0 : i32
  }
  func.func @transform_2(%arg0: i32) -> (i32, i32) {
    %c0_i32 = arith.constant 0 : i32
    %c0_i32_0 = arith.constant 0 : i32
    return %arg0, %c0_i32 : i32, i32
  }
  func.func @transform_3(%arg0: i32) -> (i32, i32) {
    %c0_i32 = arith.constant 0 : i32
    %c0_i32_0 = arith.constant 0 : i32
    %c0_i32_1 = arith.constant 0 : i32
    return %c0_i32, %c0_i32_0 : i32, i32
  }
  func.func @transform_4(%arg0: i32) -> (i32, i32) {
    %c0_i32 = arith.constant 0 : i32
    %c0_i32_0 = arith.constant 0 : i32
    return %arg0, %c0_i32 : i32, i32
  }
}

module attributes {stable_mosaic.version = 14 : i64} {
  func.func @_k2_body(%arg0: i32, %arg1: memref<5120xf32, #tpu.memory_space<vmem>>, %arg2: memref<5120xf32, #tpu.memory_space<vmem>>, %arg3: memref<5120x64xf32, #tpu.memory_space<vmem>>, %arg4: memref<5120x64xf32, #tpu.memory_space<vmem>>, %arg5: memref<5120x64xf32, #tpu.memory_space<vmem>>, %arg6: memref<1x64xf32, #tpu.memory_space<vmem>>, %arg7: memref<64x64xf32, #tpu.memory_space<vmem>>, %arg8: memref<5120x64xf32, #tpu.memory_space<vmem>>) attributes {dimension_semantics = [#tpu.dimension_semantics<arbitrary>], iteration_bounds = array<i64: 2>, scalar_prefetch = 0 : i64, scratch_operands = 0 : i64, tpu.core_type = #tpu.core_type<tc>, window_params = [{transform_indices = @transform_0, window_bounds = array<i64: 5120>}, {transform_indices = @transform_1, window_bounds = array<i64: 5120>}, {transform_indices = @transform_2, window_bounds = array<i64: 5120, 64>}, {transform_indices = @transform_3, window_bounds = array<i64: 5120, 64>}, {transform_indices = @transform_4, window_bounds = array<i64: 5120, 64>}, {pipeline_mode = #tpu.pipeline_mode<synchronous>, transform_indices = @transform_5, window_bounds = array<i64: 1, 64>}, {pipeline_mode = #tpu.pipeline_mode<synchronous>, transform_indices = @transform_6, window_bounds = array<i64: 64, 64>}, {transform_indices = @transform_7, window_bounds = array<i64: 5120, 64>}]} {
    %get3A = arith.constant 0 : index
    %get3A_0 = vector.load %arg1[%get3A] : memref<5120xf32, #tpu.memory_space<vmem>>, vector<5120xf32>
    %get3A_1 = arith.constant 0 : index
    %get3A_2 = vector.load %arg2[%get3A_1] : memref<5120xf32, #tpu.memory_space<vmem>>, vector<5120xf32>
    %add3A = arith.addf %get3A_0, %get3A_2 : vector<5120xf32>
    %add3A_3 = arith.constant 1.000000e+00 : f32
    %add3A_4 = vector.broadcast %add3A_3 : f32 to vector<5120xf32>
    %add3A_5 = arith.addf %add3A, %add3A_4 : vector<5120xf32>
    %rsqrt3A = math.rsqrt %add3A_5 : vector<5120xf32>
    %broadcast_in_dim3A = vector.shape_cast %rsqrt3A : vector<5120xf32> to vector<5120x1xf32>
    %get3A_6 = arith.constant 0 : index
    %get3A_7 = arith.constant 0 : index
    %get3A_8 = vector.load %arg3[%get3A_6, %get3A_7] : memref<5120x64xf32, #tpu.memory_space<vmem>>, vector<5120x64xf32>
    %get3A_9 = arith.constant 0 : index
    %get3A_10 = arith.constant 0 : index
    %get3A_11 = vector.load %arg4[%get3A_9, %get3A_10] : memref<5120x64xf32, #tpu.memory_space<vmem>>, vector<5120x64xf32>
    %add3A_12 = arith.addf %get3A_8, %get3A_11 : vector<5120x64xf32>
    %get3A_13 = arith.constant 0 : index
    %get3A_14 = arith.constant 0 : index
    %get3A_15 = vector.load %arg5[%get3A_13, %get3A_14] : memref<5120x64xf32, #tpu.memory_space<vmem>>, vector<5120x64xf32>
    %add3A_16 = arith.addf %add3A_12, %get3A_15 : vector<5120x64xf32>
    %mul3A = vector.broadcast %broadcast_in_dim3A : vector<5120x1xf32> to vector<5120x64xf32>
    %mul3A_17 = arith.mulf %mul3A, %add3A_16 : vector<5120x64xf32>
    %get3A_18 = arith.constant 0 : index
    %get3A_19 = arith.constant 0 : index
    %get3A_20 = vector.load %arg6[%get3A_18, %get3A_19] : memref<1x64xf32, #tpu.memory_space<vmem>>, vector<1x64xf32>
    %add3A_21 = vector.broadcast %get3A_20 : vector<1x64xf32> to vector<5120x64xf32>
    %add3A_22 = arith.addf %mul3A_17, %add3A_21 : vector<5120x64xf32>
    %max3A = arith.constant 0.000000e+00 : f32
    %max3A_23 = vector.broadcast %max3A : f32 to vector<5120x64xf32>
    %max3A_24 = arith.maximumf %add3A_22, %max3A_23 : vector<5120x64xf32>
    %get3A_25 = arith.constant 0 : index
    %get3A_26 = arith.constant 0 : index
    %get3A_27 = vector.load %arg7[%get3A_25, %get3A_26] : memref<64x64xf32, #tpu.memory_space<vmem>>, vector<64x64xf32>
    %dot_general3A = arith.constant dense<0.000000e+00> : vector<5120x64xf32>
    %dot_general3A_28 = tpu.matmul %max3A_24, %get3A_27, %dot_general3A {dimension_numbers = #tpu.dot_dimension_numbers<[1], [0], [0], [1], [0, 0, 1, 1], [], []>, transpose_lhs_hint = false} : vector<5120x64xf32>, vector<64x64xf32>, vector<5120x64xf32> -> vector<5120x64xf32>
    %mul3A_29 = vector.broadcast %broadcast_in_dim3A : vector<5120x1xf32> to vector<5120x64xf32>
    %mul3A_30 = arith.mulf %mul3A_29, %dot_general3A_28 : vector<5120x64xf32>
    %swap3A = arith.constant 0 : index
    %swap3A_31 = arith.constant 0 : index
    %swap3A_32 = vector.load %arg8[%swap3A, %swap3A_31] : memref<5120x64xf32, #tpu.memory_space<vmem>>, vector<5120x64xf32>
    tpu.vector_store %arg8[%swap3A, %swap3A_31], %mul3A_30 {strides = array<i32>} : memref<5120x64xf32, #tpu.memory_space<vmem>>, vector<5120x64xf32>,
    return
  }
  func.func @transform_0(%arg0: i32) -> i32 {
    %c0_i32 = arith.constant 0 : i32
    return %arg0 : i32
  }
  func.func @transform_1(%arg0: i32) -> i32 {
    %c0_i32 = arith.constant 0 : i32
    return %arg0 : i32
  }
  func.func @transform_2(%arg0: i32) -> (i32, i32) {
    %c0_i32 = arith.constant 0 : i32
    %c0_i32_0 = arith.constant 0 : i32
    return %arg0, %c0_i32 : i32, i32
  }
  func.func @transform_3(%arg0: i32) -> (i32, i32) {
    %c0_i32 = arith.constant 0 : i32
    %c0_i32_0 = arith.constant 0 : i32
    return %arg0, %c0_i32 : i32, i32
  }
  func.func @transform_4(%arg0: i32) -> (i32, i32) {
    %c0_i32 = arith.constant 0 : i32
    %c0_i32_0 = arith.constant 0 : i32
    return %arg0, %c0_i32 : i32, i32
  }
  func.func @transform_5(%arg0: i32) -> (i32, i32) {
    %c0_i32 = arith.constant 0 : i32
    %c0_i32_0 = arith.constant 0 : i32
    %c0_i32_1 = arith.constant 0 : i32
    return %c0_i32, %c0_i32_0 : i32, i32
  }
  func.func @transform_6(%arg0: i32) -> (i32, i32) {
    %c0_i32 = arith.constant 0 : i32
    %c0_i32_0 = arith.constant 0 : i32
    %c0_i32_1 = arith.constant 0 : i32
    return %c0_i32, %c0_i32_0 : i32, i32
  }
  func.func @transform_7(%arg0: i32) -> (i32, i32) {
    %c0_i32 = arith.constant 0 : i32
    %c0_i32_0 = arith.constant 0 : i32
    return %arg0, %c0_i32 : i32, i32
  }
}

module attributes {stable_mosaic.version = 14 : i64} {
  func.func @_k3_body(%arg0: i32, %arg1: memref<5120xf32, #tpu.memory_space<vmem>>, %arg2: memref<5120xf32, #tpu.memory_space<vmem>>, %arg3: memref<5120x64xf32, #tpu.memory_space<vmem>>, %arg4: memref<5120x64xf32, #tpu.memory_space<vmem>>, %arg5: memref<5120x64xf32, #tpu.memory_space<vmem>>, %arg6: memref<1x64xf32, #tpu.memory_space<vmem>>, %arg7: memref<64x2xf32, #tpu.memory_space<vmem>>, %arg8: memref<2x1xf32, #tpu.memory_space<vmem>>, %arg9: memref<2x5120xf32, #tpu.memory_space<vmem>>) attributes {dimension_semantics = [#tpu.dimension_semantics<arbitrary>], iteration_bounds = array<i64: 2>, scalar_prefetch = 0 : i64, scratch_operands = 0 : i64, tpu.core_type = #tpu.core_type<tc>, window_params = [{transform_indices = @transform_0, window_bounds = array<i64: 5120>}, {transform_indices = @transform_1, window_bounds = array<i64: 5120>}, {transform_indices = @transform_2, window_bounds = array<i64: 5120, 64>}, {transform_indices = @transform_3, window_bounds = array<i64: 5120, 64>}, {transform_indices = @transform_4, window_bounds = array<i64: 5120, 64>}, {pipeline_mode = #tpu.pipeline_mode<synchronous>, transform_indices = @transform_5, window_bounds = array<i64: 1, 64>}, {pipeline_mode = #tpu.pipeline_mode<synchronous>, transform_indices = @transform_6, window_bounds = array<i64: 64, 2>}, {pipeline_mode = #tpu.pipeline_mode<synchronous>, transform_indices = @transform_7, window_bounds = array<i64: 2, 1>}, {transform_indices = @transform_8, window_bounds = array<i64: 2, 5120>}]} {
    %get3A = arith.constant 0 : index
    %get3A_0 = vector.load %arg1[%get3A] : memref<5120xf32, #tpu.memory_space<vmem>>, vector<5120xf32>
    %get3A_1 = arith.constant 0 : index
    %get3A_2 = vector.load %arg2[%get3A_1] : memref<5120xf32, #tpu.memory_space<vmem>>, vector<5120xf32>
    %add3A = arith.addf %get3A_0, %get3A_2 : vector<5120xf32>
    %add3A_3 = arith.constant 1.000000e+00 : f32
    %add3A_4 = vector.broadcast %add3A_3 : f32 to vector<5120xf32>
    %add3A_5 = arith.addf %add3A, %add3A_4 : vector<5120xf32>
    %rsqrt3A = math.rsqrt %add3A_5 : vector<5120xf32>
    %broadcast_in_dim3A = vector.shape_cast %rsqrt3A : vector<5120xf32> to vector<5120x1xf32>
    %get3A_6 = arith.constant 0 : index
    %get3A_7 = arith.constant 0 : index
    %get3A_8 = vector.load %arg3[%get3A_6, %get3A_7] : memref<5120x64xf32, #tpu.memory_space<vmem>>, vector<5120x64xf32>
    %get3A_9 = arith.constant 0 : index
    %get3A_10 = arith.constant 0 : index
    %get3A_11 = vector.load %arg4[%get3A_9, %get3A_10] : memref<5120x64xf32, #tpu.memory_space<vmem>>, vector<5120x64xf32>
    %add3A_12 = arith.addf %get3A_8, %get3A_11 : vector<5120x64xf32>
    %get3A_13 = arith.constant 0 : index
    %get3A_14 = arith.constant 0 : index
    %get3A_15 = vector.load %arg5[%get3A_13, %get3A_14] : memref<5120x64xf32, #tpu.memory_space<vmem>>, vector<5120x64xf32>
    %add3A_16 = arith.addf %add3A_12, %get3A_15 : vector<5120x64xf32>
    %mul3A = vector.broadcast %broadcast_in_dim3A : vector<5120x1xf32> to vector<5120x64xf32>
    %mul3A_17 = arith.mulf %mul3A, %add3A_16 : vector<5120x64xf32>
    %get3A_18 = arith.constant 0 : index
    %get3A_19 = arith.constant 0 : index
    %get3A_20 = vector.load %arg6[%get3A_18, %get3A_19] : memref<1x64xf32, #tpu.memory_space<vmem>>, vector<1x64xf32>
    %add3A_21 = vector.broadcast %get3A_20 : vector<1x64xf32> to vector<5120x64xf32>
    %add3A_22 = arith.addf %mul3A_17, %add3A_21 : vector<5120x64xf32>
    %max3A = arith.constant 0.000000e+00 : f32
    %max3A_23 = vector.broadcast %max3A : f32 to vector<5120x64xf32>
    %max3A_24 = arith.maximumf %add3A_22, %max3A_23 : vector<5120x64xf32>
    %get3A_25 = arith.constant 0 : index
    %get3A_26 = arith.constant 0 : index
    %get3A_27 = vector.load %arg7[%get3A_25, %get3A_26] : memref<64x2xf32, #tpu.memory_space<vmem>>, vector<64x2xf32>
    %dot_general3A = arith.constant dense<0.000000e+00> : vector<5120x2xf32>
    %dot_general3A_28 = tpu.matmul %max3A_24, %get3A_27, %dot_general3A {dimension_numbers = #tpu.dot_dimension_numbers<[1], [0], [0], [1], [0, 0, 1, 1], [], []>, transpose_lhs_hint = false} : vector<5120x64xf32>, vector<64x2xf32>, vector<5120x2xf32> -> vector<5120x2xf32>
    %transpose3A = tpu.transpose %dot_general3A_28, [1, 0] : vector<5120x2xf32> -> vector<2x5120xf32>
    %get3A_29 = arith.constant 0 : index
    %get3A_30 = arith.constant 0 : index
    %get3A_31 = vector.load %arg8[%get3A_29, %get3A_30] : memref<2x1xf32, #tpu.memory_space<vmem>>, vector<2x1xf32>
    %add3A_32 = vector.broadcast %get3A_31 : vector<2x1xf32> to vector<2x5120xf32>
    %add3A_33 = arith.addf %transpose3A, %add3A_32 : vector<2x5120xf32>
    %swap3A = arith.constant 0 : index
    %swap3A_34 = arith.constant 0 : index
    %swap3A_35 = vector.load %arg9[%swap3A, %swap3A_34] : memref<2x5120xf32, #tpu.memory_space<vmem>>, vector<2x5120xf32>
    tpu.vector_store %arg9[%swap3A, %swap3A_34], %add3A_33 {strides = array<i32>} : memref<2x5120xf32, #tpu.memory_space<vmem>>, vector<2x5120xf32>,
    return
  }
  func.func @transform_0(%arg0: i32) -> i32 {
    %c0_i32 = arith.constant 0 : i32
    return %arg0 : i32
  }
  func.func @transform_1(%arg0: i32) -> i32 {
    %c0_i32 = arith.constant 0 : i32
    return %arg0 : i32
  }
  func.func @transform_2(%arg0: i32) -> (i32, i32) {
    %c0_i32 = arith.constant 0 : i32
    %c0_i32_0 = arith.constant 0 : i32
    return %arg0, %c0_i32 : i32, i32
  }
  func.func @transform_3(%arg0: i32) -> (i32, i32) {
    %c0_i32 = arith.constant 0 : i32
    %c0_i32_0 = arith.constant 0 : i32
    return %arg0, %c0_i32 : i32, i32
  }
  func.func @transform_4(%arg0: i32) -> (i32, i32) {
    %c0_i32 = arith.constant 0 : i32
    %c0_i32_0 = arith.constant 0 : i32
    return %arg0, %c0_i32 : i32, i32
  }
  func.func @transform_5(%arg0: i32) -> (i32, i32) {
    %c0_i32 = arith.constant 0 : i32
    %c0_i32_0 = arith.constant 0 : i32
    %c0_i32_1 = arith.constant 0 : i32
    return %c0_i32, %c0_i32_0 : i32, i32
  }
  func.func @transform_6(%arg0: i32) -> (i32, i32) {
    %c0_i32 = arith.constant 0 : i32
    %c0_i32_0 = arith.constant 0 : i32
    %c0_i32_1 = arith.constant 0 : i32
    return %c0_i32, %c0_i32_0 : i32, i32
  }
  func.func @transform_7(%arg0: i32) -> (i32, i32) {
    %c0_i32 = arith.constant 0 : i32
    %c0_i32_0 = arith.constant 0 : i32
    %c0_i32_1 = arith.constant 0 : i32
    return %c0_i32, %c0_i32_0 : i32, i32
  }
  func.func @transform_8(%arg0: i32) -> (i32, i32) {
    %c0_i32 = arith.constant 0 : i32
    %c0_i32_0 = arith.constant 0 : i32
    return %c0_i32, %arg0 : i32, i32
  }
}

</mosaic_0001>

<sc_bundles>
// kernel: kernel.12.cloned.1.call-start
scs
__scs_entry_jumppad:
0x0: {  	(pc) =	sbr.rel $0x88, $3  }
0x1: {  	(tag) =	ssettag $0x0;
	lr =	simm.s32 $0x1  }
0x2: {  	[smem:$0x3F98] =	sst lr;
	_ =	strace $0xD0000000  }
0x3: {  	_ = 	snop  }
0x4: {  	_ = 	snop  }
0x5: {  	_ = 	snop  }
0x6: {  	_ = 	snop  }
0x7: {  	_ = 	snop  }
__scs_overlays_trampoline_lowered:
0x8: {  	[smem:$0x3FA7] =	sst s0  }
0x9: {  	[smem:$0x3FA8] =	sst s1  }
0xa: {  	[smem:$0x3FA9] =	sst s2  }
0xb: {  	[smem:$0x3FAA] =	sst s3  }
0xc: {  	[smem:$0x3FAB] =	sst s4  }
0xd: {  	[smem:$0x3FAC] =	sst s5  }
0xe: {  	[smem:$0x3FAD] =	sst s6  }
0xf: {  	[smem:$0x3FAE] =	sst s7  }
0x10: {  	[smem:$0x3FAF] =	sst s8  }
0x11: {  	[smem:$0x3FB0] =	sst s9;
	s0 =	simm.s32 @!p0 $0x0  }
0x12: {  	s1 =	sld [smem:$0x3F96];
	s0 =	simm.s32 @p0 $0x1  }
0x13: {  	[smem:$0x3FB1] =	sst s0;
	s0 =	simm.s32 @!p1 $0x0  }
0x14: {  	s2 =	sld [smem:$0x3F95];
	s0 =	simm.s32 @p1 $0x1  }
0x15: {  	[smem:$0x3FB2] =	sst s0;
	s0 =	simm.s32 @!p2 $0x0  }
0x16: {  	s3 =	sld [smem:$0x3FDB];
	s0 =	simm.s32 @p2 $0x1  }
0x17: {  	s4 =	simm.s32 $0x1BF5;
	[smem:$0x3FB4] =	sst s0  }
0x18: {  	s0 =	sld [smem:$0x3F97];
	_ =	swait.ge [sflag:s4], $0x0  }
0x19: {  	s7 =	sld [smem:$0x3F98]  }
0x1a: {  	s8 =	sadd.s32 $0xFFFFE003, lr  }
0x1b: {  	s9 =	sadd.s32 $0xFFFFFEF7, lr;
	s5 =	simm.s32 $0xFFFFFFFF;
	p2 =	slt.u32 s8, $0xFFFFF086  }
0x1c: {  	p1 =	slt.u32 s9, $0xF7A;
	s5 =	simm.s32 @!p2 $0x0  }
0x1d: {  	s5 =	simm.s32 @p1 $0x1;
	p0 =	seq.s32 s7, s2  }
0x1e: {  	s7 =	smul.u32 @!p0 $0xF7A, s2;
	p2 =	seq.s32 @!p0 s5, $0x0  }
0x1f: {  	s9 =	smul.u32 $0xF7A, s1;
	s8 =	simm.s32 @!p0 $0x1BF5;
	p2 =	por !p2, p0  }
0x20: {  	[sflag:s8] =	ssyncset.s32 @!p0 $0xFFFFF086;
	s6 =	sadd.s32 @!p0 s3, s7;
	s7 =	simm.s32 @!p0 $0x108  }
0x21: {  	s3 =	sadd.s32 s3, s9;
	s6 =	sadd.s32 @!p0 $0x88, s6;
	s7 =	simm.s32 @p2 $0x1082  }
0x22: {  	[simem:s7], [sflag:s8] =	dma.local @!p0 [hbm:s6], $0xF7A  }
0x23: {  	s9 =	sor.u32 $0xD0000000, s2;
	s6 =	simm.s32 $0x108;
	_ =	swait.ge @!p0 [sflag:s8], $0x0  }
0x24: {  	s3 =	sadd.s32 $0x88, s3;
	s6 =	simm.s32 @!p1 $0x1082;
	[sflag:s4] =	ssyncset.s32 $0xFFFFF086  }
0x25: {  	[simem:s6], [sflag:s4] =	dma.local [hbm:s3], $0xF7A  }
0x26: {  	[smem:$0x3F98] =	sst s1;
	(tag) =	ssettag s2;
	_ =	strace s9  }
0x27: {  	s1 =	sld [smem:$0x3FA8]  }
0x28: {  	s2 =	sld [smem:$0x3FA9]  }
0x29: {  	s4 =	sld [smem:$0x3FAB]  }
0x2a: {  	p0 =	seq.s32 s5, $0x0;
	s5 =	sld [smem:$0x3FAC]  }
0x2b: {  	s6 =	sld [smem:$0x3FAD]  }
0x2c: {  	s7 =	sld [smem:$0x3FAE]  }
0x2d: {  	s3 =	simm.s32 $0x108;
	s8 =	sld [smem:$0x3FAF]  }
0x2e: {  	s3 =	simm.s32 @!p0 $0x1082;
	s9 =	sld [smem:$0x3FB0]  }
0x2f: {  	lr =	sadd.s32 s0, s3;
	s0 =	sld [smem:$0x3FA7]  }
0x30: {  	s3 =	sld [smem:$0x3FAA]  }
0x31: {  	[smem:$0x3FB3] =	sst s10  }
0x32: {  	s10 =	sld [smem:$0x3FB1];
	_ =	sdelay $0x3  }
0x33: {  	p0 =	seq.s32 s10, $0x1;
	s10 =	sld [smem:$0x3FB3];
	_ =	sdelay $0x3  }
0x34: {  	[smem:$0x3FB3] =	sst s10  }
0x35: {  	s10 =	sld [smem:$0x3FB2];
	_ =	sdelay $0x3  }
0x36: {  	p1 =	seq.s32 s10, $0x1;
	s10 =	sld [smem:$0x3FB3];
	_ =	sdelay $0x3  }
0x37: {  	[smem:$0x3FB3] =	sst s10  }
0x38: {  	s10 =	sld [smem:$0x3FB4]  }
0x39: {  	_ = 	snop;
	(pc) =	sbr.ind lr, $3  }
0x3a: {  	_ = 	snop  }
0x3b: {  	_ = 	snop  }
0x3c: {  	p2 =	seq.s32 s10, $0x1;
	s10 =	sld [smem:$0x3FB3]  }
0x3d: {  	_ =	shalt  }
0x3e: {  	_ =	shalt  }
0x3f: {  	_ =	shalt  }
0x40: {  	_ =	shalt  }
0x41: {  	_ =	shalt  }
0x42: {  	_ =	shalt  }
0x43: {  	_ =	shalt  }
0x44: {  	_ =	shalt  }
0x45: {  	_ =	shalt  }
0x46: {  	_ =	shalt  }
0x47: {  	_ =	shalt  }
0x48: {  	_ =	shalt  }
0x49: {  	_ =	shalt  }
0x4a: {  	_ =	shalt  }
0x4b: {  	_ =	shalt  }
0x4c: {  	_ =	shalt  }
0x4d: {  	_ =	shalt  }
0x4e: {  	_ =	shalt  }
0x4f: {  	_ =	shalt  }
0x50: {  	_ =	shalt  }
0x51: {  	_ =	shalt  }
0x52: {  	_ =	shalt  }
0x53: {  	_ =	shalt  }
0x54: {  	_ =	shalt  }
0x55: {  	_ =	shalt  }
0x56: {  	_ =	shalt  }
0x57: {  	_ =	shalt  }
0x58: {  	_ =	shalt  }
0x59: {  	_ =	shalt  }
0x5a: {  	_ =	shalt  }
0x5b: {  	_ =	shalt  }
0x5c: {  	_ =	shalt  }
0x5d: {  	_ =	shalt  }
0x5e: {  	_ =	shalt  }
0x5f: {  	_ =	shalt  }
0x60: {  	_ =	shalt  }
0x61: {  	_ =	shalt  }
0x62: {  	_ =	shalt  }
0x63: {  	_ =	shalt  }
0x64: {  	_ =	shalt  }
0x65: {  	_ =	shalt  }
0x66: {  	_ =	shalt  }
0x67: {  	_ =	shalt  }
0x68: {  	_ =	shalt  }
0x69: {  	_ =	shalt  }
0x6a: {  	_ =	shalt  }
0x6b: {  	_ =	shalt  }
0x6c: {  	_ =	shalt  }
0x6d: {  	_ =	shalt  }
0x6e: {  	_ =	shalt  }
0x6f: {  	_ =	shalt  }
0x70: {  	_ =	shalt  }
0x71: {  	_ =	shalt  }
0x72: {  	_ =	shalt  }
0x73: {  	_ =	shalt  }
0x74: {  	_ =	shalt  }
0x75: {  	_ =	shalt  }
0x76: {  	_ =	shalt  }
0x77: {  	_ =	shalt  }
0x78: {  	_ =	shalt  }
0x79: {  	_ =	shalt  }
0x7a: {  	_ =	shalt  }
0x7b: {  	_ =	shalt  }
0x7c: {  	_ =	shalt  }
0x7d: {  	_ =	shalt  }
0x7e: {  	_ =	shalt  }
0x7f: {  	_ =	shalt  }
0x80: {  	_ =	shalt  }
0x81: {  	_ =	shalt  }
0x82: {  	_ =	shalt  }
0x83: {  	_ =	shalt  }
0x84: {  	_ =	shalt  }
0x85: {  	_ =	shalt  }
0x86: {  	_ =	shalt  }
0x87: {  	_ =	shalt  }
.Lfunc_end0:
.L_simem_size_0:
called_computation.1_lowered:
.L_overlay_start_0:
0x88: {  	s2 =	sld [smem:$0x3FD9]  }
0x89: {  	s3 =	sld [smem:$0x3FFE];
	_ =	sdelay $0x1  }
0x8a: {  	s1 =	srdreg.scid  }
0x8b: {  	s0 =	sand.u32 $0x1, s1  }
0x8c: {  	s16 =	sshll.u32 s0, $0xA;
	s2 =	sadd.s32 s3, s2  }
0x8d: {  	s2 =	sadd.s32 s2, s16  }
0x8e: {  	[smem:$0x3FBF] =	sst s2  }
0x8f: {  	_ = 	snop  }
0x90: {  	(tm) =	ssettm $0x1  }
0x91: {  	s17 =	sld [smem:$0x3FFB];
	_ =	sdelay $0x3  }
0x92: {  	_ =	strace s17  }
0x93: {  	s2 =	sld [smem:$0x3FFC];
	_ =	sdelay $0x3  }
0x94: {  	_ =	strace s2  }
0x95: {  	s2 =	sld [smem:$0x3FFD];
	_ =	sdelay $0x3  }
0x96: {  	_ =	strace s2  }
0x97: {  	_ =	strace $0x8FFFFFFF  }
0x98: {  	s18 =	sld [smem:$0x3FDB];
	_ =	sdelay $0x1  }
0x99: {  	s19 =	simm.s32 $_scs_section_size  }
0x9a: {  	s4 =	simm.s32 $_size__tile_overlayer_lowered;
	s5 =	simm.s32 $_tile_overlayer_lowered  }
0x9b: {  	s22 =	simm.s32 $0x1BFF;
	s21 =	sshll.u32 s5, $0x1;
	s2 =	sadd.s32 s19, s18  }
0x9c: {  	s6 =	simm.s32 $0x0;
	s20 =	sshll.u32 s4, $0x1;
	s4 =	sadd.s32 s21, s2  }
0x9d: {  	[timem:s6], [sflag:s22] =	dma.local [hbm:s4], s20  }
0x9e: {  	_ =	swait.ge [sflag:s22], s20  }
0x9f: {  	s3 =	ssub.s32 $0x0, s20;
	[sflag:s22] =	ssyncset.done $0x0  }
0xa0: {  	[sflag:s22] =	ssyncadd.s32 s3;
	_ =	sdelay $0x1  }
0xa1: {  	s23 =	simm.s32 $0x1B8B  }
0xa2: {  	_ =	swait.ge [sflag:s23], $0x1  }
0xa3: {  	[sflag:s23] =	ssyncset.done $0x0  }
0xa4: {  	s25 =	simm.s32 $0x1B8E;
	s24 =	sld [smem:$0x3FFE];
	[sflag:s23] =	ssyncadd.s32 $0xFFFFFFFF  }
0xa5: {  	s26 =	simm.s32 $execute0_lowered;
	[smem:$0x3FD2] =	sst s25  }
0xa6: {  	s4 =	sshll.u32 s26, $0x1;
	_ =	strace $0x80000049;
	[dreg:$0x1] =	wrdreg $0xFFFFFFFF  }
0xa7: {  	s28 =	simm.s32 $_size_execute0_lowered;
	s2 =	sadd.s32 s2, s4;
	[dreg:$0x0] =	wrdreg $0x0  }
0xa8: {  	s4 =	sshll.u32 s28, $0x1;
	[dreg:$0x2] =	wrdreg s2  }
0xa9: {  	[dreg:$0x3] =	wrdreg s4  }
0xaa: {  	[dreg:$0x4] =	wrdreg $0xC0  }
0xab: {  	_ =	task [dreg:s6], $0x5FFFF  }
0xac: {  	[dreg:$0x1] =	wrdreg $0xFFFFFFFF  }
0xad: {  	[dreg:$0x0] =	wrdreg $0x60  }
0xae: {  	[dreg:$0x2] =	wrdreg s24  }
0xaf: {  	[dreg:$0x3] =	wrdreg $0x150000  }
0xb0: {  	[dreg:$0x4] =	wrdreg $0x9  }
0xb1: {  	_ =	task.clear_ibuf [dreg:s6], $0x5FFFF;
	_ =	strace $0x90000049  }
0xb2: {  	s29 =	simm.s32 $0x9;
	_ =	strace $0x8000004B  }
0xb3: {  	_ =	swait.ge [sflag:s29], $0x1  }
0xb4: {  	[sflag:s29] =	ssyncadd.s32 $0xFFFFFFFF  }
0xb5: {  	_ =	strace $0x9000004B  }
0xb6: {  	_ =	sfence  }
0xb7: {  	s30 =	sld [smem:$0x0];
	_ =	sdelay $0x2  }
0xb8: {  	s31 =	sshll.u32 s1, $0xD;
	s1 =	sshrl.u32 s1, $0x2  }
0xb9: {  	s3 =	sand.u32 $0x4000, s31;
	s1 =	sadd.s32 s1, s30  }
0xba: {  	s0 =	sor.u32 s3, s0;
	s1 =	sshll.u32 s1, $0x11  }
0xbb: {  	s0 =	sor.u32 s1, s0  }
0xbc: {  	s0 =	sadd.s32 $0x8F2B, s0  }
0xbd: {  	[sflag:s0] =	ssyncadd.remote.s32 $0x1  }
0xbe: {  	_ =	sfence.sel $0xFFFF  }
0xbf: {  	[dreg:$0x0] =	wrdreg $0xFFFFFFFF;
	(pc) =	sbr.abs _section_cstart, $3  }
0xc0: {  	[dreg:$0x1] =	wrdreg $0xFFFFFFFF  }
0xc1: {  	_ =	task.clear_ibuf [dreg:s6], $0x2FFFF;
	_ =	strace $0x9FFFFFFF  }
0xc2: {  	(tm) =	ssettm $0x7FFFFFFF  }
0xc3: {  	_ =	shalt  }
tec
execute0_lowered:
.L_overlay_start_1:
0x0: {  	(tag) =	ssettag $0x1  }
0x1: {  	s0 =	srdreg.scid  }
0x2: {  	s1 =	rddreg [dreg:$0x0];
	s10 =	stileid.u32  }
0x3: {  	s2 =	rddreg [dreg:$0x1];
	s20 =	simm.s32 $0x0;
	s12 =	simm.s32 $0x11  }
0x4: {  	s14 =	simm.s32 $0x80;
	s15 =	simm.s32 $0x5000;
	s18 =	simm.s32 $0x9000  }
0x5: {  	s29 =	simm.s32 $0x13000;
	s30 =	simm.s32 $0x1;
	s31 =	simm.s32 $0x3  }
0x6: {  	s13 =	simm.s32 $0x7;
	s16 =	simm.s32 $0xB;
	s17 =	simm.s32 $0x8  }
0x7: {  	s19 =	simm.s32 $0xC;
	s28 =	simm.s32 $0x0;
	s0 =	sand.u32 $0x1, s0  }
0x8: {  	[smem:$0x7FF] =	sst s20;
	s5 =	smul.u32 $0xA000, s10;
	s23 =	sshll.u32 s10, $0x6  }
0x9: {  	s20 =	simm.s32 $0xB000;
	s3 =	sshll.u32 s0, $0x4;
	_ =	strace $0x8000004A  }
0xa: {  	s6 =	ssub.s32 $0x2, s0;
	p0 =	seq.s32 s0, $0x1;
	s4 =	sor.u32 s10, s3  }
0xb: {  	s0 =	simm.s32 $0x3F200;
	s9 =	sshrl.u32 s6, $0x1;
	s4 =	smul.u32 $0x2800, s4  }
0xc: {  	s8 =	sshrl.u32 s5, $0x3;
	s5 =	sadd.s32 s5, s2;
	s21 =	ssub.s32 s6, s9  }
0xd: {  	s0 =	simm.s32 @!p0 $0x53200;
	s26 =	smax.u32 s21, $0x1;
	s4 =	sshrl.u32 s4, $0x3  }
0xe: {  	s7 =	sadd.s32 s4, s1;
	s4 =	sadd.s32 $0x17200, s1;
	s1 =	sadd.s32 s8, s1  }
0xf: {  	s6 =	sor.u32 $0x1C11, s23;
	[dreg:$0x6] =	wrdreg s26;
	s22 =	sadd.s32 $0x2B200, s1  }
.Ltmp0:
0x10: {  	s24 =	sadd.s32 $0x3200, s7;
	[dreg:$0x3] =	wrdreg s22;
	(pc) =	sbr.rel .LBB2_1-.Ltmp0, $4  }
0x11: {  	s11 =	sshrl.u32 s5, $0x3;
	s25 =	sadd.s32 $0xD200, s7;
	[dreg:$0x4] =	wrdreg s24  }
0x12: {  	s26 =	simm.s32 $0x11000;
	s0 =	sadd.s32 s0, s1;
	[dreg:$0x5] =	wrdreg s25  }
0x13: {  	s1 =	simm.s32 $0x5;
	[dreg:$0x7] =	wrdreg s0;
	s22 =	simm.s32 $0xD000  }
0x14: {  	s0 =	simm.s32 $0x9;
	s24 =	simm.s32 $0xF;
	s25 =	simm.s32 $0x10  }
.LBB2_4:
0x15: {  	_ =	swait.ge [sflag:s17], $0x2000  }
0x16: {  	[sflag:s17] =	ssyncset.done $0x0  }
0x17: {  	[sflag:s17] =	ssyncadd.s32 $0xFFFFE000  }
0x18: {  	[spmem:s2] =	stream.indirect.scatter.add.f32 [tilespmem:s29], [sflag:$0x10], $0x40, s8, s14, $0xb8;
	[tilespmem:$0x1F000] =	vst v63  }
0x19: {  	_ =	swait.ge [sflag:s19], $0x2000  }
0x1a: {  	[sflag:s19] =	ssyncset.done $0x0  }
0x1b: {  	s3 =	simm.s32 $0xD;
	[sflag:s19] =	ssyncadd.s32 $0xFFFFE000  }
0x1c: {  	_ =	swait.ge [sflag:s3], $0x2000  }
0x1d: {  	[sflag:s3] =	ssyncset.done $0x0  }
0x1e: {  	s10 =	simm.s32 $0xE;
	[sflag:s3] =	ssyncadd.s32 $0xFFFFE000  }
0x1f: {  	_ =	swait.ge [sflag:s10], $0x2000  }
0x20: {  	[sflag:s10] =	ssyncset.done $0x0  }
0x21: {  	[sflag:s10] =	ssyncadd.s32 $0xFFFFE000  }
0x22: {  	_ =	swait.ge [sflag:s24], $0x2000  }
0x23: {  	[sflag:s24] =	ssyncset.done $0x0  }
0x24: {  	[sflag:s24] =	ssyncadd.s32 $0xFFFFE000  }
0x25: {  	_ =	swait.ge [sflag:s25], $0x2000  }
0x26: {  	[sflag:s25] =	ssyncset.done $0x0  }
0x27: {  	[sflag:s25] =	ssyncadd.s32 $0xFFFFE000  }
0x28: {  	[bflag:$0x0] =	sbarrier.arrive $0xFFFF  }
0x29: {  	s21 =	rddreg [dreg:$0x7]  }
0x2a: {  	[hbm:s21], [sflag:s6] =	dma.local [spmem:s11], $0x1400  }
0x2b: {  	_ =	swait.ge [sflag:s12], $0x1400  }
0x2c: {  	s28 =	sadd.s32 $0x1, s28;
	s23 =	rddreg [dreg:$0x6]  }
0x2d: {  	p0 =	sne.s32 s28, s23  }
.Ltmp1:
0x2e: {  	_ = 	snop;
	(pc) =	sbr.rel @!p0 .LBB2_5-.Ltmp1, $3  }
0x2f: {  	_ =	sdelay $0x1  }
0x30: {  	[sflag:s12] =	ssyncset.done $0x0  }
0x31: {  	[sflag:s12] =	ssyncadd.s32 $0xFFFFEC00  }
.LBB2_1:
0x32: {  	s3 =	rddreg [dreg:$0x3]  }
0x33: {  	[spmem:s11], [sflag:s6] =	dma.local [hbm:s3], $0x1400  }
0x34: {  	_ =	swait.ge [sflag:s12], $0x1400  }
0x35: {  	[sflag:s12] =	ssyncset.done $0x0  }
0x36: {  	s10 =	simm.s32 $0x0;
	s5 =	rddreg [dreg:$0x4];
	[sflag:s12] =	ssyncadd.s32 $0xFFFFEC00  }
0x37: {  	[tilespmem:s10], [sflag:$0x11] =	stream.linear.gather [hbm4b:s5+s10], $0x2800, $0x38;
	[tilespmem:$0x1F000] =	vst v63  }
0x38: {  	_ =	swait.ge [sflag:s12], $0x2800  }
0x39: {  	[sflag:s12] =	ssyncset.done $0x0  }
0x3a: {  	s7 =	simm.s32 $0x2800;
	s21 =	rddreg [dreg:$0x5];
	[sflag:s12] =	ssyncadd.s32 $0xFFFFD800  }
0x3b: {  	[tilespmem:s7], [sflag:$0x11] =	stream.linear.gather [hbm4b:s21+s10], $0x2800, $0x38;
	[tilespmem:$0x1F000] =	vst v63  }
0x3c: {  	_ =	swait.ge [sflag:s12], $0x2800  }
0x3d: {  	[sflag:s12] =	ssyncset.done $0x0  }
0x3e: {  	[sflag:s12] =	ssyncadd.s32 $0xFFFFD800  }
0x3f: {  	[bflag:$0x0] =	sbarrier.arrive $0xFFFF  }
0x40: {  	[tilespmem:s15], [sflag:$0x1] =	stream.indirect.gather [hbm4b:s4+s14], $0x40, s10, s14, $0xb8;
	[tilespmem:$0x1F000] =	vst v63  }
0x41: {  	s23 =	simm.s32 $0x7000  }
0x42: {  	[tilespmem:s23], [sflag:$0x2] =	stream.indirect.gather [hbm4b:s4+s14], $0x40, s14, s14, $0xb8;
	[tilespmem:$0x1F000] =	vst v63  }
0x43: {  	s5 =	simm.s32 $0x100  }
0x44: {  	[tilespmem:s18], [sflag:$0x3] =	stream.indirect.gather [hbm4b:s4+s14], $0x40, s5, s14, $0xb8;
	[tilespmem:$0x1F000] =	vst v63  }
0x45: {  	s7 =	simm.s32 $0x180  }
0x46: {  	[tilespmem:s20], [sflag:$0x4] =	stream.indirect.gather [hbm4b:s4+s14], $0x40, s7, s14, $0xb8;
	[tilespmem:$0x1F000] =	vst v63  }
0x47: {  	s8 =	simm.s32 $0x200  }
0x48: {  	[tilespmem:s22], [sflag:$0x5] =	stream.indirect.gather [hbm4b:s4+s14], $0x40, s8, s14, $0xb8;
	[tilespmem:$0x1F000] =	vst v63  }
0x49: {  	s9 =	simm.s32 $0x280;
	s10 =	simm.s32 $0xF000  }
0x4a: {  	[tilespmem:s10], [sflag:$0x6] =	stream.indirect.gather [hbm4b:s4+s14], $0x40, s9, s14, $0xb8;
	[tilespmem:$0x1F000] =	vst v63  }
0x4b: {  	s21 =	simm.s32 $0x300  }
0x4c: {  	[tilespmem:s26], [sflag:$0x7] =	stream.indirect.gather [hbm4b:s4+s14], $0x40, s21, s14, $0xb8;
	[tilespmem:$0x1F000] =	vst v63  }
0x4d: {  	s23 =	simm.s32 $0x380;
	s5 =	simm.s32 $0x0  }
0x4e: {  	[tilespmem:s29], [sflag:$0x8] =	stream.indirect.gather [hbm4b:s4+s14], $0x40, s23, s14, $0xb8;
	[tilespmem:$0x1F000] =	vst v63  }
.LBB2_2:
0x4f: {  	_ =	swait.ge [sflag:s30], $0x2000  }
0x50: {  	s7 =	sshra.s32 s5, $0x2;
	[sflag:s30] =	ssyncset.done $0x0  }
0x51: {  	p0 =	seq.s32 s5, $0x0;
	s8 =	sadd.s32 $0x2800, s7;
	[sflag:s30] =	ssyncadd.s32 $0xFFFFE000  }
0x52: {  	[spmem:s2] =	stream.indirect.scatter.add.f32 [tilespmem:s15], [sflag:$0x9], $0x40, s8, s14, $0xb8;
	[tilespmem:$0x1F000] =	vst v63  }
0x53: {  	s8 =	simm.s32 @p0 $0x2  }
0x54: {  	_ =	swait.ge @p0 [sflag:s8], $0x2000  }
0x55: {  	[sflag:s8] =	ssyncset.done @p0 $0x0  }
0x56: {  	[sflag:s8] =	ssyncadd.s32 @p0 $0xFFFFE000;
	s8 =	sshra.s32 @p0 s5, $0x2  }
0x57: {  	s10 =	simm.s32 @p0 $0x80;
	s3 =	simm.s32 @p0 $0x7000;
	s9 =	sadd.s32 @p0 $0x2880, s8  }
0x58: {  	[spmem:s2] =	stream.indirect.scatter.add.f32 @p0 [tilespmem:s3], [sflag:$0xA], $0x40, s9, s10, $0xb8;
	[tilespmem:$0x1F000] =	vst v63  }
0x59: {  	s3 =	simm.s32 @!p0 $0xD  }
0x5a: {  	_ =	swait.ge @!p0 [sflag:s3], $0x2000  }
0x5b: {  	[sflag:s3] =	ssyncset.done @!p0 $0x0  }
0x5c: {  	[sflag:s3] =	ssyncadd.s32 @!p0 $0xFFFFE000;
	s3 =	sshra.s32 @!p0 s5, $0x2  }
0x5d: {  	s21 =	simm.s32 @!p0 $0x80;
	s23 =	simm.s32 @!p0 $0xD000;
	s9 =	sadd.s32 @!p0 $0x200, s3  }
0x5e: {  	[tilespmem:s23], [sflag:$0x5] =	stream.indirect.gather @!p0 [hbm4b:s4+s21], $0x40, s9, s21, $0xb8;
	[tilespmem:$0x1F000] =	vst v63  }
0x5f: {  	s9 =	simm.s32 @!p0 $0x2  }
0x60: {  	_ =	swait.ge @!p0 [sflag:s9], $0x2000  }
0x61: {  	[sflag:s9] =	ssyncset.done @!p0 $0x0  }
0x62: {  	s23 =	simm.s32 @!p0 $0x7000;
	[sflag:s9] =	ssyncadd.s32 @!p0 $0xFFFFE000;
	s9 =	sadd.s32 @!p0 $0x2880, s3  }
0x63: {  	[spmem:s2] =	stream.indirect.scatter.add.f32 @!p0 [tilespmem:s23], [sflag:$0xA], $0x40, s9, s21, $0xb8;
	[tilespmem:$0x1F000] =	vst v63  }
0x64: {  	s9 =	simm.s32 @!p0 $0xE  }
0x65: {  	_ =	swait.ge @!p0 [sflag:s9], $0x2000  }
0x66: {  	[sflag:s9] =	ssyncset.done @!p0 $0x0  }
0x67: {  	s23 =	simm.s32 @!p0 $0xF000;
	[sflag:s9] =	ssyncadd.s32 @!p0 $0xFFFFE000;
	s9 =	sadd.s32 @!p0 $0x280, s3  }
0x68: {  	[tilespmem:s23], [sflag:$0x6] =	stream.indirect.gather @!p0 [hbm4b:s4+s21], $0x40, s9, s21, $0xb8;
	[tilespmem:$0x1F000] =	vst v63  }
0x69: {  	_ =	swait.ge [sflag:s31], $0x2000  }
0x6a: {  	[sflag:s31] =	ssyncset.done $0x0  }
0x6b: {  	s23 =	sadd.s32 $0x2900, s7;
	s9 =	simm.s32 @p0 $0x4;
	[sflag:s31] =	ssyncadd.s32 $0xFFFFE000  }
0x6c: {  	[spmem:s2] =	stream.indirect.scatter.add.f32 [tilespmem:s18], [sflag:$0xB], $0x40, s23, s14, $0xb8;
	[tilespmem:$0x1F000] =	vst v63  }
0x6d: {  	_ =	swait.ge @p0 [sflag:s9], $0x2000  }
0x6e: {  	[sflag:s9] =	ssyncset.done @p0 $0x0  }
0x6f: {  	s8 =	sadd.s32 @p0 $0x2980, s8;
	[sflag:s9] =	ssyncadd.s32 @p0 $0xFFFFE000;
	s9 =	simm.s32 @p0 $0xB000  }
0x70: {  	[spmem:s2] =	stream.indirect.scatter.add.f32 @p0 [tilespmem:s9], [sflag:$0xC], $0x40, s8, s10, $0xb8;
	[tilespmem:$0x1F000] =	vst v63  }
0x71: {  	s8 =	simm.s32 @!p0 $0xF  }
0x72: {  	_ =	swait.ge @!p0 [sflag:s8], $0x2000  }
0x73: {  	[sflag:s8] =	ssyncset.done @!p0 $0x0  }
0x74: {  	s9 =	simm.s32 @!p0 $0x11000;
	[sflag:s8] =	ssyncadd.s32 @!p0 $0xFFFFE000;
	s8 =	sadd.s32 @!p0 $0x300, s3  }
0x75: {  	[tilespmem:s9], [sflag:$0x7] =	stream.indirect.gather @!p0 [hbm4b:s4+s21], $0x40, s8, s21, $0xb8;
	[tilespmem:$0x1F000] =	vst v63  }
0x76: {  	s8 =	simm.s32 @!p0 $0x4  }
0x77: {  	_ =	swait.ge @!p0 [sflag:s8], $0x2000  }
0x78: {  	[sflag:s8] =	ssyncset.done @!p0 $0x0  }
0x79: {  	s9 =	simm.s32 @!p0 $0xB000;
	[sflag:s8] =	ssyncadd.s32 @!p0 $0xFFFFE000;
	s8 =	sadd.s32 @!p0 $0x2980, s3  }
0x7a: {  	[spmem:s2] =	stream.indirect.scatter.add.f32 @!p0 [tilespmem:s9], [sflag:$0xC], $0x40, s8, s21, $0xb8;
	[tilespmem:$0x1F000] =	vst v63  }
0x7b: {  	s8 =	simm.s32 @!p0 $0x10  }
0x7c: {  	_ =	swait.ge @!p0 [sflag:s8], $0x2000  }
0x7d: {  	[sflag:s8] =	ssyncset.done @!p0 $0x0  }
0x7e: {  	s3 =	sadd.s32 @!p0 $0x380, s3;
	[sflag:s8] =	ssyncadd.s32 @!p0 $0xFFFFE000;
	s8 =	simm.s32 @!p0 $0x13000  }
0x7f: {  	[tilespmem:s8], [sflag:$0x8] =	stream.indirect.gather @!p0 [hbm4b:s4+s21], $0x40, s3, s21, $0xb8;
	[tilespmem:$0x1F000] =	vst v63  }
0x80: {  	_ =	swait.ge [sflag:s1], $0x2000  }
0x81: {  	[sflag:s1] =	ssyncset.done $0x0  }
0x82: {  	s21 =	sadd.s32 $0x2A00, s7;
	[sflag:s1] =	ssyncadd.s32 $0xFFFFE000  }
0x83: {  	[spmem:s2] =	stream.indirect.scatter.add.f32 [tilespmem:s22], [sflag:$0xD], $0x40, s21, s14, $0xb8;
	[tilespmem:$0x1F000] =	vst v63  }
0x84: {  	_ =	swait.ge [sflag:s0], $0x2000  }
0x85: {  	p0 =	seq.s32 s5, $0x9000;
	[sflag:s0] =	ssyncset.done $0x0  }
0x86: {  	s3 =	simm.s32 @p0 $0x6;
	[sflag:s0] =	ssyncadd.s32 $0xFFFFE000  }
0x87: {  	_ =	swait.ge @p0 [sflag:s3], $0x2000  }
0x88: {  	[sflag:s3] =	ssyncset.done @p0 $0x0  }
0x89: {  	[sflag:s3] =	ssyncadd.s32 @p0 $0xFFFFE000;
	s3 =	sshra.s32 @p0 s5, $0x2  }
0x8a: {  	s8 =	simm.s32 @p0 $0x80;
	s9 =	simm.s32 @p0 $0xF000;
	s3 =	sadd.s32 @p0 $0x2A80, s3  }
0x8b: {  	[spmem:s2] =	stream.indirect.scatter.add.f32 @p0 [tilespmem:s9], [sflag:$0xE], $0x40, s3, s8, $0xb8;
	[tilespmem:$0x1F000] =	vst v63  }
0x8c: {  	s3 =	simm.s32 @p0 $0xA  }
0x8d: {  	_ =	swait.ge @p0 [sflag:s3], $0x2000  }
0x8e: {  	[sflag:s3] =	ssyncset.done @p0 $0x0  }
0x8f: {  	[sflag:s3] =	ssyncadd.s32 @p0 $0xFFFFE000;
	s3 =	sshra.s32 @!p0 s5, $0x2  }
0x90: {  	s10 =	simm.s32 @!p0 $0x5000;
	s9 =	simm.s32 @!p0 $0x80;
	s8 =	sadd.s32 @!p0 $0x400, s3  }
0x91: {  	[tilespmem:s10], [sflag:$0x1] =	stream.indirect.gather @!p0 [hbm4b:s4+s9], $0x40, s8, s9, $0xb8;
	[tilespmem:$0x1F000] =	vst v63  }
0x92: {  	s8 =	simm.s32 @!p0 $0x6  }
0x93: {  	_ =	swait.ge @!p0 [sflag:s8], $0x2000  }
0x94: {  	[sflag:s8] =	ssyncset.done @!p0 $0x0  }
0x95: {  	s10 =	simm.s32 @!p0 $0xF000;
	[sflag:s8] =	ssyncadd.s32 @!p0 $0xFFFFE000;
	s8 =	sadd.s32 @!p0 $0x2A80, s3  }
0x96: {  	[spmem:s2] =	stream.indirect.scatter.add.f32 @!p0 [tilespmem:s10], [sflag:$0xE], $0x40, s8, s9, $0xb8;
	[tilespmem:$0x1F000] =	vst v63  }
0x97: {  	s8 =	simm.s32 @!p0 $0xA  }
0x98: {  	_ =	swait.ge @!p0 [sflag:s8], $0x2000  }
0x99: {  	[sflag:s8] =	ssyncset.done @!p0 $0x0  }
0x9a: {  	s3 =	sadd.s32 @!p0 $0x480, s3;
	[sflag:s8] =	ssyncadd.s32 @!p0 $0xFFFFE000;
	s8 =	simm.s32 @!p0 $0x7000  }
0x9b: {  	[tilespmem:s8], [sflag:$0x2] =	stream.indirect.gather @!p0 [hbm4b:s4+s9], $0x40, s3, s9, $0xb8;
	[tilespmem:$0x1F000] =	vst v63  }
0x9c: {  	_ =	swait.ge [sflag:s13], $0x2000  }
0x9d: {  	[sflag:s13] =	ssyncset.done $0x0  }
.Ltmp2:
0x9e: {  	s23 =	sadd.s32 $0x2B00, s7;
	[sflag:s13] =	ssyncadd.s32 $0xFFFFE000;
	(pc) =	sbr.rel @p0 .LBB2_4-.Ltmp2, $4  }
0x9f: {  	[spmem:s2] =	stream.indirect.scatter.add.f32 [tilespmem:s26], [sflag:$0xF], $0x40, s23, s14, $0xb8;
	[tilespmem:$0x1F000] =	vst v63  }
0xa0: {  	_ =	swait.ge [sflag:s16], $0x2000  }
0xa1: {  	[sflag:s16] =	ssyncset.done $0x0  }
0xa2: {  	s8 =	sadd.s32 $0x2B80, s7;
	[sflag:s16] =	ssyncadd.s32 $0xFFFFE000  }
0xa3: {  	s3 =	sadd.s32 $0x500, s7  }
0xa4: {  	[tilespmem:s18], [sflag:$0x3] =	stream.indirect.gather [hbm4b:s4+s14], $0x40, s3, s14, $0xb8;
	[tilespmem:$0x1F000] =	vst v63  }
0xa5: {  	_ =	swait.ge [sflag:s17], $0x2000  }
0xa6: {  	[sflag:s17] =	ssyncset.done $0x0  }
0xa7: {  	[sflag:s17] =	ssyncadd.s32 $0xFFFFE000  }
0xa8: {  	[spmem:s2] =	stream.indirect.scatter.add.f32 [tilespmem:s29], [sflag:$0x10], $0x40, s8, s14, $0xb8;
	[tilespmem:$0x1F000] =	vst v63  }
.Ltmp3:
0xa9: {  	_ = 	snop;
	(pc) =	sbr.rel .LBB2_2-.Ltmp3, $4  }
0xaa: {  	_ =	swait.ge [sflag:s19], $0x2000  }
0xab: {  	[sflag:s19] =	ssyncset.done $0x0  }
0xac: {  	s23 =	sadd.s32 $0x580, s7;
	s5 =	sadd.s32 $0x1000, s5;
	[sflag:s19] =	ssyncadd.s32 $0xFFFFE000  }
0xad: {  	[tilespmem:s20], [sflag:$0x4] =	stream.indirect.gather [hbm4b:s4+s14], $0x40, s23, s14, $0xb8;
	[tilespmem:$0x1F000] =	vst v63  }
.LBB2_5:
0xae: {  	_ =	sfence.sel $0x180000  }
0xaf: {  	[bflag:$0x0] =	sbarrier.arrive $0xFFFF  }
0xb0: {  	_ =	strace $0x9000004A  }
0xb1: {  	s0 =	stileid.u32;
	[bflag:$0x2] =	sbarrier.arrive $0xFFFF  }
0xb2: {  	p0 =	sne.s32 s0, $0x0;
	s0 =	rddreg [dreg:$0x2]  }
0xb3: {  	s0 =	sadd.s32 @!p0 $0x100000, s0  }
0xb4: {  	[sflag:s0] =	ssyncadd.tile.s32 @!p0 $0x1;
	_ =	shalt  }
.Lfunc_end2:
_tile_overlayer_lowered:
.L_overlay_start_2:
0xb5: {  	(tag) =	ssettag $0x2  }
0xb6: {  	s0 =	rddreg [dreg:$0x0];
	s2 =	stileid.u32  }
0xb7: {  	s1 =	rddreg [dreg:$0x1];
	p0 =	sne.s32 s2, $0x0  }
0xb8: {  	s3 =	rddreg [dreg:$0x2];
	[bflag:$0x3] =	sbarrier.arrive $0xFFFF;
	s2 =	simm.s32 @!p0 $0x1C11  }
0xb9: {  	[timem:s3], [sflag:s2] =	dma.local @!p0 [hbm:s0], s1  }
0xba: {  	s0 =	simm.s32 @!p0 $0x11  }
0xbb: {  	_ =	swait.ge @!p0 [sflag:s0], s1  }
0xbc: {  	s1 =	ssub.s32 @!p0 $0x0, s1;
	[sflag:s0] =	ssyncset.done @!p0 $0x0  }
0xbd: {  	[sflag:s0] =	ssyncadd.s32 @!p0 s1  }
0xbe: {  	[bflag:$0x3] =	sbarrier.arrive $0xFFFF  }
0xbf: {  	_ =	shalt  }

// kernel: kernel.15.cloned.1.call-start
scs
__scs_entry_jumppad:
0x0: {  	(pc) =	sbr.rel $0x88, $3  }
0x1: {  	(tag) =	ssettag $0x0;
	lr =	simm.s32 $0x1  }
0x2: {  	[smem:$0x3F98] =	sst lr;
	_ =	strace $0xD0000000  }
0x3: {  	_ = 	snop  }
0x4: {  	_ = 	snop  }
0x5: {  	_ = 	snop  }
0x6: {  	_ = 	snop  }
0x7: {  	_ = 	snop  }
__scs_overlays_trampoline_lowered:
0x8: {  	[smem:$0x3FA7] =	sst s0  }
0x9: {  	[smem:$0x3FA8] =	sst s1  }
0xa: {  	[smem:$0x3FA9] =	sst s2  }
0xb: {  	[smem:$0x3FAA] =	sst s3  }
0xc: {  	[smem:$0x3FAB] =	sst s4  }
0xd: {  	[smem:$0x3FAC] =	sst s5  }
0xe: {  	[smem:$0x3FAD] =	sst s6  }
0xf: {  	[smem:$0x3FAE] =	sst s7  }
0x10: {  	[smem:$0x3FAF] =	sst s8  }
0x11: {  	[smem:$0x3FB0] =	sst s9;
	s0 =	simm.s32 @!p0 $0x0  }
0x12: {  	s1 =	sld [smem:$0x3F96];
	s0 =	simm.s32 @p0 $0x1  }
0x13: {  	[smem:$0x3FB1] =	sst s0;
	s0 =	simm.s32 @!p1 $0x0  }
0x14: {  	s2 =	sld [smem:$0x3F95];
	s0 =	simm.s32 @p1 $0x1  }
0x15: {  	[smem:$0x3FB2] =	sst s0;
	s0 =	simm.s32 @!p2 $0x0  }
0x16: {  	s3 =	sld [smem:$0x3FDB];
	s0 =	simm.s32 @p2 $0x1  }
0x17: {  	s4 =	simm.s32 $0x1BF5;
	[smem:$0x3FB4] =	sst s0  }
0x18: {  	s0 =	sld [smem:$0x3F97];
	_ =	swait.ge [sflag:s4], $0x0  }
0x19: {  	s7 =	sld [smem:$0x3F98]  }
0x1a: {  	s8 =	sadd.s32 $0xFFFFE003, lr  }
0x1b: {  	s9 =	sadd.s32 $0xFFFFFEF7, lr;
	s5 =	simm.s32 $0xFFFFFFFF;
	p2 =	slt.u32 s8, $0xFFFFF086  }
0x1c: {  	p1 =	slt.u32 s9, $0xF7A;
	s5 =	simm.s32 @!p2 $0x0  }
0x1d: {  	s5 =	simm.s32 @p1 $0x1;
	p0 =	seq.s32 s7, s2  }
0x1e: {  	s7 =	smul.u32 @!p0 $0xF7A, s2;
	p2 =	seq.s32 @!p0 s5, $0x0  }
0x1f: {  	s9 =	smul.u32 $0xF7A, s1;
	s8 =	simm.s32 @!p0 $0x1BF5;
	p2 =	por !p2, p0  }
0x20: {  	[sflag:s8] =	ssyncset.s32 @!p0 $0xFFFFF086;
	s6 =	sadd.s32 @!p0 s3, s7;
	s7 =	simm.s32 @!p0 $0x108  }
0x21: {  	s3 =	sadd.s32 s3, s9;
	s6 =	sadd.s32 @!p0 $0x88, s6;
	s7 =	simm.s32 @p2 $0x1082  }
0x22: {  	[simem:s7], [sflag:s8] =	dma.local @!p0 [hbm:s6], $0xF7A  }
0x23: {  	s9 =	sor.u32 $0xD0000000, s2;
	s6 =	simm.s32 $0x108;
	_ =	swait.ge @!p0 [sflag:s8], $0x0  }
0x24: {  	s3 =	sadd.s32 $0x88, s3;
	s6 =	simm.s32 @!p1 $0x1082;
	[sflag:s4] =	ssyncset.s32 $0xFFFFF086  }
0x25: {  	[simem:s6], [sflag:s4] =	dma.local [hbm:s3], $0xF7A  }
0x26: {  	[smem:$0x3F98] =	sst s1;
	(tag) =	ssettag s2;
	_ =	strace s9  }
0x27: {  	s1 =	sld [smem:$0x3FA8]  }
0x28: {  	s2 =	sld [smem:$0x3FA9]  }
0x29: {  	s4 =	sld [smem:$0x3FAB]  }
0x2a: {  	p0 =	seq.s32 s5, $0x0;
	s5 =	sld [smem:$0x3FAC]  }
0x2b: {  	s6 =	sld [smem:$0x3FAD]  }
0x2c: {  	s7 =	sld [smem:$0x3FAE]  }
0x2d: {  	s3 =	simm.s32 $0x108;
	s8 =	sld [smem:$0x3FAF]  }
0x2e: {  	s3 =	simm.s32 @!p0 $0x1082;
	s9 =	sld [smem:$0x3FB0]  }
0x2f: {  	lr =	sadd.s32 s0, s3;
	s0 =	sld [smem:$0x3FA7]  }
0x30: {  	s3 =	sld [smem:$0x3FAA]  }
0x31: {  	[smem:$0x3FB3] =	sst s10  }
0x32: {  	s10 =	sld [smem:$0x3FB1];
	_ =	sdelay $0x3  }
0x33: {  	p0 =	seq.s32 s10, $0x1;
	s10 =	sld [smem:$0x3FB3];
	_ =	sdelay $0x3  }
0x34: {  	[smem:$0x3FB3] =	sst s10  }
0x35: {  	s10 =	sld [smem:$0x3FB2];
	_ =	sdelay $0x3  }
0x36: {  	p1 =	seq.s32 s10, $0x1;
	s10 =	sld [smem:$0x3FB3];
	_ =	sdelay $0x3  }
0x37: {  	[smem:$0x3FB3] =	sst s10  }
0x38: {  	s10 =	sld [smem:$0x3FB4]  }
0x39: {  	_ = 	snop;
	(pc) =	sbr.ind lr, $3  }
0x3a: {  	_ = 	snop  }
0x3b: {  	_ = 	snop  }
0x3c: {  	p2 =	seq.s32 s10, $0x1;
	s10 =	sld [smem:$0x3FB3]  }
0x3d: {  	_ =	shalt  }
0x3e: {  	_ =	shalt  }
0x3f: {  	_ =	shalt  }
0x40: {  	_ =	shalt  }
0x41: {  	_ =	shalt  }
0x42: {  	_ =	shalt  }
0x43: {  	_ =	shalt  }
0x44: {  	_ =	shalt  }
0x45: {  	_ =	shalt  }
0x46: {  	_ =	shalt  }
0x47: {  	_ =	shalt  }
0x48: {  	_ =	shalt  }
0x49: {  	_ =	shalt  }
0x4a: {  	_ =	shalt  }
0x4b: {  	_ =	shalt  }
0x4c: {  	_ =	shalt  }
0x4d: {  	_ =	shalt  }
0x4e: {  	_ =	shalt  }
0x4f: {  	_ =	shalt  }
0x50: {  	_ =	shalt  }
0x51: {  	_ =	shalt  }
0x52: {  	_ =	shalt  }
0x53: {  	_ =	shalt  }
0x54: {  	_ =	shalt  }
0x55: {  	_ =	shalt  }
0x56: {  	_ =	shalt  }
0x57: {  	_ =	shalt  }
0x58: {  	_ =	shalt  }
0x59: {  	_ =	shalt  }
0x5a: {  	_ =	shalt  }
0x5b: {  	_ =	shalt  }
0x5c: {  	_ =	shalt  }
0x5d: {  	_ =	shalt  }
0x5e: {  	_ =	shalt  }
0x5f: {  	_ =	shalt  }
0x60: {  	_ =	shalt  }
0x61: {  	_ =	shalt  }
0x62: {  	_ =	shalt  }
0x63: {  	_ =	shalt  }
0x64: {  	_ =	shalt  }
0x65: {  	_ =	shalt  }
0x66: {  	_ =	shalt  }
0x67: {  	_ =	shalt  }
0x68: {  	_ =	shalt  }
0x69: {  	_ =	shalt  }
0x6a: {  	_ =	shalt  }
0x6b: {  	_ =	shalt  }
0x6c: {  	_ =	shalt  }
0x6d: {  	_ =	shalt  }
0x6e: {  	_ =	shalt  }
0x6f: {  	_ =	shalt  }
0x70: {  	_ =	shalt  }
0x71: {  	_ =	shalt  }
0x72: {  	_ =	shalt  }
0x73: {  	_ =	shalt  }
0x74: {  	_ =	shalt  }
0x75: {  	_ =	shalt  }
0x76: {  	_ =	shalt  }
0x77: {  	_ =	shalt  }
0x78: {  	_ =	shalt  }
0x79: {  	_ =	shalt  }
0x7a: {  	_ =	shalt  }
0x7b: {  	_ =	shalt  }
0x7c: {  	_ =	shalt  }
0x7d: {  	_ =	shalt  }
0x7e: {  	_ =	shalt  }
0x7f: {  	_ =	shalt  }
0x80: {  	_ =	shalt  }
0x81: {  	_ =	shalt  }
0x82: {  	_ =	shalt  }
0x83: {  	_ =	shalt  }
0x84: {  	_ =	shalt  }
0x85: {  	_ =	shalt  }
0x86: {  	_ =	shalt  }
0x87: {  	_ =	shalt  }
.Lfunc_end0:
.L_simem_size_0:
called_computation.2_lowered:
.L_overlay_start_0:
0x88: {  	s2 =	sld [smem:$0x3FD9]  }
0x89: {  	s3 =	sld [smem:$0x3FFE];
	_ =	sdelay $0x1  }
0x8a: {  	s1 =	srdreg.scid  }
0x8b: {  	s0 =	sand.u32 $0x1, s1  }
0x8c: {  	s16 =	sshll.u32 s0, $0xA;
	s2 =	sadd.s32 s3, s2  }
0x8d: {  	s2 =	sadd.s32 s2, s16  }
0x8e: {  	[smem:$0x3FBF] =	sst s2  }
0x8f: {  	_ = 	snop  }
0x90: {  	(tm) =	ssettm $0x1  }
0x91: {  	s17 =	sld [smem:$0x3FFB];
	_ =	sdelay $0x3  }
0x92: {  	_ =	strace s17  }
0x93: {  	s2 =	sld [smem:$0x3FFC];
	_ =	sdelay $0x3  }
0x94: {  	_ =	strace s2  }
0x95: {  	s2 =	sld [smem:$0x3FFD];
	_ =	sdelay $0x3  }
0x96: {  	_ =	strace s2  }
0x97: {  	_ =	strace $0x8FFFFFFF  }
0x98: {  	s18 =	sld [smem:$0x3FDB];
	_ =	sdelay $0x1  }
0x99: {  	s19 =	simm.s32 $_scs_section_size  }
0x9a: {  	s4 =	simm.s32 $_size__tile_overlayer_lowered;
	s5 =	simm.s32 $_tile_overlayer_lowered  }
0x9b: {  	s22 =	simm.s32 $0x1BFF;
	s21 =	sshll.u32 s5, $0x1;
	s2 =	sadd.s32 s19, s18  }
0x9c: {  	s6 =	simm.s32 $0x0;
	s20 =	sshll.u32 s4, $0x1;
	s4 =	sadd.s32 s21, s2  }
0x9d: {  	[timem:s6], [sflag:s22] =	dma.local [hbm:s4], s20  }
0x9e: {  	_ =	swait.ge [sflag:s22], s20  }
0x9f: {  	s3 =	ssub.s32 $0x0, s20;
	[sflag:s22] =	ssyncset.done $0x0  }
0xa0: {  	[sflag:s22] =	ssyncadd.s32 s3;
	_ =	sdelay $0x1  }
0xa1: {  	s23 =	simm.s32 $0x1B8B  }
0xa2: {  	_ =	swait.ge [sflag:s23], $0x1  }
0xa3: {  	[sflag:s23] =	ssyncset.done $0x0  }
0xa4: {  	s25 =	simm.s32 $0x1B8E;
	s24 =	sld [smem:$0x3FFE];
	[sflag:s23] =	ssyncadd.s32 $0xFFFFFFFF  }
0xa5: {  	s26 =	simm.s32 $execute0_lowered;
	[smem:$0x3FD2] =	sst s25  }
0xa6: {  	s4 =	sshll.u32 s26, $0x1;
	_ =	strace $0x8000004C;
	[dreg:$0x1] =	wrdreg $0xFFFFFFFF  }
0xa7: {  	s28 =	simm.s32 $_size_execute0_lowered;
	s2 =	sadd.s32 s2, s4;
	[dreg:$0x0] =	wrdreg $0x0  }
0xa8: {  	s4 =	sshll.u32 s28, $0x1;
	[dreg:$0x2] =	wrdreg s2  }
0xa9: {  	[dreg:$0x3] =	wrdreg s4  }
0xaa: {  	[dreg:$0x4] =	wrdreg $0xC0  }
0xab: {  	_ =	task [dreg:s6], $0x5FFFF  }
0xac: {  	[dreg:$0x1] =	wrdreg $0xFFFFFFFF  }
0xad: {  	[dreg:$0x0] =	wrdreg $0x60  }
0xae: {  	[dreg:$0x2] =	wrdreg s24  }
0xaf: {  	[dreg:$0x3] =	wrdreg $0x150000  }
0xb0: {  	[dreg:$0x4] =	wrdreg $0x9  }
0xb1: {  	_ =	task.clear_ibuf [dreg:s6], $0x5FFFF;
	_ =	strace $0x9000004C  }
0xb2: {  	s29 =	simm.s32 $0x9;
	_ =	strace $0x8000004E  }
0xb3: {  	_ =	swait.ge [sflag:s29], $0x1  }
0xb4: {  	[sflag:s29] =	ssyncadd.s32 $0xFFFFFFFF  }
0xb5: {  	_ =	strace $0x9000004E  }
0xb6: {  	_ =	sfence  }
0xb7: {  	s30 =	sld [smem:$0x0];
	_ =	sdelay $0x2  }
0xb8: {  	s31 =	sshll.u32 s1, $0xD;
	s1 =	sshrl.u32 s1, $0x2  }
0xb9: {  	s3 =	sand.u32 $0x4000, s31;
	s1 =	sadd.s32 s1, s30  }
0xba: {  	s0 =	sor.u32 s3, s0;
	s1 =	sshll.u32 s1, $0x11  }
0xbb: {  	s0 =	sor.u32 s1, s0  }
0xbc: {  	s0 =	sadd.s32 $0x8F2B, s0  }
0xbd: {  	[sflag:s0] =	ssyncadd.remote.s32 $0x1  }
0xbe: {  	_ =	sfence.sel $0xFFFF  }
0xbf: {  	[dreg:$0x0] =	wrdreg $0xFFFFFFFF;
	(pc) =	sbr.abs _section_cstart, $3  }
0xc0: {  	[dreg:$0x1] =	wrdreg $0xFFFFFFFF  }
0xc1: {  	_ =	task.clear_ibuf [dreg:s6], $0x2FFFF;
	_ =	strace $0x9FFFFFFF  }
0xc2: {  	(tm) =	ssettm $0x7FFFFFFF  }
0xc3: {  	_ =	shalt  }
tec
execute0_lowered:
.L_overlay_start_1:
0x0: {  	(tag) =	ssettag $0x1  }
0x1: {  	s0 =	srdreg.scid  }
0x2: {  	s1 =	rddreg [dreg:$0x0];
	s10 =	stileid.u32  }
0x3: {  	s2 =	rddreg [dreg:$0x1];
	s20 =	simm.s32 $0x0;
	s12 =	simm.s32 $0x11  }
0x4: {  	s14 =	simm.s32 $0x80;
	s15 =	simm.s32 $0x5000;
	s18 =	simm.s32 $0x9000  }
0x5: {  	s29 =	simm.s32 $0x13000;
	s30 =	simm.s32 $0x1;
	s31 =	simm.s32 $0x3  }
0x6: {  	s13 =	simm.s32 $0x7;
	s16 =	simm.s32 $0xB;
	s17 =	simm.s32 $0x8  }
0x7: {  	s19 =	simm.s32 $0xC;
	s28 =	simm.s32 $0x0;
	s0 =	sand.u32 $0x1, s0  }
0x8: {  	[smem:$0x7FF] =	sst s20;
	s5 =	smul.u32 $0xA000, s10;
	s23 =	sshll.u32 s10, $0x6  }
0x9: {  	s20 =	simm.s32 $0xB000;
	s3 =	sshll.u32 s0, $0x4;
	_ =	strace $0x8000004D  }
0xa: {  	s6 =	ssub.s32 $0x2, s0;
	p0 =	seq.s32 s0, $0x1;
	s4 =	sor.u32 s10, s3  }
0xb: {  	s0 =	simm.s32 $0x3F200;
	s9 =	sshrl.u32 s6, $0x1;
	s4 =	smul.u32 $0x2800, s4  }
0xc: {  	s8 =	sshrl.u32 s5, $0x3;
	s5 =	sadd.s32 s5, s2;
	s21 =	ssub.s32 s6, s9  }
0xd: {  	s0 =	simm.s32 @!p0 $0x53200;
	s26 =	smax.u32 s21, $0x1;
	s4 =	sshrl.u32 s4, $0x3  }
0xe: {  	s7 =	sadd.s32 s4, s1;
	s4 =	sadd.s32 $0x17200, s1;
	s1 =	sadd.s32 s8, s1  }
0xf: {  	s6 =	sor.u32 $0x1C11, s23;
	[dreg:$0x6] =	wrdreg s26;
	s22 =	sadd.s32 $0x2B200, s1  }
.Ltmp0:
0x10: {  	s24 =	sadd.s32 $0x3200, s7;
	[dreg:$0x3] =	wrdreg s22;
	(pc) =	sbr.rel .LBB2_1-.Ltmp0, $4  }
0x11: {  	s11 =	sshrl.u32 s5, $0x3;
	s25 =	sadd.s32 $0xD200, s7;
	[dreg:$0x4] =	wrdreg s24  }
0x12: {  	s26 =	simm.s32 $0x11000;
	s0 =	sadd.s32 s0, s1;
	[dreg:$0x5] =	wrdreg s25  }
0x13: {  	s1 =	simm.s32 $0x5;
	[dreg:$0x7] =	wrdreg s0;
	s22 =	simm.s32 $0xD000  }
0x14: {  	s0 =	simm.s32 $0x9;
	s24 =	simm.s32 $0xF;
	s25 =	simm.s32 $0x10  }
.LBB2_4:
0x15: {  	_ =	swait.ge [sflag:s17], $0x2000  }
0x16: {  	[sflag:s17] =	ssyncset.done $0x0  }
0x17: {  	[sflag:s17] =	ssyncadd.s32 $0xFFFFE000  }
0x18: {  	[spmem:s2] =	stream.indirect.scatter.add.f32 [tilespmem:s29], [sflag:$0x10], $0x40, s8, s14, $0xb8;
	[tilespmem:$0x1F000] =	vst v63  }
0x19: {  	_ =	swait.ge [sflag:s19], $0x2000  }
0x1a: {  	[sflag:s19] =	ssyncset.done $0x0  }
0x1b: {  	s3 =	simm.s32 $0xD;
	[sflag:s19] =	ssyncadd.s32 $0xFFFFE000  }
0x1c: {  	_ =	swait.ge [sflag:s3], $0x2000  }
0x1d: {  	[sflag:s3] =	ssyncset.done $0x0  }
0x1e: {  	s10 =	simm.s32 $0xE;
	[sflag:s3] =	ssyncadd.s32 $0xFFFFE000  }
0x1f: {  	_ =	swait.ge [sflag:s10], $0x2000  }
0x20: {  	[sflag:s10] =	ssyncset.done $0x0  }
0x21: {  	[sflag:s10] =	ssyncadd.s32 $0xFFFFE000  }
0x22: {  	_ =	swait.ge [sflag:s24], $0x2000  }
0x23: {  	[sflag:s24] =	ssyncset.done $0x0  }
0x24: {  	[sflag:s24] =	ssyncadd.s32 $0xFFFFE000  }
0x25: {  	_ =	swait.ge [sflag:s25], $0x2000  }
0x26: {  	[sflag:s25] =	ssyncset.done $0x0  }
0x27: {  	[sflag:s25] =	ssyncadd.s32 $0xFFFFE000  }
0x28: {  	[bflag:$0x0] =	sbarrier.arrive $0xFFFF  }
0x29: {  	s21 =	rddreg [dreg:$0x7]  }
0x2a: {  	[hbm:s21], [sflag:s6] =	dma.local [spmem:s11], $0x1400  }
0x2b: {  	_ =	swait.ge [sflag:s12], $0x1400  }
0x2c: {  	s28 =	sadd.s32 $0x1, s28;
	s23 =	rddreg [dreg:$0x6]  }
0x2d: {  	p0 =	sne.s32 s28, s23  }
.Ltmp1:
0x2e: {  	_ = 	snop;
	(pc) =	sbr.rel @!p0 .LBB2_5-.Ltmp1, $3  }
0x2f: {  	_ =	sdelay $0x1  }
0x30: {  	[sflag:s12] =	ssyncset.done $0x0  }
0x31: {  	[sflag:s12] =	ssyncadd.s32 $0xFFFFEC00  }
.LBB2_1:
0x32: {  	s3 =	rddreg [dreg:$0x3]  }
0x33: {  	[spmem:s11], [sflag:s6] =	dma.local [hbm:s3], $0x1400  }
0x34: {  	_ =	swait.ge [sflag:s12], $0x1400  }
0x35: {  	[sflag:s12] =	ssyncset.done $0x0  }
0x36: {  	s10 =	simm.s32 $0x0;
	s5 =	rddreg [dreg:$0x4];
	[sflag:s12] =	ssyncadd.s32 $0xFFFFEC00  }
0x37: {  	[tilespmem:s10], [sflag:$0x11] =	stream.linear.gather [hbm4b:s5+s10], $0x2800, $0x38;
	[tilespmem:$0x1F000] =	vst v63  }
0x38: {  	_ =	swait.ge [sflag:s12], $0x2800  }
0x39: {  	[sflag:s12] =	ssyncset.done $0x0  }
0x3a: {  	s7 =	simm.s32 $0x2800;
	s21 =	rddreg [dreg:$0x5];
	[sflag:s12] =	ssyncadd.s32 $0xFFFFD800  }
0x3b: {  	[tilespmem:s7], [sflag:$0x11] =	stream.linear.gather [hbm4b:s21+s10], $0x2800, $0x38;
	[tilespmem:$0x1F000] =	vst v63  }
0x3c: {  	_ =	swait.ge [sflag:s12], $0x2800  }
0x3d: {  	[sflag:s12] =	ssyncset.done $0x0  }
0x3e: {  	[sflag:s12] =	ssyncadd.s32 $0xFFFFD800  }
0x3f: {  	[bflag:$0x0] =	sbarrier.arrive $0xFFFF  }
0x40: {  	[tilespmem:s15], [sflag:$0x1] =	stream.indirect.gather [hbm4b:s4+s14], $0x40, s10, s14, $0xb8;
	[tilespmem:$0x1F000] =	vst v63  }
0x41: {  	s23 =	simm.s32 $0x7000  }
0x42: {  	[tilespmem:s23], [sflag:$0x2] =	stream.indirect.gather [hbm4b:s4+s14], $0x40, s14, s14, $0xb8;
	[tilespmem:$0x1F000] =	vst v63  }
0x43: {  	s5 =	simm.s32 $0x100  }
0x44: {  	[tilespmem:s18], [sflag:$0x3] =	stream.indirect.gather [hbm4b:s4+s14], $0x40, s5, s14, $0xb8;
	[tilespmem:$0x1F000] =	vst v63  }
0x45: {  	s7 =	simm.s32 $0x180  }
0x46: {  	[tilespmem:s20], [sflag:$0x4] =	stream.indirect.gather [hbm4b:s4+s14], $0x40, s7, s14, $0xb8;
	[tilespmem:$0x1F000] =	vst v63  }
0x47: {  	s8 =	simm.s32 $0x200  }
0x48: {  	[tilespmem:s22], [sflag:$0x5] =	stream.indirect.gather [hbm4b:s4+s14], $0x40, s8, s14, $0xb8;
	[tilespmem:$0x1F000] =	vst v63  }
0x49: {  	s9 =	simm.s32 $0x280;
	s10 =	simm.s32 $0xF000  }
0x4a: {  	[tilespmem:s10], [sflag:$0x6] =	stream.indirect.gather [hbm4b:s4+s14], $0x40, s9, s14, $0xb8;
	[tilespmem:$0x1F000] =	vst v63  }
0x4b: {  	s21 =	simm.s32 $0x300  }
0x4c: {  	[tilespmem:s26], [sflag:$0x7] =	stream.indirect.gather [hbm4b:s4+s14], $0x40, s21, s14, $0xb8;
	[tilespmem:$0x1F000] =	vst v63  }
0x4d: {  	s23 =	simm.s32 $0x380;
	s5 =	simm.s32 $0x0  }
0x4e: {  	[tilespmem:s29], [sflag:$0x8] =	stream.indirect.gather [hbm4b:s4+s14], $0x40, s23, s14, $0xb8;
	[tilespmem:$0x1F000] =	vst v63  }
.LBB2_2:
0x4f: {  	_ =	swait.ge [sflag:s30], $0x2000  }
0x50: {  	s7 =	sshra.s32 s5, $0x2;
	[sflag:s30] =	ssyncset.done $0x0  }
0x51: {  	p0 =	seq.s32 s5, $0x0;
	s8 =	sadd.s32 $0x2800, s7;
	[sflag:s30] =	ssyncadd.s32 $0xFFFFE000  }
0x52: {  	[spmem:s2] =	stream.indirect.scatter.add.f32 [tilespmem:s15], [sflag:$0x9], $0x40, s8, s14, $0xb8;
	[tilespmem:$0x1F000] =	vst v63  }
0x53: {  	s8 =	simm.s32 @p0 $0x2  }
0x54: {  	_ =	swait.ge @p0 [sflag:s8], $0x2000  }
0x55: {  	[sflag:s8] =	ssyncset.done @p0 $0x0  }
0x56: {  	[sflag:s8] =	ssyncadd.s32 @p0 $0xFFFFE000;
	s8 =	sshra.s32 @p0 s5, $0x2  }
0x57: {  	s10 =	simm.s32 @p0 $0x80;
	s3 =	simm.s32 @p0 $0x7000;
	s9 =	sadd.s32 @p0 $0x2880, s8  }
0x58: {  	[spmem:s2] =	stream.indirect.scatter.add.f32 @p0 [tilespmem:s3], [sflag:$0xA], $0x40, s9, s10, $0xb8;
	[tilespmem:$0x1F000] =	vst v63  }
0x59: {  	s3 =	simm.s32 @!p0 $0xD  }
0x5a: {  	_ =	swait.ge @!p0 [sflag:s3], $0x2000  }
0x5b: {  	[sflag:s3] =	ssyncset.done @!p0 $0x0  }
0x5c: {  	[sflag:s3] =	ssyncadd.s32 @!p0 $0xFFFFE000;
	s3 =	sshra.s32 @!p0 s5, $0x2  }
0x5d: {  	s21 =	simm.s32 @!p0 $0x80;
	s23 =	simm.s32 @!p0 $0xD000;
	s9 =	sadd.s32 @!p0 $0x200, s3  }
0x5e: {  	[tilespmem:s23], [sflag:$0x5] =	stream.indirect.gather @!p0 [hbm4b:s4+s21], $0x40, s9, s21, $0xb8;
	[tilespmem:$0x1F000] =	vst v63  }
0x5f: {  	s9 =	simm.s32 @!p0 $0x2  }
0x60: {  	_ =	swait.ge @!p0 [sflag:s9], $0x2000  }
0x61: {  	[sflag:s9] =	ssyncset.done @!p0 $0x0  }
0x62: {  	s23 =	simm.s32 @!p0 $0x7000;
	[sflag:s9] =	ssyncadd.s32 @!p0 $0xFFFFE000;
	s9 =	sadd.s32 @!p0 $0x2880, s3  }
0x63: {  	[spmem:s2] =	stream.indirect.scatter.add.f32 @!p0 [tilespmem:s23], [sflag:$0xA], $0x40, s9, s21, $0xb8;
	[tilespmem:$0x1F000] =	vst v63  }
0x64: {  	s9 =	simm.s32 @!p0 $0xE  }
0x65: {  	_ =	swait.ge @!p0 [sflag:s9], $0x2000  }
0x66: {  	[sflag:s9] =	ssyncset.done @!p0 $0x0  }
0x67: {  	s23 =	simm.s32 @!p0 $0xF000;
	[sflag:s9] =	ssyncadd.s32 @!p0 $0xFFFFE000;
	s9 =	sadd.s32 @!p0 $0x280, s3  }
0x68: {  	[tilespmem:s23], [sflag:$0x6] =	stream.indirect.gather @!p0 [hbm4b:s4+s21], $0x40, s9, s21, $0xb8;
	[tilespmem:$0x1F000] =	vst v63  }
0x69: {  	_ =	swait.ge [sflag:s31], $0x2000  }
0x6a: {  	[sflag:s31] =	ssyncset.done $0x0  }
0x6b: {  	s23 =	sadd.s32 $0x2900, s7;
	s9 =	simm.s32 @p0 $0x4;
	[sflag:s31] =	ssyncadd.s32 $0xFFFFE000  }
0x6c: {  	[spmem:s2] =	stream.indirect.scatter.add.f32 [tilespmem:s18], [sflag:$0xB], $0x40, s23, s14, $0xb8;
	[tilespmem:$0x1F000] =	vst v63  }
0x6d: {  	_ =	swait.ge @p0 [sflag:s9], $0x2000  }
0x6e: {  	[sflag:s9] =	ssyncset.done @p0 $0x0  }
0x6f: {  	s8 =	sadd.s32 @p0 $0x2980, s8;
	[sflag:s9] =	ssyncadd.s32 @p0 $0xFFFFE000;
	s9 =	simm.s32 @p0 $0xB000  }
0x70: {  	[spmem:s2] =	stream.indirect.scatter.add.f32 @p0 [tilespmem:s9], [sflag:$0xC], $0x40, s8, s10, $0xb8;
	[tilespmem:$0x1F000] =	vst v63  }
0x71: {  	s8 =	simm.s32 @!p0 $0xF  }
0x72: {  	_ =	swait.ge @!p0 [sflag:s8], $0x2000  }
0x73: {  	[sflag:s8] =	ssyncset.done @!p0 $0x0  }
0x74: {  	s9 =	simm.s32 @!p0 $0x11000;
	[sflag:s8] =	ssyncadd.s32 @!p0 $0xFFFFE000;
	s8 =	sadd.s32 @!p0 $0x300, s3  }
0x75: {  	[tilespmem:s9], [sflag:$0x7] =	stream.indirect.gather @!p0 [hbm4b:s4+s21], $0x40, s8, s21, $0xb8;
	[tilespmem:$0x1F000] =	vst v63  }
0x76: {  	s8 =	simm.s32 @!p0 $0x4  }
0x77: {  	_ =	swait.ge @!p0 [sflag:s8], $0x2000  }
0x78: {  	[sflag:s8] =	ssyncset.done @!p0 $0x0  }
0x79: {  	s9 =	simm.s32 @!p0 $0xB000;
	[sflag:s8] =	ssyncadd.s32 @!p0 $0xFFFFE000;
	s8 =	sadd.s32 @!p0 $0x2980, s3  }
0x7a: {  	[spmem:s2] =	stream.indirect.scatter.add.f32 @!p0 [tilespmem:s9], [sflag:$0xC], $0x40, s8, s21, $0xb8;
	[tilespmem:$0x1F000] =	vst v63  }
0x7b: {  	s8 =	simm.s32 @!p0 $0x10  }
0x7c: {  	_ =	swait.ge @!p0 [sflag:s8], $0x2000  }
0x7d: {  	[sflag:s8] =	ssyncset.done @!p0 $0x0  }
0x7e: {  	s3 =	sadd.s32 @!p0 $0x380, s3;
	[sflag:s8] =	ssyncadd.s32 @!p0 $0xFFFFE000;
	s8 =	simm.s32 @!p0 $0x13000  }
0x7f: {  	[tilespmem:s8], [sflag:$0x8] =	stream.indirect.gather @!p0 [hbm4b:s4+s21], $0x40, s3, s21, $0xb8;
	[tilespmem:$0x1F000] =	vst v63  }
0x80: {  	_ =	swait.ge [sflag:s1], $0x2000  }
0x81: {  	[sflag:s1] =	ssyncset.done $0x0  }
0x82: {  	s21 =	sadd.s32 $0x2A00, s7;
	[sflag:s1] =	ssyncadd.s32 $0xFFFFE000  }
0x83: {  	[spmem:s2] =	stream.indirect.scatter.add.f32 [tilespmem:s22], [sflag:$0xD], $0x40, s21, s14, $0xb8;
	[tilespmem:$0x1F000] =	vst v63  }
0x84: {  	_ =	swait.ge [sflag:s0], $0x2000  }
0x85: {  	p0 =	seq.s32 s5, $0x9000;
	[sflag:s0] =	ssyncset.done $0x0  }
0x86: {  	s3 =	simm.s32 @p0 $0x6;
	[sflag:s0] =	ssyncadd.s32 $0xFFFFE000  }
0x87: {  	_ =	swait.ge @p0 [sflag:s3], $0x2000  }
0x88: {  	[sflag:s3] =	ssyncset.done @p0 $0x0  }
0x89: {  	[sflag:s3] =	ssyncadd.s32 @p0 $0xFFFFE000;
	s3 =	sshra.s32 @p0 s5, $0x2  }
0x8a: {  	s8 =	simm.s32 @p0 $0x80;
	s9 =	simm.s32 @p0 $0xF000;
	s3 =	sadd.s32 @p0 $0x2A80, s3  }
0x8b: {  	[spmem:s2] =	stream.indirect.scatter.add.f32 @p0 [tilespmem:s9], [sflag:$0xE], $0x40, s3, s8, $0xb8;
	[tilespmem:$0x1F000] =	vst v63  }
0x8c: {  	s3 =	simm.s32 @p0 $0xA  }
0x8d: {  	_ =	swait.ge @p0 [sflag:s3], $0x2000  }
0x8e: {  	[sflag:s3] =	ssyncset.done @p0 $0x0  }
0x8f: {  	[sflag:s3] =	ssyncadd.s32 @p0 $0xFFFFE000;
	s3 =	sshra.s32 @!p0 s5, $0x2  }
0x90: {  	s10 =	simm.s32 @!p0 $0x5000;
	s9 =	simm.s32 @!p0 $0x80;
	s8 =	sadd.s32 @!p0 $0x400, s3  }
0x91: {  	[tilespmem:s10], [sflag:$0x1] =	stream.indirect.gather @!p0 [hbm4b:s4+s9], $0x40, s8, s9, $0xb8;
	[tilespmem:$0x1F000] =	vst v63  }
0x92: {  	s8 =	simm.s32 @!p0 $0x6  }
0x93: {  	_ =	swait.ge @!p0 [sflag:s8], $0x2000  }
0x94: {  	[sflag:s8] =	ssyncset.done @!p0 $0x0  }
0x95: {  	s10 =	simm.s32 @!p0 $0xF000;
	[sflag:s8] =	ssyncadd.s32 @!p0 $0xFFFFE000;
	s8 =	sadd.s32 @!p0 $0x2A80, s3  }
0x96: {  	[spmem:s2] =	stream.indirect.scatter.add.f32 @!p0 [tilespmem:s10], [sflag:$0xE], $0x40, s8, s9, $0xb8;
	[tilespmem:$0x1F000] =	vst v63  }
0x97: {  	s8 =	simm.s32 @!p0 $0xA  }
0x98: {  	_ =	swait.ge @!p0 [sflag:s8], $0x2000  }
0x99: {  	[sflag:s8] =	ssyncset.done @!p0 $0x0  }
0x9a: {  	s3 =	sadd.s32 @!p0 $0x480, s3;
	[sflag:s8] =	ssyncadd.s32 @!p0 $0xFFFFE000;
	s8 =	simm.s32 @!p0 $0x7000  }
0x9b: {  	[tilespmem:s8], [sflag:$0x2] =	stream.indirect.gather @!p0 [hbm4b:s4+s9], $0x40, s3, s9, $0xb8;
	[tilespmem:$0x1F000] =	vst v63  }
0x9c: {  	_ =	swait.ge [sflag:s13], $0x2000  }
0x9d: {  	[sflag:s13] =	ssyncset.done $0x0  }
.Ltmp2:
0x9e: {  	s23 =	sadd.s32 $0x2B00, s7;
	[sflag:s13] =	ssyncadd.s32 $0xFFFFE000;
	(pc) =	sbr.rel @p0 .LBB2_4-.Ltmp2, $4  }
0x9f: {  	[spmem:s2] =	stream.indirect.scatter.add.f32 [tilespmem:s26], [sflag:$0xF], $0x40, s23, s14, $0xb8;
	[tilespmem:$0x1F000] =	vst v63  }
0xa0: {  	_ =	swait.ge [sflag:s16], $0x2000  }
0xa1: {  	[sflag:s16] =	ssyncset.done $0x0  }
0xa2: {  	s8 =	sadd.s32 $0x2B80, s7;
	[sflag:s16] =	ssyncadd.s32 $0xFFFFE000  }
0xa3: {  	s3 =	sadd.s32 $0x500, s7  }
0xa4: {  	[tilespmem:s18], [sflag:$0x3] =	stream.indirect.gather [hbm4b:s4+s14], $0x40, s3, s14, $0xb8;
	[tilespmem:$0x1F000] =	vst v63  }
0xa5: {  	_ =	swait.ge [sflag:s17], $0x2000  }
0xa6: {  	[sflag:s17] =	ssyncset.done $0x0  }
0xa7: {  	[sflag:s17] =	ssyncadd.s32 $0xFFFFE000  }
0xa8: {  	[spmem:s2] =	stream.indirect.scatter.add.f32 [tilespmem:s29], [sflag:$0x10], $0x40, s8, s14, $0xb8;
	[tilespmem:$0x1F000] =	vst v63  }
.Ltmp3:
0xa9: {  	_ = 	snop;
	(pc) =	sbr.rel .LBB2_2-.Ltmp3, $4  }
0xaa: {  	_ =	swait.ge [sflag:s19], $0x2000  }
0xab: {  	[sflag:s19] =	ssyncset.done $0x0  }
0xac: {  	s23 =	sadd.s32 $0x580, s7;
	s5 =	sadd.s32 $0x1000, s5;
	[sflag:s19] =	ssyncadd.s32 $0xFFFFE000  }
0xad: {  	[tilespmem:s20], [sflag:$0x4] =	stream.indirect.gather [hbm4b:s4+s14], $0x40, s23, s14, $0xb8;
	[tilespmem:$0x1F000] =	vst v63  }
.LBB2_5:
0xae: {  	_ =	sfence.sel $0x180000  }
0xaf: {  	[bflag:$0x0] =	sbarrier.arrive $0xFFFF  }
0xb0: {  	_ =	strace $0x9000004D  }
0xb1: {  	s0 =	stileid.u32;
	[bflag:$0x2] =	sbarrier.arrive $0xFFFF  }
0xb2: {  	p0 =	sne.s32 s0, $0x0;
	s0 =	rddreg [dreg:$0x2]  }
0xb3: {  	s0 =	sadd.s32 @!p0 $0x100000, s0  }
0xb4: {  	[sflag:s0] =	ssyncadd.tile.s32 @!p0 $0x1;
	_ =	shalt  }
.Lfunc_end2:
_tile_overlayer_lowered:
.L_overlay_start_2:
0xb5: {  	(tag) =	ssettag $0x2  }
0xb6: {  	s0 =	rddreg [dreg:$0x0];
	s2 =	stileid.u32  }
0xb7: {  	s1 =	rddreg [dreg:$0x1];
	p0 =	sne.s32 s2, $0x0  }
0xb8: {  	s3 =	rddreg [dreg:$0x2];
	[bflag:$0x3] =	sbarrier.arrive $0xFFFF;
	s2 =	simm.s32 @!p0 $0x1C11  }
0xb9: {  	[timem:s3], [sflag:s2] =	dma.local @!p0 [hbm:s0], s1  }
0xba: {  	s0 =	simm.s32 @!p0 $0x11  }
0xbb: {  	_ =	swait.ge @!p0 [sflag:s0], s1  }
0xbc: {  	s1 =	ssub.s32 @!p0 $0x0, s1;
	[sflag:s0] =	ssyncset.done @!p0 $0x0  }
0xbd: {  	[sflag:s0] =	ssyncadd.s32 @!p0 s1  }
0xbe: {  	[bflag:$0x3] =	sbarrier.arrive $0xFFFF  }
0xbf: {  	_ =	shalt  }

// kernel: kernel.18.cloned.1.call-start
scs
__scs_entry_jumppad:
0x0: {  	(pc) =	sbr.rel $0x88, $3  }
0x1: {  	(tag) =	ssettag $0x0;
	lr =	simm.s32 $0x1  }
0x2: {  	[smem:$0x3F98] =	sst lr;
	_ =	strace $0xD0000000  }
0x3: {  	_ = 	snop  }
0x4: {  	_ = 	snop  }
0x5: {  	_ = 	snop  }
0x6: {  	_ = 	snop  }
0x7: {  	_ = 	snop  }
__scs_overlays_trampoline_lowered:
0x8: {  	[smem:$0x3FA7] =	sst s0  }
0x9: {  	[smem:$0x3FA8] =	sst s1  }
0xa: {  	[smem:$0x3FA9] =	sst s2  }
0xb: {  	[smem:$0x3FAA] =	sst s3  }
0xc: {  	[smem:$0x3FAB] =	sst s4  }
0xd: {  	[smem:$0x3FAC] =	sst s5  }
0xe: {  	[smem:$0x3FAD] =	sst s6  }
0xf: {  	[smem:$0x3FAE] =	sst s7  }
0x10: {  	[smem:$0x3FAF] =	sst s8  }
0x11: {  	[smem:$0x3FB0] =	sst s9;
	s0 =	simm.s32 @!p0 $0x0  }
0x12: {  	s1 =	sld [smem:$0x3F96];
	s0 =	simm.s32 @p0 $0x1  }
0x13: {  	[smem:$0x3FB1] =	sst s0;
	s0 =	simm.s32 @!p1 $0x0  }
0x14: {  	s2 =	sld [smem:$0x3F95];
	s0 =	simm.s32 @p1 $0x1  }
0x15: {  	[smem:$0x3FB2] =	sst s0;
	s0 =	simm.s32 @!p2 $0x0  }
0x16: {  	s3 =	sld [smem:$0x3FDB];
	s0 =	simm.s32 @p2 $0x1  }
0x17: {  	s4 =	simm.s32 $0x1BF5;
	[smem:$0x3FB4] =	sst s0  }
0x18: {  	s0 =	sld [smem:$0x3F97];
	_ =	swait.ge [sflag:s4], $0x0  }
0x19: {  	s7 =	sld [smem:$0x3F98]  }
0x1a: {  	s8 =	sadd.s32 $0xFFFFE003, lr  }
0x1b: {  	s9 =	sadd.s32 $0xFFFFFEF7, lr;
	s5 =	simm.s32 $0xFFFFFFFF;
	p2 =	slt.u32 s8, $0xFFFFF086  }
0x1c: {  	p1 =	slt.u32 s9, $0xF7A;
	s5 =	simm.s32 @!p2 $0x0  }
0x1d: {  	s5 =	simm.s32 @p1 $0x1;
	p0 =	seq.s32 s7, s2  }
0x1e: {  	s7 =	smul.u32 @!p0 $0xF7A, s2;
	p2 =	seq.s32 @!p0 s5, $0x0  }
0x1f: {  	s9 =	smul.u32 $0xF7A, s1;
	s8 =	simm.s32 @!p0 $0x1BF5;
	p2 =	por !p2, p0  }
0x20: {  	[sflag:s8] =	ssyncset.s32 @!p0 $0xFFFFF086;
	s6 =	sadd.s32 @!p0 s3, s7;
	s7 =	simm.s32 @!p0 $0x108  }
0x21: {  	s3 =	sadd.s32 s3, s9;
	s6 =	sadd.s32 @!p0 $0x88, s6;
	s7 =	simm.s32 @p2 $0x1082  }
0x22: {  	[simem:s7], [sflag:s8] =	dma.local @!p0 [hbm:s6], $0xF7A  }
0x23: {  	s9 =	sor.u32 $0xD0000000, s2;
	s6 =	simm.s32 $0x108;
	_ =	swait.ge @!p0 [sflag:s8], $0x0  }
0x24: {  	s3 =	sadd.s32 $0x88, s3;
	s6 =	simm.s32 @!p1 $0x1082;
	[sflag:s4] =	ssyncset.s32 $0xFFFFF086  }
0x25: {  	[simem:s6], [sflag:s4] =	dma.local [hbm:s3], $0xF7A  }
0x26: {  	[smem:$0x3F98] =	sst s1;
	(tag) =	ssettag s2;
	_ =	strace s9  }
0x27: {  	s1 =	sld [smem:$0x3FA8]  }
0x28: {  	s2 =	sld [smem:$0x3FA9]  }
0x29: {  	s4 =	sld [smem:$0x3FAB]  }
0x2a: {  	p0 =	seq.s32 s5, $0x0;
	s5 =	sld [smem:$0x3FAC]  }
0x2b: {  	s6 =	sld [smem:$0x3FAD]  }
0x2c: {  	s7 =	sld [smem:$0x3FAE]  }
0x2d: {  	s3 =	simm.s32 $0x108;
	s8 =	sld [smem:$0x3FAF]  }
0x2e: {  	s3 =	simm.s32 @!p0 $0x1082;
	s9 =	sld [smem:$0x3FB0]  }
0x2f: {  	lr =	sadd.s32 s0, s3;
	s0 =	sld [smem:$0x3FA7]  }
0x30: {  	s3 =	sld [smem:$0x3FAA]  }
0x31: {  	[smem:$0x3FB3] =	sst s10  }
0x32: {  	s10 =	sld [smem:$0x3FB1];
	_ =	sdelay $0x3  }
0x33: {  	p0 =	seq.s32 s10, $0x1;
	s10 =	sld [smem:$0x3FB3];
	_ =	sdelay $0x3  }
0x34: {  	[smem:$0x3FB3] =	sst s10  }
0x35: {  	s10 =	sld [smem:$0x3FB2];
	_ =	sdelay $0x3  }
0x36: {  	p1 =	seq.s32 s10, $0x1;
	s10 =	sld [smem:$0x3FB3];
	_ =	sdelay $0x3  }
0x37: {  	[smem:$0x3FB3] =	sst s10  }
0x38: {  	s10 =	sld [smem:$0x3FB4]  }
0x39: {  	_ = 	snop;
	(pc) =	sbr.ind lr, $3  }
0x3a: {  	_ = 	snop  }
0x3b: {  	_ = 	snop  }
0x3c: {  	p2 =	seq.s32 s10, $0x1;
	s10 =	sld [smem:$0x3FB3]  }
0x3d: {  	_ =	shalt  }
0x3e: {  	_ =	shalt  }
0x3f: {  	_ =	shalt  }
0x40: {  	_ =	shalt  }
0x41: {  	_ =	shalt  }
0x42: {  	_ =	shalt  }
0x43: {  	_ =	shalt  }
0x44: {  	_ =	shalt  }
0x45: {  	_ =	shalt  }
0x46: {  	_ =	shalt  }
0x47: {  	_ =	shalt  }
0x48: {  	_ =	shalt  }
0x49: {  	_ =	shalt  }
0x4a: {  	_ =	shalt  }
0x4b: {  	_ =	shalt  }
0x4c: {  	_ =	shalt  }
0x4d: {  	_ =	shalt  }
0x4e: {  	_ =	shalt  }
0x4f: {  	_ =	shalt  }
0x50: {  	_ =	shalt  }
0x51: {  	_ =	shalt  }
0x52: {  	_ =	shalt  }
0x53: {  	_ =	shalt  }
0x54: {  	_ =	shalt  }
0x55: {  	_ =	shalt  }
0x56: {  	_ =	shalt  }
0x57: {  	_ =	shalt  }
0x58: {  	_ =	shalt  }
0x59: {  	_ =	shalt  }
0x5a: {  	_ =	shalt  }
0x5b: {  	_ =	shalt  }
0x5c: {  	_ =	shalt  }
0x5d: {  	_ =	shalt  }
0x5e: {  	_ =	shalt  }
0x5f: {  	_ =	shalt  }
0x60: {  	_ =	shalt  }
0x61: {  	_ =	shalt  }
0x62: {  	_ =	shalt  }
0x63: {  	_ =	shalt  }
0x64: {  	_ =	shalt  }
0x65: {  	_ =	shalt  }
0x66: {  	_ =	shalt  }
0x67: {  	_ =	shalt  }
0x68: {  	_ =	shalt  }
0x69: {  	_ =	shalt  }
0x6a: {  	_ =	shalt  }
0x6b: {  	_ =	shalt  }
0x6c: {  	_ =	shalt  }
0x6d: {  	_ =	shalt  }
0x6e: {  	_ =	shalt  }
0x6f: {  	_ =	shalt  }
0x70: {  	_ =	shalt  }
0x71: {  	_ =	shalt  }
0x72: {  	_ =	shalt  }
0x73: {  	_ =	shalt  }
0x74: {  	_ =	shalt  }
0x75: {  	_ =	shalt  }
0x76: {  	_ =	shalt  }
0x77: {  	_ =	shalt  }
0x78: {  	_ =	shalt  }
0x79: {  	_ =	shalt  }
0x7a: {  	_ =	shalt  }
0x7b: {  	_ =	shalt  }
0x7c: {  	_ =	shalt  }
0x7d: {  	_ =	shalt  }
0x7e: {  	_ =	shalt  }
0x7f: {  	_ =	shalt  }
0x80: {  	_ =	shalt  }
0x81: {  	_ =	shalt  }
0x82: {  	_ =	shalt  }
0x83: {  	_ =	shalt  }
0x84: {  	_ =	shalt  }
0x85: {  	_ =	shalt  }
0x86: {  	_ =	shalt  }
0x87: {  	_ =	shalt  }
.Lfunc_end0:
.L_simem_size_0:
called_computation.3_lowered:
.L_overlay_start_0:
0x88: {  	s2 =	sld [smem:$0x3FD9]  }
0x89: {  	s3 =	sld [smem:$0x3FFE];
	_ =	sdelay $0x1  }
0x8a: {  	s1 =	srdreg.scid  }
0x8b: {  	s0 =	sand.u32 $0x1, s1  }
0x8c: {  	s17 =	sshll.u32 s0, $0xA;
	s2 =	sadd.s32 s3, s2  }
0x8d: {  	s2 =	sadd.s32 s2, s17  }
0x8e: {  	[smem:$0x3FBF] =	sst s2  }
0x8f: {  	_ = 	snop  }
0x90: {  	s2 =	sld [smem:$0x3FD0];
	(tm) =	ssettm $0x1  }
0x91: {  	s18 =	sld [smem:$0x3FFB];
	_ =	sdelay $0x3  }
0x92: {  	_ =	strace s18  }
0x93: {  	s3 =	sld [smem:$0x3FFC];
	_ =	sdelay $0x3  }
0x94: {  	_ =	strace s3  }
0x95: {  	s3 =	sld [smem:$0x3FFD];
	_ =	sdelay $0x3  }
0x96: {  	_ =	strace s3  }
0x97: {  	_ =	strace $0x8FFFFFFF  }
0x98: {  	s19 =	sld [smem:$0x3FDB];
	_ =	sdelay $0x1  }
0x99: {  	s4 =	simm.s32 $_scs_section_size  }
0x9a: {  	s5 =	simm.s32 $_size__tile_overlayer_lowered;
	s6 =	simm.s32 $_tile_overlayer_lowered  }
0x9b: {  	s22 =	simm.s32 $0x1BFF;
	s21 =	sshll.u32 s6, $0x1;
	s3 =	sadd.s32 s4, s19  }
0x9c: {  	s7 =	simm.s32 $0x0;
	s20 =	sshll.u32 s5, $0x1;
	s5 =	sadd.s32 s21, s3  }
0x9d: {  	[timem:s7], [sflag:s22] =	dma.local [hbm:s5], s20  }
0x9e: {  	_ =	swait.ge [sflag:s22], s20  }
0x9f: {  	s4 =	ssub.s32 $0x0, s20;
	[sflag:s22] =	ssyncset.done $0x0  }
0xa0: {  	[sflag:s22] =	ssyncadd.s32 s4;
	_ =	sdelay $0x1  }
0xa1: {  	s23 =	simm.s32 $0x1B8B  }
0xa2: {  	_ =	swait.ge [sflag:s23], $0x1  }
0xa3: {  	[sflag:s23] =	ssyncset.done $0x0  }
0xa4: {  	s25 =	simm.s32 $0x1B8E;
	s24 =	sld [smem:$0x3FFE];
	[sflag:s23] =	ssyncadd.s32 $0xFFFFFFFF  }
0xa5: {  	s26 =	simm.s32 $execute0_lowered;
	[smem:$0x3FD2] =	sst s25  }
0xa6: {  	s5 =	sshll.u32 s26, $0x1;
	_ =	strace $0x8000004F;
	[dreg:$0x1] =	wrdreg $0xFFFFFFFF  }
0xa7: {  	s28 =	simm.s32 $_size_execute0_lowered;
	s3 =	sadd.s32 s3, s5;
	[dreg:$0x0] =	wrdreg $0x0  }
0xa8: {  	s5 =	sshll.u32 s28, $0x1;
	[dreg:$0x2] =	wrdreg s3  }
0xa9: {  	[dreg:$0x3] =	wrdreg s5  }
0xaa: {  	[dreg:$0x4] =	wrdreg $0xC0  }
0xab: {  	_ =	task [dreg:s7], $0x5FFFF  }
0xac: {  	[dreg:$0x1] =	wrdreg $0xFFFFFFFF  }
0xad: {  	[dreg:$0x0] =	wrdreg $0x60  }
0xae: {  	[dreg:$0x2] =	wrdreg s24  }
0xaf: {  	[dreg:$0x3] =	wrdreg s2  }
0xb0: {  	[dreg:$0x4] =	wrdreg $0x9  }
0xb1: {  	_ =	task.clear_ibuf [dreg:s7], $0x5FFFF;
	_ =	strace $0x9000004F  }
0xb2: {  	s29 =	simm.s32 $0x9;
	_ =	strace $0x80000051  }
0xb3: {  	_ =	swait.ge [sflag:s29], $0x1  }
0xb4: {  	[sflag:s29] =	ssyncadd.s32 $0xFFFFFFFF  }
0xb5: {  	_ =	strace $0x90000051  }
0xb6: {  	_ =	sfence  }
0xb7: {  	s30 =	sld [smem:$0x0];
	_ =	sdelay $0x2  }
0xb8: {  	s31 =	sshll.u32 s1, $0xD;
	s1 =	sshrl.u32 s1, $0x2  }
0xb9: {  	s3 =	sand.u32 $0x4000, s31;
	s1 =	sadd.s32 s1, s30  }
0xba: {  	s0 =	sor.u32 s3, s0;
	s1 =	sshll.u32 s1, $0x11  }
0xbb: {  	s0 =	sor.u32 s1, s0  }
0xbc: {  	s0 =	sadd.s32 $0x8F2B, s0  }
0xbd: {  	[sflag:s0] =	ssyncadd.remote.s32 $0x1  }
0xbe: {  	_ =	sfence.sel $0xFFFF  }
0xbf: {  	[dreg:$0x0] =	wrdreg $0xFFFFFFFF;
	(pc) =	sbr.abs _section_cstart, $3  }
0xc0: {  	[dreg:$0x1] =	wrdreg $0xFFFFFFFF  }
0xc1: {  	_ =	task.clear_ibuf [dreg:s7], $0x2FFFF;
	_ =	strace $0x9FFFFFFF  }
0xc2: {  	(tm) =	ssettm $0x7FFFFFFF  }
0xc3: {  	_ =	shalt  }
tec
execute0_lowered:
.L_overlay_start_1:
0x0: {  	(tag) =	ssettag $0x1  }
0x1: {  	s4 =	rddreg [dreg:$0x0]  }
0x2: {  	s0 =	srdreg.scid;
	s6 =	rddreg [dreg:$0x1]  }
0x3: {  	s2 =	simm.s32 $0x0;
	s10 =	simm.s32 $0x680;
	s3 =	sand.u32 $0x1, s0  }
0x4: {  	s0 =	stileid.u32;
	[smem:$0x7FF] =	sst s2;
	s1 =	sshll.u32 s3, $0x4  }
0x5: {  	s7 =	ssub.s32 $0x2, s3;
	s3 =	sadd.s32 $0x3200, s4;
	s11 =	sor.u32 s0, s1  }
0x6: {  	s1 =	rddreg [dreg:$0x2];
	s31 =	sshrl.u32 s7, $0x1;
	s5 =	smul.u32 $0x640, s11  }
0x7: {  	_ =	strace $0x80000050;
	s7 =	ssub.s32 s7, s31;
	p0 =	seq.s32 s11, $0x1F  }
0x8: {  	s11 =	simm.s32 $0x0;
	s7 =	smax.u32 s7, $0x1;
	s8 =	sshrl.u32 s5, $0x3  }
0x9: {  	s9 =	sadd.s32 s8, s4;
	s6 =	sadd.s32 s6, s8;
	s8 =	simm.s32 $0xD00  }
0xa: {  	s4 =	sadd.s32 $0x67200, s9;
	s5 =	sadd.s32 $0x68B00, s9;
	s9 =	simm.s32 $0x1  }
.LBB2_1:
0xb: {  	[tilespmem:s8], [sflag:$0x1] =	stream.linear.gather [hbm4b:s3+s2], $0x5000, $0x38;
	[tilespmem:$0x6380] =	vst v63  }
0xc: {  	_ =	swait.ge [sflag:s9], $0x5000  }
0xd: {  	[sflag:s9] =	ssyncset.done $0x0  }
0xe: {  	[sflag:s9] =	ssyncadd.s32 $0xFFFFB000  }
0xf: {  	[tilespmem:s2], [sflag:$0x1] =	stream.linear.gather [hbm4b:s4+s2], $0x640, $0x38;
	[tilespmem:$0x6380] =	vst v63  }
0x10: {  	_ =	swait.ge [sflag:s9], $0x640  }
0x11: {  	[sflag:s9] =	ssyncset.done $0x0  }
0x12: {  	[sflag:s9] =	ssyncadd.s32 $0xFFFFF9C0  }
0x13: {  	[tilespmem:s10], [sflag:$0x1] =	stream.linear.gather [hbm4b:s5+s2], $0x640, $0x38;
	[tilespmem:$0x6380] =	vst v63  }
0x14: {  	_ =	swait.ge [sflag:s9], $0x640  }
0x15: {  	[sflag:s9] =	ssyncset.done $0x0  }
0x16: {  	s13 =	simm.s32 $0x0;
	[sflag:s9] =	ssyncadd.s32 $0xFFFFF9C0  }
0x17: {  	v0 =	vld [tilespmem:s13+$0x680];
	_ =	sdelay $0x4  }
0x18: {  	v2 =	vadd.s32 $0x2800, v0;
	v0 =	vld [tilespmem:s13+$0x0];
	_ =	sdelay $0x4  }
0x19: {  	s12 =	simm.s32 $0x10  }
0x1a: {  	v1 =	vld [tilespmem:s12+$0x680]  }
0x1b: {  	s14 =	simm.s32 $0x80;
	v2 =	vld.idx.msk [tilespmem:v2+s8+$0x0], $0xffff  }
.LBB2_2:
0x1c: {  	p1 =	sne.s32 s14, $0x18C0;
	v3 =	vld.idx.msk [tilespmem:v0+s8+$0x0], $0xffff;
	_ =	sdelay $0x1  }
0x1d: {  	v0 =	vld [tilespmem:s12+$0x0];
	_ =	sdelay $0x1  }
0x1e: {  	v4 =	vadd.s32 $0x2800, v1  }
.Ltmp0:
0x1f: {  	(pc) =	sbr.rel @p1 .LBB2_2-.Ltmp0, $4  }
0x20: {  	v2 =	vadd.f32 v2, v3  }
0x21: {  	s15 =	sshra.s32 s14, $0x2  }
0x22: {  	v1 =	vld [tilespmem:s15+$0x680];
	[tilespmem:s13+$0x5D00] =	vst v2;
	s13 =	smov.u32 s12;
	s12 =	smov.u32 s15  }
0x23: {  	s14 =	sadd.s32 $0x40, s14;
	v2 =	vld.idx.msk [tilespmem:v4+s8+$0x0], $0xffff  }
0x24: {  	_ =	sdelay $0x3  }
0x25: {  	v0 =	vld.idx.msk [tilespmem:v0+s8+$0x0], $0xffff  }
0x26: {  	v3 =	vld [tilespmem:s12+$0x0];
	_ =	sdelay $0x1  }
0x27: {  	v1 =	vadd.s32 $0x2800, v1;
	_ =	sdelay $0x1  }
0x28: {  	v0 =	vadd.f32 v2, v0;
	_ =	sdelay $0x1  }
0x29: {  	[tilespmem:s13+$0x5D00] =	vst v0  }
0x2a: {  	v0 =	vld.idx.msk [tilespmem:v1+s8+$0x0], $0xffff  }
0x2b: {  	v63 =	vld.idx.msk [tilespmem:v3+s8+$0x0], $0xffff;
	_ =	sdelay $0x4  }
0x2c: {  	v0 =	vadd.f32 v0, v63;
	_ =	sdelay $0x1  }
0x2d: {  	s13 =	simm.s32 @p0 $0x5D00;
	[tilespmem:s12+$0x5D00] =	vst v0;
	s12 =	simm.s32 @p0 $0x0  }
0x2e: {  	[hbm4b:s6+s12] =	stream.linear.scatter @p0 [tilespmem:s13], [sflag:$0x1], $0x190, $0x38;
	[tilespmem:$0x6380] =	vst v63  }
0x2f: {  	s12 =	simm.s32 @p0 $0x1  }
0x30: {  	s11 =	sadd.s32 $0x1, s11;
	_ =	swait.ge @p0 [sflag:s12], $0x190  }
0x31: {  	p1 =	sne.s32 s11, s7;
	[sflag:s12] =	ssyncset.done @p0 $0x0  }
0x32: {  	s13 =	simm.s32 @!p0 $0x5D00;
	[sflag:s12] =	ssyncadd.s32 @p0 $0xFFFFFE70;
	s12 =	simm.s32 @!p0 $0x0  }
0x33: {  	[hbm4b:s6+s12] =	stream.linear.scatter @!p0 [tilespmem:s13], [sflag:$0x1], $0x640, $0x38;
	[tilespmem:$0x6380] =	vst v63  }
.Ltmp1:
0x34: {  	_ = 	snop;
	(pc) =	sbr.rel @p1 .LBB2_1-.Ltmp1, $4  }
0x35: {  	s12 =	simm.s32 @!p0 $0x1  }
0x36: {  	_ =	swait.ge @!p0 [sflag:s12], $0x640  }
0x37: {  	[sflag:s12] =	ssyncset.done @!p0 $0x0  }
0x38: {  	[sflag:s12] =	ssyncadd.s32 @!p0 $0xFFFFF9C0  }
0x39: {  	_ =	sfence.sel $0x180000  }
0x3a: {  	[bflag:$0x0] =	sbarrier.arrive $0xFFFF  }
0x3b: {  	p0 =	sne.s32 s0, $0x0;
	_ =	strace $0x90000050  }
0x3c: {  	s0 =	sadd.s32 @!p0 $0x100000, s1;
	[bflag:$0x2] =	sbarrier.arrive $0xFFFF  }
0x3d: {  	[sflag:s0] =	ssyncadd.tile.s32 @!p0 $0x1;
	_ =	shalt  }
.Lfunc_end2:
_tile_overlayer_lowered:
.L_overlay_start_2:
0x3e: {  	(tag) =	ssettag $0x2  }
0x3f: {  	s0 =	rddreg [dreg:$0x0];
	s2 =	stileid.u32  }
0x40: {  	s1 =	rddreg [dreg:$0x1];
	p0 =	sne.s32 s2, $0x0  }
0x41: {  	s3 =	rddreg [dreg:$0x2];
	[bflag:$0x3] =	sbarrier.arrive $0xFFFF;
	s2 =	simm.s32 @!p0 $0x1C01  }
0x42: {  	[timem:s3], [sflag:s2] =	dma.local @!p0 [hbm:s0], s1  }
0x43: {  	s0 =	simm.s32 @!p0 $0x1  }
0x44: {  	_ =	swait.ge @!p0 [sflag:s0], s1  }
0x45: {  	s1 =	ssub.s32 @!p0 $0x0, s1;
	[sflag:s0] =	ssyncset.done @!p0 $0x0  }
0x46: {  	[sflag:s0] =	ssyncadd.s32 @!p0 s1  }
0x47: {  	[bflag:$0x3] =	sbarrier.arrive $0xFFFF  }
0x48: {  	_ =	shalt  }

// kernel: kernel.9.cloned.1.call-start
scs
__scs_entry_jumppad:
0x0: {  	(pc) =	sbr.rel $0x88, $3  }
0x1: {  	(tag) =	ssettag $0x0;
	lr =	simm.s32 $0x1  }
0x2: {  	[smem:$0x3F98] =	sst lr;
	_ =	strace $0xD0000000  }
0x3: {  	_ = 	snop  }
0x4: {  	_ = 	snop  }
0x5: {  	_ = 	snop  }
0x6: {  	_ = 	snop  }
0x7: {  	_ = 	snop  }
__scs_overlays_trampoline_lowered:
0x8: {  	[smem:$0x3FA7] =	sst s0  }
0x9: {  	[smem:$0x3FA8] =	sst s1  }
0xa: {  	[smem:$0x3FA9] =	sst s2  }
0xb: {  	[smem:$0x3FAA] =	sst s3  }
0xc: {  	[smem:$0x3FAB] =	sst s4  }
0xd: {  	[smem:$0x3FAC] =	sst s5  }
0xe: {  	[smem:$0x3FAD] =	sst s6  }
0xf: {  	[smem:$0x3FAE] =	sst s7  }
0x10: {  	[smem:$0x3FAF] =	sst s8  }
0x11: {  	[smem:$0x3FB0] =	sst s9;
	s0 =	simm.s32 @!p0 $0x0  }
0x12: {  	s1 =	sld [smem:$0x3F96];
	s0 =	simm.s32 @p0 $0x1  }
0x13: {  	[smem:$0x3FB1] =	sst s0;
	s0 =	simm.s32 @!p1 $0x0  }
0x14: {  	s2 =	sld [smem:$0x3F95];
	s0 =	simm.s32 @p1 $0x1  }
0x15: {  	[smem:$0x3FB2] =	sst s0;
	s0 =	simm.s32 @!p2 $0x0  }
0x16: {  	s3 =	sld [smem:$0x3FDB];
	s0 =	simm.s32 @p2 $0x1  }
0x17: {  	s4 =	simm.s32 $0x1BF5;
	[smem:$0x3FB4] =	sst s0  }
0x18: {  	s0 =	sld [smem:$0x3F97];
	_ =	swait.ge [sflag:s4], $0x0  }
0x19: {  	s7 =	sld [smem:$0x3F98]  }
0x1a: {  	s8 =	sadd.s32 $0xFFFFE003, lr  }
0x1b: {  	s9 =	sadd.s32 $0xFFFFFEF7, lr;
	s5 =	simm.s32 $0xFFFFFFFF;
	p2 =	slt.u32 s8, $0xFFFFF086  }
0x1c: {  	p1 =	slt.u32 s9, $0xF7A;
	s5 =	simm.s32 @!p2 $0x0  }
0x1d: {  	s5 =	simm.s32 @p1 $0x1;
	p0 =	seq.s32 s7, s2  }
0x1e: {  	s7 =	smul.u32 @!p0 $0xF7A, s2;
	p2 =	seq.s32 @!p0 s5, $0x0  }
0x1f: {  	s9 =	smul.u32 $0xF7A, s1;
	s8 =	simm.s32 @!p0 $0x1BF5;
	p2 =	por !p2, p0  }
0x20: {  	[sflag:s8] =	ssyncset.s32 @!p0 $0xFFFFF086;
	s6 =	sadd.s32 @!p0 s3, s7;
	s7 =	simm.s32 @!p0 $0x108  }
0x21: {  	s3 =	sadd.s32 s3, s9;
	s6 =	sadd.s32 @!p0 $0x88, s6;
	s7 =	simm.s32 @p2 $0x1082  }
0x22: {  	[simem:s7], [sflag:s8] =	dma.local @!p0 [hbm:s6], $0xF7A  }
0x23: {  	s9 =	sor.u32 $0xD0000000, s2;
	s6 =	simm.s32 $0x108;
	_ =	swait.ge @!p0 [sflag:s8], $0x0  }
0x24: {  	s3 =	sadd.s32 $0x88, s3;
	s6 =	simm.s32 @!p1 $0x1082;
	[sflag:s4] =	ssyncset.s32 $0xFFFFF086  }
0x25: {  	[simem:s6], [sflag:s4] =	dma.local [hbm:s3], $0xF7A  }
0x26: {  	[smem:$0x3F98] =	sst s1;
	(tag) =	ssettag s2;
	_ =	strace s9  }
0x27: {  	s1 =	sld [smem:$0x3FA8]  }
0x28: {  	s2 =	sld [smem:$0x3FA9]  }
0x29: {  	s4 =	sld [smem:$0x3FAB]  }
0x2a: {  	p0 =	seq.s32 s5, $0x0;
	s5 =	sld [smem:$0x3FAC]  }
0x2b: {  	s6 =	sld [smem:$0x3FAD]  }
0x2c: {  	s7 =	sld [smem:$0x3FAE]  }
0x2d: {  	s3 =	simm.s32 $0x108;
	s8 =	sld [smem:$0x3FAF]  }
0x2e: {  	s3 =	simm.s32 @!p0 $0x1082;
	s9 =	sld [smem:$0x3FB0]  }
0x2f: {  	lr =	sadd.s32 s0, s3;
	s0 =	sld [smem:$0x3FA7]  }
0x30: {  	s3 =	sld [smem:$0x3FAA]  }
0x31: {  	[smem:$0x3FB3] =	sst s10  }
0x32: {  	s10 =	sld [smem:$0x3FB1];
	_ =	sdelay $0x3  }
0x33: {  	p0 =	seq.s32 s10, $0x1;
	s10 =	sld [smem:$0x3FB3];
	_ =	sdelay $0x3  }
0x34: {  	[smem:$0x3FB3] =	sst s10  }
0x35: {  	s10 =	sld [smem:$0x3FB2];
	_ =	sdelay $0x3  }
0x36: {  	p1 =	seq.s32 s10, $0x1;
	s10 =	sld [smem:$0x3FB3];
	_ =	sdelay $0x3  }
0x37: {  	[smem:$0x3FB3] =	sst s10  }
0x38: {  	s10 =	sld [smem:$0x3FB4]  }
0x39: {  	_ = 	snop;
	(pc) =	sbr.ind lr, $3  }
0x3a: {  	_ = 	snop  }
0x3b: {  	_ = 	snop  }
0x3c: {  	p2 =	seq.s32 s10, $0x1;
	s10 =	sld [smem:$0x3FB3]  }
0x3d: {  	_ =	shalt  }
0x3e: {  	_ =	shalt  }
0x3f: {  	_ =	shalt  }
0x40: {  	_ =	shalt  }
0x41: {  	_ =	shalt  }
0x42: {  	_ =	shalt  }
0x43: {  	_ =	shalt  }
0x44: {  	_ =	shalt  }
0x45: {  	_ =	shalt  }
0x46: {  	_ =	shalt  }
0x47: {  	_ =	shalt  }
0x48: {  	_ =	shalt  }
0x49: {  	_ =	shalt  }
0x4a: {  	_ =	shalt  }
0x4b: {  	_ =	shalt  }
0x4c: {  	_ =	shalt  }
0x4d: {  	_ =	shalt  }
0x4e: {  	_ =	shalt  }
0x4f: {  	_ =	shalt  }
0x50: {  	_ =	shalt  }
0x51: {  	_ =	shalt  }
0x52: {  	_ =	shalt  }
0x53: {  	_ =	shalt  }
0x54: {  	_ =	shalt  }
0x55: {  	_ =	shalt  }
0x56: {  	_ =	shalt  }
0x57: {  	_ =	shalt  }
0x58: {  	_ =	shalt  }
0x59: {  	_ =	shalt  }
0x5a: {  	_ =	shalt  }
0x5b: {  	_ =	shalt  }
0x5c: {  	_ =	shalt  }
0x5d: {  	_ =	shalt  }
0x5e: {  	_ =	shalt  }
0x5f: {  	_ =	shalt  }
0x60: {  	_ =	shalt  }
0x61: {  	_ =	shalt  }
0x62: {  	_ =	shalt  }
0x63: {  	_ =	shalt  }
0x64: {  	_ =	shalt  }
0x65: {  	_ =	shalt  }
0x66: {  	_ =	shalt  }
0x67: {  	_ =	shalt  }
0x68: {  	_ =	shalt  }
0x69: {  	_ =	shalt  }
0x6a: {  	_ =	shalt  }
0x6b: {  	_ =	shalt  }
0x6c: {  	_ =	shalt  }
0x6d: {  	_ =	shalt  }
0x6e: {  	_ =	shalt  }
0x6f: {  	_ =	shalt  }
0x70: {  	_ =	shalt  }
0x71: {  	_ =	shalt  }
0x72: {  	_ =	shalt  }
0x73: {  	_ =	shalt  }
0x74: {  	_ =	shalt  }
0x75: {  	_ =	shalt  }
0x76: {  	_ =	shalt  }
0x77: {  	_ =	shalt  }
0x78: {  	_ =	shalt  }
0x79: {  	_ =	shalt  }
0x7a: {  	_ =	shalt  }
0x7b: {  	_ =	shalt  }
0x7c: {  	_ =	shalt  }
0x7d: {  	_ =	shalt  }
0x7e: {  	_ =	shalt  }
0x7f: {  	_ =	shalt  }
0x80: {  	_ =	shalt  }
0x81: {  	_ =	shalt  }
0x82: {  	_ =	shalt  }
0x83: {  	_ =	shalt  }
0x84: {  	_ =	shalt  }
0x85: {  	_ =	shalt  }
0x86: {  	_ =	shalt  }
0x87: {  	_ =	shalt  }
.Lfunc_end0:
.L_simem_size_0:
called_computation_lowered:
.L_overlay_start_0:
0x88: {  	s2 =	sld [smem:$0x3FD9]  }
0x89: {  	s3 =	sld [smem:$0x3FFE];
	_ =	sdelay $0x1  }
0x8a: {  	s1 =	srdreg.scid  }
0x8b: {  	s0 =	sand.u32 $0x1, s1  }
0x8c: {  	s17 =	sshll.u32 s0, $0xA;
	s2 =	sadd.s32 s3, s2  }
0x8d: {  	s2 =	sadd.s32 s2, s17  }
0x8e: {  	[smem:$0x3FBF] =	sst s2  }
0x8f: {  	_ = 	snop  }
0x90: {  	s2 =	sld [smem:$0x3FD0];
	(tm) =	ssettm $0x1  }
0x91: {  	s18 =	sld [smem:$0x3FFB];
	_ =	sdelay $0x3  }
0x92: {  	_ =	strace s18  }
0x93: {  	s3 =	sld [smem:$0x3FFC];
	_ =	sdelay $0x3  }
0x94: {  	_ =	strace s3  }
0x95: {  	s3 =	sld [smem:$0x3FFD];
	_ =	sdelay $0x3  }
0x96: {  	_ =	strace s3  }
0x97: {  	_ =	strace $0x8FFFFFFF  }
0x98: {  	s19 =	sld [smem:$0x3FDB];
	_ =	sdelay $0x1  }
0x99: {  	s4 =	simm.s32 $_scs_section_size  }
0x9a: {  	s5 =	simm.s32 $_size__tile_overlayer_lowered;
	s6 =	simm.s32 $_tile_overlayer_lowered  }
0x9b: {  	s22 =	simm.s32 $0x1BFF;
	s21 =	sshll.u32 s6, $0x1;
	s3 =	sadd.s32 s4, s19  }
0x9c: {  	s7 =	simm.s32 $0x0;
	s20 =	sshll.u32 s5, $0x1;
	s5 =	sadd.s32 s21, s3  }
0x9d: {  	[timem:s7], [sflag:s22] =	dma.local [hbm:s5], s20  }
0x9e: {  	_ =	swait.ge [sflag:s22], s20  }
0x9f: {  	s4 =	ssub.s32 $0x0, s20;
	[sflag:s22] =	ssyncset.done $0x0  }
0xa0: {  	[sflag:s22] =	ssyncadd.s32 s4;
	_ =	sdelay $0x1  }
0xa1: {  	s23 =	simm.s32 $0x1B8B  }
0xa2: {  	_ =	swait.ge [sflag:s23], $0x1  }
0xa3: {  	[sflag:s23] =	ssyncset.done $0x0  }
0xa4: {  	s25 =	simm.s32 $0x1B8E;
	s24 =	sld [smem:$0x3FFE];
	[sflag:s23] =	ssyncadd.s32 $0xFFFFFFFF  }
0xa5: {  	s26 =	simm.s32 $execute0_lowered;
	[smem:$0x3FD2] =	sst s25  }
0xa6: {  	s5 =	sshll.u32 s26, $0x1;
	_ =	strace $0x80000046;
	[dreg:$0x1] =	wrdreg $0xFFFFFFFF  }
0xa7: {  	s28 =	simm.s32 $_size_execute0_lowered;
	s3 =	sadd.s32 s3, s5;
	[dreg:$0x0] =	wrdreg $0x0  }
0xa8: {  	s5 =	sshll.u32 s28, $0x1;
	[dreg:$0x2] =	wrdreg s3  }
0xa9: {  	[dreg:$0x3] =	wrdreg s5  }
0xaa: {  	[dreg:$0x4] =	wrdreg $0xC0  }
0xab: {  	_ =	task [dreg:s7], $0x5FFFF  }
0xac: {  	[dreg:$0x1] =	wrdreg $0xFFFFFFFF  }
0xad: {  	[dreg:$0x0] =	wrdreg $0x60  }
0xae: {  	[dreg:$0x2] =	wrdreg s24  }
0xaf: {  	[dreg:$0x3] =	wrdreg s2  }
0xb0: {  	[dreg:$0x4] =	wrdreg $0x28800  }
0xb1: {  	[dreg:$0x5] =	wrdreg $0x9  }
0xb2: {  	_ =	task.clear_ibuf [dreg:s7], $0x6FFFF;
	_ =	strace $0x90000046  }
0xb3: {  	s29 =	simm.s32 $0x9;
	_ =	strace $0x80000048  }
0xb4: {  	_ =	swait.ge [sflag:s29], $0x1  }
0xb5: {  	[sflag:s29] =	ssyncadd.s32 $0xFFFFFFFF  }
0xb6: {  	_ =	strace $0x90000048  }
0xb7: {  	_ =	sfence  }
0xb8: {  	s30 =	sld [smem:$0x0];
	_ =	sdelay $0x2  }
0xb9: {  	s31 =	sshll.u32 s1, $0xD;
	s1 =	sshrl.u32 s1, $0x2  }
0xba: {  	s3 =	sand.u32 $0x4000, s31;
	s1 =	sadd.s32 s1, s30  }
0xbb: {  	s0 =	sor.u32 s3, s0;
	s1 =	sshll.u32 s1, $0x11  }
0xbc: {  	s0 =	sor.u32 s1, s0  }
0xbd: {  	s0 =	sadd.s32 $0x8F2B, s0  }
0xbe: {  	[sflag:s0] =	ssyncadd.remote.s32 $0x1  }
0xbf: {  	_ =	sfence.sel $0xFFFF  }
0xc0: {  	[dreg:$0x0] =	wrdreg $0xFFFFFFFF;
	(pc) =	sbr.abs _section_cstart, $3  }
0xc1: {  	[dreg:$0x1] =	wrdreg $0xFFFFFFFF  }
0xc2: {  	_ =	task.clear_ibuf [dreg:s7], $0x2FFFF;
	_ =	strace $0x9FFFFFFF  }
0xc3: {  	(tm) =	ssettm $0x7FFFFFFF  }
tec
execute0_lowered:
.L_overlay_start_1:
0x0: {  	(tag) =	ssettag $0x1  }
0x1: {  	s7 =	rddreg [dreg:$0x0]  }
0x2: {  	s5 =	rddreg [dreg:$0x1]  }
0x3: {  	s1 =	rddreg [dreg:$0x2]  }
0x4: {  	s0 =	rddreg [dreg:$0x3];
	s2 =	simm.s32 $0x0  }
0x5: {  	s3 =	srdreg.scid;
	s12 =	simm.s32 $0x17A00;
	s13 =	simm.s32 $0x80  }
0x6: {  	s14 =	simm.s32 $0x1;
	s15 =	simm.s32 $0x0;
	[smem:$0x7FF] =	sst s2  }
0x7: {  	s6 =	sand.u32 $0x1, s3;
	s3 =	stileid.u32;
	s4 =	sadd.s32 $0x17200, s7  }
0x8: {  	s8 =	ssub.s32 $0x2, s6;
	s10 =	smul.u32 $0x280, s3;
	s11 =	sshll.u32 s6, $0x4  }
0x9: {  	p0 =	seq.s32 s6, $0x1;
	s9 =	sshrl.u32 s8, $0x1;
	s29 =	sor.u32 s3, s11  }
0xa: {  	s31 =	sshll.u32 s3, $0x6;
	s8 =	ssub.s32 s8, s9;
	s9 =	smul.u32 $0x2800, s29  }
0xb: {  	_ =	strace $0x80000047;
	s12 =	simm.s32 @!p0 $0x17400;
	s6 =	sor.u32 $0x1C02, s31  }
0xc: {  	s11 =	simm.s32 $0x2;
	s30 =	sadd.s32 s10, s1;
	s9 =	sshrl.u32 s9, $0x3  }
0xd: {  	s10 =	sshrl.u32 s10, $0x3;
	s12 =	sadd.s32 s12, s7;
	s9 =	sadd.s32 s7, s9  }
0xe: {  	s5 =	sadd.s32 s5, s10;
	s8 =	smax.u32 s8, $0x1;
	s7 =	sadd.s32 $0xD200, s9  }
0xf: {  	s9 =	sadd.s32 s12, s10;
	s10 =	sshrl.u32 s30, $0x3;
	s12 =	simm.s32 $0x2800  }
.LBB2_1:
0x10: {  	[spmem:s10], [sflag:s6] =	dma.local [hbm:s5], $0x50  }
0x11: {  	_ =	swait.ge [sflag:s11], $0x50  }
0x12: {  	[sflag:s11] =	ssyncset.done $0x0  }
0x13: {  	[sflag:s11] =	ssyncadd.s32 $0xFFFFFFB0  }
0x14: {  	[tilespmem:s12], [sflag:$0x2] =	stream.linear.gather [hbm4b:s4+s2], $0x80, $0x38;
	[tilespmem:$0x2B00] =	vst v63  }
0x15: {  	_ =	swait.ge [sflag:s11], $0x80  }
0x16: {  	[sflag:s11] =	ssyncset.done $0x0  }
0x17: {  	[sflag:s11] =	ssyncadd.s32 $0xFFFFFF80  }
0x18: {  	[tilespmem:s2], [sflag:$0x2] =	stream.linear.gather [hbm4b:s7+s2], $0x2800, $0x38;
	[tilespmem:$0x2B00] =	vst v63  }
0x19: {  	_ =	swait.ge [sflag:s11], $0x2800  }
0x1a: {  	[sflag:s11] =	ssyncset.done $0x0  }
0x1b: {  	[sflag:s11] =	ssyncadd.s32 $0xFFFFD800  }
0x1c: {  	s16 =	simm.s32 $0x0;
	[bflag:$0x0] =	sbarrier.arrive $0xFFFF  }
.LBB2_2:
0x1d: {  	p0 =	sne.s32 s16, $0x9E00  }
.Ltmp0:
0x1e: {  	_ = 	snop;
	(pc) =	sbr.rel @p0 .LBB2_2-.Ltmp0, $3  }
0x1f: {  	_ =	sdelay $0x1  }
0x20: {  	s17 =	sshra.s32 s16, $0x2;
	s16 =	sadd.s32 $0x200, s16  }
0x21: {  	[spmem:s1] =	stream.indirect.scatter.add.f32 [tilespmem:s12], [sflag:$0x1], $0x1, s17, s13, $0xb8;
	[tilespmem:$0x2B00] =	vst v63  }
0x22: {  	_ =	swait.ge [sflag:s14], $0x80  }
0x23: {  	s16 =	simm.s32 $0x4F;
	[sflag:s14] =	ssyncset.done $0x0  }
.LBB2_4:
0x24: {  	p0 =	sne.s32 s16, $0x1;
	s16 =	sadd.s32 $0xFFFFFFFF, s16;
	[sflag:s14] =	ssyncadd.s32 $0xFFFFFF80  }
.Ltmp1:
0x25: {  	(pc) =	sbr.rel @p0 .LBB2_4-.Ltmp1, $3  }
0x26: {  	_ =	sdelay $0x1  }
0x27: {  	_ =	swait.ge [sflag:s14], $0x80  }
0x28: {  	[sflag:s14] =	ssyncset.done $0x0  }
0x29: {  	s15 =	sadd.s32 $0x1, s15  }
0x2a: {  	[sflag:s14] =	ssyncadd.s32 $0xFFFFFF80;
	p0 =	sne.s32 s15, s8  }
.Ltmp2:
0x2b: {  	[bflag:$0x0] =	sbarrier.arrive $0xFFFF;
	(pc) =	sbr.rel @p0 .LBB2_1-.Ltmp2, $4  }
0x2c: {  	[hbm:s9], [sflag:s6] =	dma.local [spmem:s10], $0x50  }
0x2d: {  	_ =	swait.ge [sflag:s11], $0x50  }
0x2e: {  	[sflag:s11] =	ssyncset.done $0x0  }
0x2f: {  	[sflag:s11] =	ssyncadd.s32 $0xFFFFFFB0  }
0x30: {  	_ =	sfence.sel $0x180000  }
0x31: {  	[bflag:$0x0] =	sbarrier.arrive $0xFFFF  }
0x32: {  	p0 =	sne.s32 s3, $0x0;
	_ =	strace $0x90000047  }
0x33: {  	s0 =	sadd.s32 @!p0 $0x100000, s0;
	[bflag:$0x2] =	sbarrier.arrive $0xFFFF  }
0x34: {  	[sflag:s0] =	ssyncadd.tile.s32 @!p0 $0x1;
	_ =	shalt  }
.Lfunc_end2:
_tile_overlayer_lowered:
.L_overlay_start_2:
0x35: {  	(tag) =	ssettag $0x2  }
0x36: {  	s0 =	rddreg [dreg:$0x0];
	s2 =	stileid.u32  }
0x37: {  	s1 =	rddreg [dreg:$0x1];
	p0 =	sne.s32 s2, $0x0  }
0x38: {  	s3 =	rddreg [dreg:$0x2];
	[bflag:$0x3] =	sbarrier.arrive $0xFFFF;
	s2 =	simm.s32 @!p0 $0x1C02  }
0x39: {  	[timem:s3], [sflag:s2] =	dma.local @!p0 [hbm:s0], s1  }
0x3a: {  	s0 =	simm.s32 @!p0 $0x2  }
0x3b: {  	_ =	swait.ge @!p0 [sflag:s0], s1  }
0x3c: {  	s1 =	ssub.s32 @!p0 $0x0, s1;
	[sflag:s0] =	ssyncset.done @!p0 $0x0  }
0x3d: {  	[sflag:s0] =	ssyncadd.s32 @!p0 s1  }
0x3e: {  	[bflag:$0x3] =	sbarrier.arrive $0xFFFF  }
0x3f: {  	_ =	shalt  }

</sc_bundles>
